<compile_context>
chip_gen: v7x
topology: tpu7x:2x2x1
jax: 0.10.2.dev20260603
libtpu: 0.0.44.dev20260713+nightly
codegen_flags: <defaults>
</compile_context>

<pallas_src>
import functools

import jax
import jax.numpy as jnp
from jax import lax
from jax.experimental import pallas as pl
from jax.experimental.pallas import tpu as pltpu
from jax.experimental.pallas import tpu_sc as plsc

N = 10000
E = 320000
D = 128

NC = 2
NS = 16
NW = NC * NS

EPW = E // NW
CHUNK = 80
NCHUNK = 125
NPAD = 10240
RPT = NPAD // NS

_mesh = plsc.VectorSubcoreMesh(core_axis_name="c", subcore_axis_name="s")



@functools.partial(
    pl.kernel,
    out_type=jax.ShapeDtypeStruct((NC, NS, N + 240), jnp.float32),
    mesh=_mesh,
    compiler_params=pltpu.CompilerParams(needs_layout_passes=False),
    scratch_types=[
        pltpu.VMEM((EPW,), jnp.int32),
        pltpu.VMEM((N + 240,), jnp.float32),
    ],
)
def _sc_degree(dst_hbm, out_hbm, dst_v, hist):
    c = lax.axis_index("c")
    s = lax.axis_index("s")
    wid = s * NC + c

    zero16 = jnp.zeros((16,), jnp.float32)

    def zb(j, carry):
        hist[pl.ds(j * 16, 16)] = zero16
        return carry

    lax.fori_loop(0, (N + 240) // 16, zb, 0)

    pltpu.sync_copy(dst_hbm.at[pl.ds(wid * EPW, EPW)], dst_v)

    ones16 = jnp.ones((16,), jnp.float32)

    def step(j, carry):
        idx = dst_v[pl.ds(j * 16, 16)]
        plsc.addupdate_scatter(hist, [idx], ones16)
        return carry

    lax.fori_loop(0, EPW // 16, step, 0)

    pltpu.sync_copy(hist, out_hbm.at[c, s])


@functools.partial(
    pl.kernel,
    out_type=jax.ShapeDtypeStruct((NC, NPAD, D), jnp.float32),
    mesh=_mesh,
    compiler_params=pltpu.CompilerParams(needs_layout_passes=False),
    scratch_types=[
        pltpu.VMEM((2, CHUNK), jnp.int32),
        pltpu.VMEM((2, CHUNK), jnp.int32),
        pltpu.VMEM((2, CHUNK), jnp.int32),
        pltpu.VMEM((CHUNK, D), jnp.float32),
        pltpu.VMEM((CHUNK, D), jnp.float32),
        pltpu.VMEM((CHUNK, D), jnp.float32),
        pltpu.VMEM_SHARED((NPAD, D), jnp.float32),
        pltpu.SemaphoreType.DMA,
        pltpu.SemaphoreType.DMA,
        pltpu.SemaphoreType.DMA,
        pltpu.SemaphoreType.DMA,
        pltpu.SemaphoreType.DMA,
        pltpu.SemaphoreType.DMA,
    ],
)
def _sc_edge_scatter(y_hbm, sdg_hbm, out_hbm,
                     sd0, sd1, sd2, rows0, rows1, rows2, acc,
                     seml0, seml1, seml2, semg0, semg1, semg2):
    c = lax.axis_index("c")
    s = lax.axis_index("s")
    wid = s * NC + c

    zero16 = jnp.zeros((16,), jnp.float32)

    def zb(j, carry):
        for k in range(8):
            rows0[j, pl.ds(k * 16, 16)] = zero16
        return carry

    lax.fori_loop(0, CHUNK, zb, 0)

    for m in range(RPT // 80):
        pltpu.sync_copy(rows0.at[pl.ds(0, 80)],
                        acc.at[pl.ds(s * RPT + m * 80, 80)])

    sds = (sd0, sd1, sd2)
    rowss = (rows0, rows1, rows2)
    semls = (seml0, seml1, seml2)
    semgs = (semg0, semg1, semg2)

    def idxload(i, b):
        pltpu.async_copy(sdg_hbm.at[wid, i], sds[b], semls[b])

    def lwait(b):
        pltpu.make_async_copy(sdg_hbm.at[wid, 0], sds[b], semls[b]).wait()

    def gather(i, b):
        pltpu.async_copy(y_hbm.at[sds[b].at[0]], rowss[b], semgs[b])

    def gwait(b):
        pltpu.make_async_copy(y_hbm.at[pl.ds(0, CHUNK)], rowss[b],
                              semgs[b]).wait()

    def scatter(b):
        pltpu.sync_copy(rowss[b], acc.at[sds[b].at[1]], add=True)

    idxload(0, 0)
    idxload(1, 1)
    idxload(2, 2)
    lwait(0)
    gather(0, 0)
    lwait(1)
    gather(1, 1)

    plsc.subcore_barrier()

    def chunk_steady(i, b):
        gwait(b)
        scatter(b)
        idxload(i + 3, b)
        b2 = (b + 2) % 3
        lwait(b2)
        gather(i + 2, b2)

    def step(m, carry):
        i = 3 * m
        chunk_steady(i, 0)
        chunk_steady(i + 1, 1)
        chunk_steady(i + 2, 2)
        return carry

    lax.fori_loop(0, (NCHUNK - 5) // 3, step, 0)

    t = NCHUNK - 5
    chunk_steady(t, 0)
    chunk_steady(t + 1, 1)
    gwait(2)
    scatter(2)
    lwait(1)
    gather(t + 4, 1)
    gwait(0)
    scatter(0)
    gwait(1)
    scatter(1)

    plsc.subcore_barrier()

    pltpu.sync_copy(acc.at[pl.ds(s * RPT, RPT)],
                    out_hbm.at[c, pl.ds(s * RPT, RPT)])



BLK = 5000
GRID = N // BLK


def _ln(h, w, b):
    mu = jnp.mean(h, axis=1, keepdims=True)
    var = jnp.mean((h - mu) * (h - mu), axis=1, keepdims=True)
    return (h - mu) * lax.rsqrt(var + 1e-5) * w + b


def _dinv(degt):
    return lax.rsqrt(jnp.sum(degt, axis=1, keepdims=True) + 1.0)


def _tc_pre_body(x_ref, degt_ref, lnw_ref, lnb_ref, w_ref, o_ref):
    h = _ln(x_ref[...], lnw_ref[...], lnb_ref[...])
    o_ref[...] = _dinv(degt_ref[...]) * jnp.dot(
        h, w_ref[...], preferred_element_type=jnp.float32)


def _tc_mid_body(acca_ref, accb_ref, y_ref, degt_ref, b_ref,
                 lnw_ref, lnb_ref, w_ref, o_ref):
    dinv = _dinv(degt_ref[...])
    t = dinv * (acca_ref[0] + accb_ref[0] + y_ref[...]) + b_ref[...]
    t = jnp.maximum(t, 0.0)
    h = _ln(t, lnw_ref[...], lnb_ref[...])
    o_ref[...] = dinv * jnp.dot(h, w_ref[...],
                                preferred_element_type=jnp.float32)


def _tc_post_body(acca_ref, accb_ref, y_ref, degt_ref, b_ref,
                  lnw_ref, lnb_ref, o_ref):
    dinv = _dinv(degt_ref[...])
    t = dinv * (acca_ref[0] + accb_ref[0] + y_ref[...]) + b_ref[...]
    t = jnp.maximum(t, 0.0)
    h = _ln(t, lnw_ref[...], lnb_ref[...])

    i = pl.program_id(0)

    @pl.when(i == 0)
    def _():
        o_ref[...] = jnp.zeros_like(o_ref)

    o_ref[...] += jnp.sum(h, axis=0, keepdims=True) * (1.0 / N)


_row_spec = pl.BlockSpec((BLK, D), lambda i: (i, 0))
_deg_spec = pl.BlockSpec((BLK, NW), lambda i: (i, 0))
_vec_spec = pl.BlockSpec((1, D), lambda i: (0, 0))
_mat_spec = pl.BlockSpec((D, D), lambda i: (0, 0))
_acca_spec = pl.BlockSpec((1, BLK, D), lambda i: (0, i, 0))
_accb_spec = pl.BlockSpec((1, BLK, D), lambda i: (1, i, 0))


def _row_out(shape):
    return dict(out_specs=_row_spec,
                out_shape=jax.ShapeDtypeStruct(shape, jnp.float32))



def kernel(x, edge_index, ln0_w, ln0_b, W1, b1, ln1_w, ln1_b, W2, b2,
           ln2_w, ln2_b):
    dst = edge_index[1]
    sdg = edge_index.reshape(2, NW, NCHUNK, CHUNK).transpose(1, 2, 0, 3)

    ln0_w = ln0_w.reshape(1, D)
    ln0_b = ln0_b.reshape(1, D)
    ln1_w = ln1_w.reshape(1, D)
    ln1_b = ln1_b.reshape(1, D)
    ln2_w = ln2_w.reshape(1, D)
    ln2_b = ln2_b.reshape(1, D)
    b1 = b1.reshape(1, D)
    b2 = b2.reshape(1, D)

    deg_parts = _sc_degree(dst)
    degt = deg_parts.reshape(NW, N + 240).T[:N]

    y1 = pl.pallas_call(
        _tc_pre_body,
        grid=(GRID,),
        in_specs=[_row_spec, _deg_spec, _vec_spec, _vec_spec, _mat_spec],
        **_row_out((N, D)),
    )(x, degt, ln0_w, ln0_b, W1)

    acc1 = _sc_edge_scatter(y1, sdg)

    y2 = pl.pallas_call(
        _tc_mid_body,
        grid=(GRID,),
        in_specs=[_acca_spec, _accb_spec, _row_spec, _deg_spec,
                  _vec_spec, _vec_spec, _vec_spec, _mat_spec],
        **_row_out((N, D)),
    )(acc1, acc1, y1, degt, b1, ln1_w, ln1_b, W2)

    acc2 = _sc_edge_scatter(y2, sdg)

    out = pl.pallas_call(
        _tc_post_body,
        grid=(GRID,),
        in_specs=[_acca_spec, _accb_spec, _row_spec, _deg_spec,
                  _vec_spec, _vec_spec, _vec_spec],
        out_specs=pl.BlockSpec((1, D), lambda i: (0, 0)),
        out_shape=jax.ShapeDtypeStruct((1, D), jnp.float32),
    )(acc2, acc2, y2, degt, b2, ln2_w, ln2_b)

    return out

# --- scband reference (transcript-rebuilt; emitter-appended) ---
"""Pipeline reference for scband-intra-gcn-61967788146853 (READ-ONLY COPY).

The authoritative reference and input builder live on the scoring server;
editing this copy changes nothing except your own understanding.
"""

import jax, jax.numpy as jnp
import numpy as np

N = 10000
E = 320000
D_IN = 128
D_H = 128
D_OUT = 128


def layer_norm(x, w, b):
    mu = jnp.mean(x, axis=-1, keepdims=True)
    var = jnp.var(x, axis=-1, keepdims=True)
    return (x - mu) / jnp.sqrt(var + 1e-5) * w + b


def gcn_conv(x, edge_index, W, b):
    # Faithful PyG GCNConv: linear transform, add self loops, symmetric normalization,
    # message = norm * x_w[src], aggregate (scatter-add) at dst, plus bias.
    n = x.shape[0]
    src = edge_index[0]
    dst = edge_index[1]
    loop = jnp.arange(n, dtype=edge_index.dtype)
    src = jnp.concatenate([src, loop])
    dst = jnp.concatenate([dst, loop])
    deg = jnp.zeros((n,), dtype=x.dtype).at[dst].add(1.0)
    dinv = jnp.where(deg > 0, 1.0 / jnp.sqrt(deg), 0.0)
    norm = dinv[src] * dinv[dst]
    xw = x @ W
    msg = jnp.take(xw, src, axis=0) * norm[:, None]
    out = jax.ops.segment_sum(msg, dst, num_segments=n)
    return out + b


def setup_inputs(seed: int = 0) -> dict:
    key = jax.random.key(seed)
    ks = jax.random.split(key, 6)
    x = jax.random.normal(ks[0], (N, D_IN), dtype=jnp.float32)
    edge_index = jax.random.randint(ks[1], (2, E), 0, N, dtype=jnp.int32)
    W1 = jax.random.normal(ks[2], (D_IN, D_H), dtype=jnp.float32) * (1.0 / np.sqrt(D_IN))
    b1 = jnp.zeros((D_H,), dtype=jnp.float32)
    W2 = jax.random.normal(ks[3], (D_H, D_OUT), dtype=jnp.float32) * (1.0 / np.sqrt(D_H))
    b2 = jnp.zeros((D_OUT,), dtype=jnp.float32)
    ln0_w = jnp.ones((D_IN,), dtype=jnp.float32)
    ln0_b = jnp.zeros((D_IN,), dtype=jnp.float32)
    ln1_w = jnp.ones((D_H,), dtype=jnp.float32)
    ln1_b = jnp.zeros((D_H,), dtype=jnp.float32)
    ln2_w = jnp.ones((D_OUT,), dtype=jnp.float32)
    ln2_b = jnp.zeros((D_OUT,), dtype=jnp.float32)
    return {"x": x, "edge_index": edge_index, "ln0_w": ln0_w, "ln0_b": ln0_b,
            "W1": W1, "b1": b1, "ln1_w": ln1_w, "ln1_b": ln1_b,
            "W2": W2, "b2": b2, "ln2_w": ln2_w, "ln2_b": ln2_b}


def reference(x, edge_index, ln0_w, ln0_b, W1, b1, ln1_w, ln1_b, W2, b2, ln2_w, ln2_b):
    h = layer_norm(x, ln0_w, ln0_b)
    h = gcn_conv(h, edge_index, W1, b1)
    h = jax.nn.relu(h)
    h = layer_norm(h, ln1_w, ln1_b)
    # dropout is identity in eval mode
    h = gcn_conv(h, edge_index, W2, b2)
    h = jax.nn.relu(h)
    h = layer_norm(h, ln2_w, ln2_b)
    # global_mean_pool with batch = zeros -> mean over all nodes, shape [1, D_OUT]
    return jnp.mean(h, axis=0, keepdims=True)

if __name__ == "__main__":
    import jax
    _d = setup_inputs()
    print(jax.jit(kernel)(*tuple(_d.values())))

</pallas_src>

<mosaic_0001>
#map = affine_map<(d0, d1) -> (0)>
#map1 = affine_map<(d0, d1) -> (0, 0, 0)>
module attributes {stable_mosaic.version = 14 : i64} {
  func.func @_sc_degree(%arg0: i32, %arg1: i32, %arg2: memref<320000xi32, #tpu.memory_space<hbm>>, %arg3: memref<2x16x10240xf32, #tpu.memory_space<hbm>>, %arg4: memref<10000xi32, #tpu.memory_space<vmem>>, %arg5: memref<10240xf32, #tpu.memory_space<vmem>>) attributes {dimension_semantics = [#tpu.dimension_semantics<core_parallel>, #tpu.dimension_semantics<subcore_parallel>], iteration_bounds = array<i64: 2, 16>, scalar_prefetch = 0 : i64, scratch_operands = 2 : i64, tpu.core_type = #tpu.core_type<sc_vector_subcore>, window_params = [{transform_indices = #map}, {transform_indices = #map1}]} {
    %mul3A = arith.constant 2 : i32
    %mul3A_0 = arith.muli %arg1, %mul3A : i32
    %add3A = arith.addi %mul3A_0, %arg0 : i32
    %broadcast_in_dim3A = arith.constant 0.000000e+00 : f32
    %broadcast_in_dim3A_1 = vector.broadcast %broadcast_in_dim3A : f32 to vector<16xf32>
    %scan3A = arith.constant 0 : i32
    %scan3A_2 = arith.constant 0 : i32
    %scan3A_3 = arith.constant 640 : i32
    %scan3A_4 = arith.addi %scan3A_2, %scan3A_3 : i32
    %scan3A_5 = arith.constant 1 : i32
    scf.for %scan3A_17 = %scan3A_2 to %scan3A_4 step %scan3A_5  : i32 {
      %mul3A_18 = arith.constant 16 : i32
      %mul3A_19 = arith.muli %scan3A_17, %mul3A_18 : i32
      %swap3A = arith.index_cast %mul3A_19 : i32 to index
      %swap3A_20 = tpu.vector_load %arg5[%swap3A] {strides = array<i32>} : memref<10240xf32, #tpu.memory_space<vmem>>, vector<16xf32>,
      tpu.vector_store %arg5[%swap3A], %broadcast_in_dim3A_1 {strides = array<i32>} : memref<10240xf32, #tpu.memory_space<vmem>>, vector<16xf32>,
    }
    %scan3A_6 = arith.constant 640 : i32
    %mul3A_7 = arith.constant 10000 : i32
    %mul3A_8 = arith.muli %add3A, %mul3A_7 : i32
    "tpu.region"() ({
      %run_scoped3A = tpu.sem_alloc : memref<!tpu.dma_semaphore, #tpu.memory_space<semaphore_mem>>
      %dma_start3A = tpu.memref_slice %arg2[%mul3A_8] : memref<320000xi32, #tpu.memory_space<hbm>> -> memref<10000xi32, #tpu.memory_space<hbm>>
      %dma_start3A_17 = tpu.memref_slice %arg2[%mul3A_8] : memref<320000xi32, #tpu.memory_space<hbm>> -> memref<10000xi32, #tpu.memory_space<hbm>>
      tpu.enqueue_dma source(%dma_start3A_17 : memref<10000xi32, #tpu.memory_space<hbm>>) target(%arg4 : memref<10000xi32, #tpu.memory_space<vmem>>) target_semaphore(%run_scoped3A : memref<!tpu.dma_semaphore, #tpu.memory_space<semaphore_mem>>)
      %dma_wait3A = tpu.memref_slice %arg2[%mul3A_8] : memref<320000xi32, #tpu.memory_space<hbm>> -> memref<10000xi32, #tpu.memory_space<hbm>>
      %dma_wait3A_18 = tpu.memref_slice %arg2[%mul3A_8] : memref<320000xi32, #tpu.memory_space<hbm>> -> memref<10000xi32, #tpu.memory_space<hbm>>
      tpu.wait_dma2 semaphore(%run_scoped3A : memref<!tpu.dma_semaphore, #tpu.memory_space<semaphore_mem>>) src(%dma_wait3A_18 : memref<10000xi32, #tpu.memory_space<hbm>>) dst(%arg4 : memref<10000xi32, #tpu.memory_space<vmem>>)
      tpu.yield
    }) : () -> ()
    %broadcast_in_dim3A_9 = arith.constant 1.000000e+00 : f32
    %broadcast_in_dim3A_10 = vector.broadcast %broadcast_in_dim3A_9 : f32 to vector<16xf32>
    %scan3A_11 = arith.constant 0 : i32
    %scan3A_12 = arith.constant 0 : i32
    %scan3A_13 = arith.constant 625 : i32
    %scan3A_14 = arith.addi %scan3A_12, %scan3A_13 : i32
    %scan3A_15 = arith.constant 1 : i32
    scf.for %scan3A_17 = %scan3A_12 to %scan3A_14 step %scan3A_15  : i32 {
      %mul3A_18 = arith.constant 16 : i32
      %mul3A_19 = arith.muli %scan3A_17, %mul3A_18 : i32
      %get3A = arith.index_cast %mul3A_19 : i32 to index
      %get3A_20 = tpu.vector_load %arg4[%get3A] {strides = array<i32>} : memref<10000xi32, #tpu.memory_space<vmem>>, vector<16xi32>,
      tpu.vector_store_idx %arg5[%get3A_20], %broadcast_in_dim3A_10 {add = true} : memref<10240xf32, #tpu.memory_space<vmem>>[vector<16xi32>], vector<16xf32>,
    }
    %scan3A_16 = arith.constant 625 : i32
    "tpu.region"() ({
      %run_scoped3A = tpu.sem_alloc : memref<!tpu.dma_semaphore, #tpu.memory_space<semaphore_mem>>
      %dma_start3A = arith.constant 0 : i32
      %dma_start3A_17 = tpu.memref_slice %arg3[%arg0, %arg1, %dma_start3A] : memref<2x16x10240xf32, #tpu.memory_space<hbm>> -> memref<1x1x10240xf32, #tpu.memory_space<hbm>>
      %dma_start3A_18 = tpu.memref_squeeze %dma_start3A_17 : memref<1x1x10240xf32, #tpu.memory_space<hbm>> -> memref<10240xf32, #tpu.memory_space<hbm>>
      %dma_start3A_19 = arith.constant 0 : i32
      %dma_start3A_20 = tpu.memref_slice %arg3[%arg0, %arg1, %dma_start3A_19] : memref<2x16x10240xf32, #tpu.memory_space<hbm>> -> memref<1x1x10240xf32, #tpu.memory_space<hbm>>
      %dma_start3A_21 = tpu.memref_squeeze %dma_start3A_20 : memref<1x1x10240xf32, #tpu.memory_space<hbm>> -> memref<10240xf32, #tpu.memory_space<hbm>>
      tpu.enqueue_dma source(%arg5 : memref<10240xf32, #tpu.memory_space<vmem>>) target(%dma_start3A_21 : memref<10240xf32, #tpu.memory_space<hbm>>) target_semaphore(%run_scoped3A : memref<!tpu.dma_semaphore, #tpu.memory_space<semaphore_mem>>)
      %dma_wait3A = arith.constant 0 : i32
      %dma_wait3A_22 = tpu.memref_slice %arg3[%arg0, %arg1, %dma_wait3A] : memref<2x16x10240xf32, #tpu.memory_space<hbm>> -> memref<1x1x10240xf32, #tpu.memory_space<hbm>>
      %dma_wait3A_23 = tpu.memref_squeeze %dma_wait3A_22 : memref<1x1x10240xf32, #tpu.memory_space<hbm>> -> memref<10240xf32, #tpu.memory_space<hbm>>
      %dma_wait3A_24 = arith.constant 0 : i32
      %dma_wait3A_25 = tpu.memref_slice %arg3[%arg0, %arg1, %dma_wait3A_24] : memref<2x16x10240xf32, #tpu.memory_space<hbm>> -> memref<1x1x10240xf32, #tpu.memory_space<hbm>>
      %dma_wait3A_26 = tpu.memref_squeeze %dma_wait3A_25 : memref<1x1x10240xf32, #tpu.memory_space<hbm>> -> memref<10240xf32, #tpu.memory_space<hbm>>
      tpu.wait_dma2 semaphore(%run_scoped3A : memref<!tpu.dma_semaphore, #tpu.memory_space<semaphore_mem>>) src(%arg5 : memref<10240xf32, #tpu.memory_space<vmem>>) dst(%dma_wait3A_26 : memref<10240xf32, #tpu.memory_space<hbm>>)
      tpu.yield
    }) : () -> ()
    return
  }
}

#map = affine_map<(d0, d1) -> (0, 0)>
#map1 = affine_map<(d0, d1) -> (0, 0, 0, 0)>
#map2 = affine_map<(d0, d1) -> (0, 0, 0)>
module attributes {stable_mosaic.version = 14 : i64} {
  func.func @_sc_edge_scatter(%arg0: i32, %arg1: i32, %arg2: memref<10000x128xf32, #tpu.memory_space<hbm>>, %arg3: memref<32x125x2x80xi32, #tpu.memory_space<hbm>>, %arg4: memref<2x10240x128xf32, #tpu.memory_space<hbm>>, %arg5: memref<2x80xi32, #tpu.memory_space<vmem>>, %arg6: memref<2x80xi32, #tpu.memory_space<vmem>>, %arg7: memref<2x80xi32, #tpu.memory_space<vmem>>, %arg8: memref<80x128xf32, #tpu.memory_space<vmem>>, %arg9: memref<80x128xf32, #tpu.memory_space<vmem>>, %arg10: memref<80x128xf32, #tpu.memory_space<vmem>>, %arg11: memref<10240x128xf32, #tpu.memory_space<vmem_shared>>, %arg12: memref<!tpu.dma_semaphore, #tpu.memory_space<semaphore_mem>>, %arg13: memref<!tpu.dma_semaphore, #tpu.memory_space<semaphore_mem>>, %arg14: memref<!tpu.dma_semaphore, #tpu.memory_space<semaphore_mem>>, %arg15: memref<!tpu.dma_semaphore, #tpu.memory_space<semaphore_mem>>, %arg16: memref<!tpu.dma_semaphore, #tpu.memory_space<semaphore_mem>>, %arg17: memref<!tpu.dma_semaphore, #tpu.memory_space<semaphore_mem>>) attributes {dimension_semantics = [#tpu.dimension_semantics<core_parallel>, #tpu.dimension_semantics<subcore_parallel>], iteration_bounds = array<i64: 2, 16>, scalar_prefetch = 0 : i64, scratch_operands = 13 : i64, tpu.core_type = #tpu.core_type<sc_vector_subcore>, window_params = [{transform_indices = #map}, {transform_indices = #map1}, {transform_indices = #map2}]} {
    %mul3A = arith.constant 2 : i32
    %mul3A_0 = arith.muli %arg1, %mul3A : i32
    %add3A = arith.addi %mul3A_0, %arg0 : i32
    %broadcast_in_dim3A = arith.constant 0.000000e+00 : f32
    %broadcast_in_dim3A_1 = vector.broadcast %broadcast_in_dim3A : f32 to vector<16xf32>
    %scan3A = arith.constant 0 : i32
    %scan3A_2 = arith.constant 0 : i32
    %scan3A_3 = arith.constant 80 : i32
    %scan3A_4 = arith.addi %scan3A_2, %scan3A_3 : i32
    %scan3A_5 = arith.constant 1 : i32
    scf.for %scan3A_207 = %scan3A_2 to %scan3A_4 step %scan3A_5  : i32 {
      %swap3A = arith.index_cast %scan3A_207 : i32 to index
      %swap3A_208 = arith.constant 0 : index
      %swap3A_209 = tpu.vector_load %arg8[%swap3A, %swap3A_208] {strides = array<i32>} : memref<80x128xf32, #tpu.memory_space<vmem>>, vector<16xf32>,
      tpu.vector_store %arg8[%swap3A, %swap3A_208], %broadcast_in_dim3A_1 {strides = array<i32>} : memref<80x128xf32, #tpu.memory_space<vmem>>, vector<16xf32>,
      %swap3A_210 = arith.index_cast %scan3A_207 : i32 to index
      %swap3A_211 = arith.constant 16 : index
      %swap3A_212 = tpu.vector_load %arg8[%swap3A_210, %swap3A_211] {strides = array<i32>} : memref<80x128xf32, #tpu.memory_space<vmem>>, vector<16xf32>,
      tpu.vector_store %arg8[%swap3A_210, %swap3A_211], %broadcast_in_dim3A_1 {strides = array<i32>} : memref<80x128xf32, #tpu.memory_space<vmem>>, vector<16xf32>,
      %swap3A_213 = arith.index_cast %scan3A_207 : i32 to index
      %swap3A_214 = arith.constant 32 : index
      %swap3A_215 = tpu.vector_load %arg8[%swap3A_213, %swap3A_214] {strides = array<i32>} : memref<80x128xf32, #tpu.memory_space<vmem>>, vector<16xf32>,
      tpu.vector_store %arg8[%swap3A_213, %swap3A_214], %broadcast_in_dim3A_1 {strides = array<i32>} : memref<80x128xf32, #tpu.memory_space<vmem>>, vector<16xf32>,
      %swap3A_216 = arith.index_cast %scan3A_207 : i32 to index
      %swap3A_217 = arith.constant 48 : index
      %swap3A_218 = tpu.vector_load %arg8[%swap3A_216, %swap3A_217] {strides = array<i32>} : memref<80x128xf32, #tpu.memory_space<vmem>>, vector<16xf32>,
      tpu.vector_store %arg8[%swap3A_216, %swap3A_217], %broadcast_in_dim3A_1 {strides = array<i32>} : memref<80x128xf32, #tpu.memory_space<vmem>>, vector<16xf32>,
      %swap3A_219 = arith.index_cast %scan3A_207 : i32 to index
      %swap3A_220 = arith.constant 64 : index
      %swap3A_221 = tpu.vector_load %arg8[%swap3A_219, %swap3A_220] {strides = array<i32>} : memref<80x128xf32, #tpu.memory_space<vmem>>, vector<16xf32>,
      tpu.vector_store %arg8[%swap3A_219, %swap3A_220], %broadcast_in_dim3A_1 {strides = array<i32>} : memref<80x128xf32, #tpu.memory_space<vmem>>, vector<16xf32>,
      %swap3A_222 = arith.index_cast %scan3A_207 : i32 to index
      %swap3A_223 = arith.constant 80 : index
      %swap3A_224 = tpu.vector_load %arg8[%swap3A_222, %swap3A_223] {strides = array<i32>} : memref<80x128xf32, #tpu.memory_space<vmem>>, vector<16xf32>,
      tpu.vector_store %arg8[%swap3A_222, %swap3A_223], %broadcast_in_dim3A_1 {strides = array<i32>} : memref<80x128xf32, #tpu.memory_space<vmem>>, vector<16xf32>,
      %swap3A_225 = arith.index_cast %scan3A_207 : i32 to index
      %swap3A_226 = arith.constant 96 : index
      %swap3A_227 = tpu.vector_load %arg8[%swap3A_225, %swap3A_226] {strides = array<i32>} : memref<80x128xf32, #tpu.memory_space<vmem>>, vector<16xf32>,
      tpu.vector_store %arg8[%swap3A_225, %swap3A_226], %broadcast_in_dim3A_1 {strides = array<i32>} : memref<80x128xf32, #tpu.memory_space<vmem>>, vector<16xf32>,
      %swap3A_228 = arith.index_cast %scan3A_207 : i32 to index
      %swap3A_229 = arith.constant 112 : index
      %swap3A_230 = tpu.vector_load %arg8[%swap3A_228, %swap3A_229] {strides = array<i32>} : memref<80x128xf32, #tpu.memory_space<vmem>>, vector<16xf32>,
      tpu.vector_store %arg8[%swap3A_228, %swap3A_229], %broadcast_in_dim3A_1 {strides = array<i32>} : memref<80x128xf32, #tpu.memory_space<vmem>>, vector<16xf32>,
    }
    %scan3A_6 = arith.constant 80 : i32
    %mul3A_7 = arith.constant 640 : i32
    %mul3A_8 = arith.muli %arg1, %mul3A_7 : i32
    %add3A_9 = arith.constant 0 : i32
    %add3A_10 = arith.addi %mul3A_8, %add3A_9 : i32
    "tpu.region"() ({
      %run_scoped3A_207 = tpu.sem_alloc : memref<!tpu.dma_semaphore, #tpu.memory_space<semaphore_mem>>
      %dma_start3A_208 = arith.constant 0 : i32
      %dma_start3A_209 = arith.constant 0 : i32
      %dma_start3A_210 = tpu.memref_slice %arg8[%dma_start3A_208, %dma_start3A_209] : memref<80x128xf32, #tpu.memory_space<vmem>> -> memref<80x128xf32, #tpu.memory_space<vmem>>
      %dma_start3A_211 = arith.constant 0 : i32
      %dma_start3A_212 = tpu.memref_slice %arg11[%add3A_10, %dma_start3A_211] : memref<10240x128xf32, #tpu.memory_space<vmem_shared>> -> memref<80x128xf32, #tpu.memory_space<vmem_shared>>
      %dma_start3A_213 = arith.constant 0 : i32
      %dma_start3A_214 = tpu.memref_slice %arg11[%add3A_10, %dma_start3A_213] : memref<10240x128xf32, #tpu.memory_space<vmem_shared>> -> memref<80x128xf32, #tpu.memory_space<vmem_shared>>
      %dma_start3A_215 = arith.constant 0 : i32
      %dma_start3A_216 = arith.constant 0 : i32
      %dma_start3A_217 = tpu.memref_slice %arg8[%dma_start3A_215, %dma_start3A_216] : memref<80x128xf32, #tpu.memory_space<vmem>> -> memref<80x128xf32, #tpu.memory_space<vmem>>
      tpu.enqueue_dma source(%dma_start3A_217 : memref<80x128xf32, #tpu.memory_space<vmem>>) target(%dma_start3A_214 : memref<80x128xf32, #tpu.memory_space<vmem_shared>>) target_semaphore(%run_scoped3A_207 : memref<!tpu.dma_semaphore, #tpu.memory_space<semaphore_mem>>)
      %dma_wait3A_218 = arith.constant 0 : i32
      %dma_wait3A_219 = arith.constant 0 : i32
      %dma_wait3A_220 = tpu.memref_slice %arg8[%dma_wait3A_218, %dma_wait3A_219] : memref<80x128xf32, #tpu.memory_space<vmem>> -> memref<80x128xf32, #tpu.memory_space<vmem>>
      %dma_wait3A_221 = arith.constant 0 : i32
      %dma_wait3A_222 = tpu.memref_slice %arg11[%add3A_10, %dma_wait3A_221] : memref<10240x128xf32, #tpu.memory_space<vmem_shared>> -> memref<80x128xf32, #tpu.memory_space<vmem_shared>>
      %dma_wait3A_223 = arith.constant 0 : i32
      %dma_wait3A_224 = tpu.memref_slice %arg11[%add3A_10, %dma_wait3A_223] : memref<10240x128xf32, #tpu.memory_space<vmem_shared>> -> memref<80x128xf32, #tpu.memory_space<vmem_shared>>
      %dma_wait3A_225 = arith.constant 0 : i32
      %dma_wait3A_226 = arith.constant 0 : i32
      %dma_wait3A_227 = tpu.memref_slice %arg8[%dma_wait3A_225, %dma_wait3A_226] : memref<80x128xf32, #tpu.memory_space<vmem>> -> memref<80x128xf32, #tpu.memory_space<vmem>>
      tpu.wait_dma2 semaphore(%run_scoped3A_207 : memref<!tpu.dma_semaphore, #tpu.memory_space<semaphore_mem>>) src(%dma_wait3A_227 : memref<80x128xf32, #tpu.memory_space<vmem>>) dst(%dma_wait3A_224 : memref<80x128xf32, #tpu.memory_space<vmem_shared>>)
      tpu.yield
    }) : () -> ()
    %mul3A_11 = arith.constant 640 : i32
    %mul3A_12 = arith.muli %arg1, %mul3A_11 : i32
    %add3A_13 = arith.constant 80 : i32
    %add3A_14 = arith.addi %mul3A_12, %add3A_13 : i32
    "tpu.region"() ({
      %run_scoped3A_207 = tpu.sem_alloc : memref<!tpu.dma_semaphore, #tpu.memory_space<semaphore_mem>>
      %dma_start3A_208 = arith.constant 0 : i32
      %dma_start3A_209 = arith.constant 0 : i32
      %dma_start3A_210 = tpu.memref_slice %arg8[%dma_start3A_208, %dma_start3A_209] : memref<80x128xf32, #tpu.memory_space<vmem>> -> memref<80x128xf32, #tpu.memory_space<vmem>>
      %dma_start3A_211 = arith.constant 0 : i32
      %dma_start3A_212 = tpu.memref_slice %arg11[%add3A_14, %dma_start3A_211] : memref<10240x128xf32, #tpu.memory_space<vmem_shared>> -> memref<80x128xf32, #tpu.memory_space<vmem_shared>>
      %dma_start3A_213 = arith.constant 0 : i32
      %dma_start3A_214 = tpu.memref_slice %arg11[%add3A_14, %dma_start3A_213] : memref<10240x128xf32, #tpu.memory_space<vmem_shared>> -> memref<80x128xf32, #tpu.memory_space<vmem_shared>>
      %dma_start3A_215 = arith.constant 0 : i32
      %dma_start3A_216 = arith.constant 0 : i32
      %dma_start3A_217 = tpu.memref_slice %arg8[%dma_start3A_215, %dma_start3A_216] : memref<80x128xf32, #tpu.memory_space<vmem>> -> memref<80x128xf32, #tpu.memory_space<vmem>>
      tpu.enqueue_dma source(%dma_start3A_217 : memref<80x128xf32, #tpu.memory_space<vmem>>) target(%dma_start3A_214 : memref<80x128xf32, #tpu.memory_space<vmem_shared>>) target_semaphore(%run_scoped3A_207 : memref<!tpu.dma_semaphore, #tpu.memory_space<semaphore_mem>>)
      %dma_wait3A_218 = arith.constant 0 : i32
      %dma_wait3A_219 = arith.constant 0 : i32
      %dma_wait3A_220 = tpu.memref_slice %arg8[%dma_wait3A_218, %dma_wait3A_219] : memref<80x128xf32, #tpu.memory_space<vmem>> -> memref<80x128xf32, #tpu.memory_space<vmem>>
      %dma_wait3A_221 = arith.constant 0 : i32
      %dma_wait3A_222 = tpu.memref_slice %arg11[%add3A_14, %dma_wait3A_221] : memref<10240x128xf32, #tpu.memory_space<vmem_shared>> -> memref<80x128xf32, #tpu.memory_space<vmem_shared>>
      %dma_wait3A_223 = arith.constant 0 : i32
      %dma_wait3A_224 = tpu.memref_slice %arg11[%add3A_14, %dma_wait3A_223] : memref<10240x128xf32, #tpu.memory_space<vmem_shared>> -> memref<80x128xf32, #tpu.memory_space<vmem_shared>>
      %dma_wait3A_225 = arith.constant 0 : i32
      %dma_wait3A_226 = arith.constant 0 : i32
      %dma_wait3A_227 = tpu.memref_slice %arg8[%dma_wait3A_225, %dma_wait3A_226] : memref<80x128xf32, #tpu.memory_space<vmem>> -> memref<80x128xf32, #tpu.memory_space<vmem>>
      tpu.wait_dma2 semaphore(%run_scoped3A_207 : memref<!tpu.dma_semaphore, #tpu.memory_space<semaphore_mem>>) src(%dma_wait3A_227 : memref<80x128xf32, #tpu.memory_space<vmem>>) dst(%dma_wait3A_224 : memref<80x128xf32, #tpu.memory_space<vmem_shared>>)
      tpu.yield
    }) : () -> ()
    %mul3A_15 = arith.constant 640 : i32
    %mul3A_16 = arith.muli %arg1, %mul3A_15 : i32
    %add3A_17 = arith.constant 160 : i32
    %add3A_18 = arith.addi %mul3A_16, %add3A_17 : i32
    "tpu.region"() ({
      %run_scoped3A_207 = tpu.sem_alloc : memref<!tpu.dma_semaphore, #tpu.memory_space<semaphore_mem>>
      %dma_start3A_208 = arith.constant 0 : i32
      %dma_start3A_209 = arith.constant 0 : i32
      %dma_start3A_210 = tpu.memref_slice %arg8[%dma_start3A_208, %dma_start3A_209] : memref<80x128xf32, #tpu.memory_space<vmem>> -> memref<80x128xf32, #tpu.memory_space<vmem>>
      %dma_start3A_211 = arith.constant 0 : i32
      %dma_start3A_212 = tpu.memref_slice %arg11[%add3A_18, %dma_start3A_211] : memref<10240x128xf32, #tpu.memory_space<vmem_shared>> -> memref<80x128xf32, #tpu.memory_space<vmem_shared>>
      %dma_start3A_213 = arith.constant 0 : i32
      %dma_start3A_214 = tpu.memref_slice %arg11[%add3A_18, %dma_start3A_213] : memref<10240x128xf32, #tpu.memory_space<vmem_shared>> -> memref<80x128xf32, #tpu.memory_space<vmem_shared>>
      %dma_start3A_215 = arith.constant 0 : i32
      %dma_start3A_216 = arith.constant 0 : i32
      %dma_start3A_217 = tpu.memref_slice %arg8[%dma_start3A_215, %dma_start3A_216] : memref<80x128xf32, #tpu.memory_space<vmem>> -> memref<80x128xf32, #tpu.memory_space<vmem>>
      tpu.enqueue_dma source(%dma_start3A_217 : memref<80x128xf32, #tpu.memory_space<vmem>>) target(%dma_start3A_214 : memref<80x128xf32, #tpu.memory_space<vmem_shared>>) target_semaphore(%run_scoped3A_207 : memref<!tpu.dma_semaphore, #tpu.memory_space<semaphore_mem>>)
      %dma_wait3A_218 = arith.constant 0 : i32
      %dma_wait3A_219 = arith.constant 0 : i32
      %dma_wait3A_220 = tpu.memref_slice %arg8[%dma_wait3A_218, %dma_wait3A_219] : memref<80x128xf32, #tpu.memory_space<vmem>> -> memref<80x128xf32, #tpu.memory_space<vmem>>
      %dma_wait3A_221 = arith.constant 0 : i32
      %dma_wait3A_222 = tpu.memref_slice %arg11[%add3A_18, %dma_wait3A_221] : memref<10240x128xf32, #tpu.memory_space<vmem_shared>> -> memref<80x128xf32, #tpu.memory_space<vmem_shared>>
      %dma_wait3A_223 = arith.constant 0 : i32
      %dma_wait3A_224 = tpu.memref_slice %arg11[%add3A_18, %dma_wait3A_223] : memref<10240x128xf32, #tpu.memory_space<vmem_shared>> -> memref<80x128xf32, #tpu.memory_space<vmem_shared>>
      %dma_wait3A_225 = arith.constant 0 : i32
      %dma_wait3A_226 = arith.constant 0 : i32
      %dma_wait3A_227 = tpu.memref_slice %arg8[%dma_wait3A_225, %dma_wait3A_226] : memref<80x128xf32, #tpu.memory_space<vmem>> -> memref<80x128xf32, #tpu.memory_space<vmem>>
      tpu.wait_dma2 semaphore(%run_scoped3A_207 : memref<!tpu.dma_semaphore, #tpu.memory_space<semaphore_mem>>) src(%dma_wait3A_227 : memref<80x128xf32, #tpu.memory_space<vmem>>) dst(%dma_wait3A_224 : memref<80x128xf32, #tpu.memory_space<vmem_shared>>)
      tpu.yield
    }) : () -> ()
    %mul3A_19 = arith.constant 640 : i32
    %mul3A_20 = arith.muli %arg1, %mul3A_19 : i32
    %add3A_21 = arith.constant 240 : i32
    %add3A_22 = arith.addi %mul3A_20, %add3A_21 : i32
    "tpu.region"() ({
      %run_scoped3A_207 = tpu.sem_alloc : memref<!tpu.dma_semaphore, #tpu.memory_space<semaphore_mem>>
      %dma_start3A_208 = arith.constant 0 : i32
      %dma_start3A_209 = arith.constant 0 : i32
      %dma_start3A_210 = tpu.memref_slice %arg8[%dma_start3A_208, %dma_start3A_209] : memref<80x128xf32, #tpu.memory_space<vmem>> -> memref<80x128xf32, #tpu.memory_space<vmem>>
      %dma_start3A_211 = arith.constant 0 : i32
      %dma_start3A_212 = tpu.memref_slice %arg11[%add3A_22, %dma_start3A_211] : memref<10240x128xf32, #tpu.memory_space<vmem_shared>> -> memref<80x128xf32, #tpu.memory_space<vmem_shared>>
      %dma_start3A_213 = arith.constant 0 : i32
      %dma_start3A_214 = tpu.memref_slice %arg11[%add3A_22, %dma_start3A_213] : memref<10240x128xf32, #tpu.memory_space<vmem_shared>> -> memref<80x128xf32, #tpu.memory_space<vmem_shared>>
      %dma_start3A_215 = arith.constant 0 : i32
      %dma_start3A_216 = arith.constant 0 : i32
      %dma_start3A_217 = tpu.memref_slice %arg8[%dma_start3A_215, %dma_start3A_216] : memref<80x128xf32, #tpu.memory_space<vmem>> -> memref<80x128xf32, #tpu.memory_space<vmem>>
      tpu.enqueue_dma source(%dma_start3A_217 : memref<80x128xf32, #tpu.memory_space<vmem>>) target(%dma_start3A_214 : memref<80x128xf32, #tpu.memory_space<vmem_shared>>) target_semaphore(%run_scoped3A_207 : memref<!tpu.dma_semaphore, #tpu.memory_space<semaphore_mem>>)
      %dma_wait3A_218 = arith.constant 0 : i32
      %dma_wait3A_219 = arith.constant 0 : i32
      %dma_wait3A_220 = tpu.memref_slice %arg8[%dma_wait3A_218, %dma_wait3A_219] : memref<80x128xf32, #tpu.memory_space<vmem>> -> memref<80x128xf32, #tpu.memory_space<vmem>>
      %dma_wait3A_221 = arith.constant 0 : i32
      %dma_wait3A_222 = tpu.memref_slice %arg11[%add3A_22, %dma_wait3A_221] : memref<10240x128xf32, #tpu.memory_space<vmem_shared>> -> memref<80x128xf32, #tpu.memory_space<vmem_shared>>
      %dma_wait3A_223 = arith.constant 0 : i32
      %dma_wait3A_224 = tpu.memref_slice %arg11[%add3A_22, %dma_wait3A_223] : memref<10240x128xf32, #tpu.memory_space<vmem_shared>> -> memref<80x128xf32, #tpu.memory_space<vmem_shared>>
      %dma_wait3A_225 = arith.constant 0 : i32
      %dma_wait3A_226 = arith.constant 0 : i32
      %dma_wait3A_227 = tpu.memref_slice %arg8[%dma_wait3A_225, %dma_wait3A_226] : memref<80x128xf32, #tpu.memory_space<vmem>> -> memref<80x128xf32, #tpu.memory_space<vmem>>
      tpu.wait_dma2 semaphore(%run_scoped3A_207 : memref<!tpu.dma_semaphore, #tpu.memory_space<semaphore_mem>>) src(%dma_wait3A_227 : memref<80x128xf32, #tpu.memory_space<vmem>>) dst(%dma_wait3A_224 : memref<80x128xf32, #tpu.memory_space<vmem_shared>>)
      tpu.yield
    }) : () -> ()
    %mul3A_23 = arith.constant 640 : i32
    %mul3A_24 = arith.muli %arg1, %mul3A_23 : i32
    %add3A_25 = arith.constant 320 : i32
    %add3A_26 = arith.addi %mul3A_24, %add3A_25 : i32
    "tpu.region"() ({
      %run_scoped3A_207 = tpu.sem_alloc : memref<!tpu.dma_semaphore, #tpu.memory_space<semaphore_mem>>
      %dma_start3A_208 = arith.constant 0 : i32
      %dma_start3A_209 = arith.constant 0 : i32
      %dma_start3A_210 = tpu.memref_slice %arg8[%dma_start3A_208, %dma_start3A_209] : memref<80x128xf32, #tpu.memory_space<vmem>> -> memref<80x128xf32, #tpu.memory_space<vmem>>
      %dma_start3A_211 = arith.constant 0 : i32
      %dma_start3A_212 = tpu.memref_slice %arg11[%add3A_26, %dma_start3A_211] : memref<10240x128xf32, #tpu.memory_space<vmem_shared>> -> memref<80x128xf32, #tpu.memory_space<vmem_shared>>
      %dma_start3A_213 = arith.constant 0 : i32
      %dma_start3A_214 = tpu.memref_slice %arg11[%add3A_26, %dma_start3A_213] : memref<10240x128xf32, #tpu.memory_space<vmem_shared>> -> memref<80x128xf32, #tpu.memory_space<vmem_shared>>
      %dma_start3A_215 = arith.constant 0 : i32
      %dma_start3A_216 = arith.constant 0 : i32
      %dma_start3A_217 = tpu.memref_slice %arg8[%dma_start3A_215, %dma_start3A_216] : memref<80x128xf32, #tpu.memory_space<vmem>> -> memref<80x128xf32, #tpu.memory_space<vmem>>
      tpu.enqueue_dma source(%dma_start3A_217 : memref<80x128xf32, #tpu.memory_space<vmem>>) target(%dma_start3A_214 : memref<80x128xf32, #tpu.memory_space<vmem_shared>>) target_semaphore(%run_scoped3A_207 : memref<!tpu.dma_semaphore, #tpu.memory_space<semaphore_mem>>)
      %dma_wait3A_218 = arith.constant 0 : i32
      %dma_wait3A_219 = arith.constant 0 : i32
      %dma_wait3A_220 = tpu.memref_slice %arg8[%dma_wait3A_218, %dma_wait3A_219] : memref<80x128xf32, #tpu.memory_space<vmem>> -> memref<80x128xf32, #tpu.memory_space<vmem>>
      %dma_wait3A_221 = arith.constant 0 : i32
      %dma_wait3A_222 = tpu.memref_slice %arg11[%add3A_26, %dma_wait3A_221] : memref<10240x128xf32, #tpu.memory_space<vmem_shared>> -> memref<80x128xf32, #tpu.memory_space<vmem_shared>>
      %dma_wait3A_223 = arith.constant 0 : i32
      %dma_wait3A_224 = tpu.memref_slice %arg11[%add3A_26, %dma_wait3A_223] : memref<10240x128xf32, #tpu.memory_space<vmem_shared>> -> memref<80x128xf32, #tpu.memory_space<vmem_shared>>
      %dma_wait3A_225 = arith.constant 0 : i32
      %dma_wait3A_226 = arith.constant 0 : i32
      %dma_wait3A_227 = tpu.memref_slice %arg8[%dma_wait3A_225, %dma_wait3A_226] : memref<80x128xf32, #tpu.memory_space<vmem>> -> memref<80x128xf32, #tpu.memory_space<vmem>>
      tpu.wait_dma2 semaphore(%run_scoped3A_207 : memref<!tpu.dma_semaphore, #tpu.memory_space<semaphore_mem>>) src(%dma_wait3A_227 : memref<80x128xf32, #tpu.memory_space<vmem>>) dst(%dma_wait3A_224 : memref<80x128xf32, #tpu.memory_space<vmem_shared>>)
      tpu.yield
    }) : () -> ()
    %mul3A_27 = arith.constant 640 : i32
    %mul3A_28 = arith.muli %arg1, %mul3A_27 : i32
    %add3A_29 = arith.constant 400 : i32
    %add3A_30 = arith.addi %mul3A_28, %add3A_29 : i32
    "tpu.region"() ({
      %run_scoped3A_207 = tpu.sem_alloc : memref<!tpu.dma_semaphore, #tpu.memory_space<semaphore_mem>>
      %dma_start3A_208 = arith.constant 0 : i32
      %dma_start3A_209 = arith.constant 0 : i32
      %dma_start3A_210 = tpu.memref_slice %arg8[%dma_start3A_208, %dma_start3A_209] : memref<80x128xf32, #tpu.memory_space<vmem>> -> memref<80x128xf32, #tpu.memory_space<vmem>>
      %dma_start3A_211 = arith.constant 0 : i32
      %dma_start3A_212 = tpu.memref_slice %arg11[%add3A_30, %dma_start3A_211] : memref<10240x128xf32, #tpu.memory_space<vmem_shared>> -> memref<80x128xf32, #tpu.memory_space<vmem_shared>>
      %dma_start3A_213 = arith.constant 0 : i32
      %dma_start3A_214 = tpu.memref_slice %arg11[%add3A_30, %dma_start3A_213] : memref<10240x128xf32, #tpu.memory_space<vmem_shared>> -> memref<80x128xf32, #tpu.memory_space<vmem_shared>>
      %dma_start3A_215 = arith.constant 0 : i32
      %dma_start3A_216 = arith.constant 0 : i32
      %dma_start3A_217 = tpu.memref_slice %arg8[%dma_start3A_215, %dma_start3A_216] : memref<80x128xf32, #tpu.memory_space<vmem>> -> memref<80x128xf32, #tpu.memory_space<vmem>>
      tpu.enqueue_dma source(%dma_start3A_217 : memref<80x128xf32, #tpu.memory_space<vmem>>) target(%dma_start3A_214 : memref<80x128xf32, #tpu.memory_space<vmem_shared>>) target_semaphore(%run_scoped3A_207 : memref<!tpu.dma_semaphore, #tpu.memory_space<semaphore_mem>>)
      %dma_wait3A_218 = arith.constant 0 : i32
      %dma_wait3A_219 = arith.constant 0 : i32
      %dma_wait3A_220 = tpu.memref_slice %arg8[%dma_wait3A_218, %dma_wait3A_219] : memref<80x128xf32, #tpu.memory_space<vmem>> -> memref<80x128xf32, #tpu.memory_space<vmem>>
      %dma_wait3A_221 = arith.constant 0 : i32
      %dma_wait3A_222 = tpu.memref_slice %arg11[%add3A_30, %dma_wait3A_221] : memref<10240x128xf32, #tpu.memory_space<vmem_shared>> -> memref<80x128xf32, #tpu.memory_space<vmem_shared>>
      %dma_wait3A_223 = arith.constant 0 : i32
      %dma_wait3A_224 = tpu.memref_slice %arg11[%add3A_30, %dma_wait3A_223] : memref<10240x128xf32, #tpu.memory_space<vmem_shared>> -> memref<80x128xf32, #tpu.memory_space<vmem_shared>>
      %dma_wait3A_225 = arith.constant 0 : i32
      %dma_wait3A_226 = arith.constant 0 : i32
      %dma_wait3A_227 = tpu.memref_slice %arg8[%dma_wait3A_225, %dma_wait3A_226] : memref<80x128xf32, #tpu.memory_space<vmem>> -> memref<80x128xf32, #tpu.memory_space<vmem>>
      tpu.wait_dma2 semaphore(%run_scoped3A_207 : memref<!tpu.dma_semaphore, #tpu.memory_space<semaphore_mem>>) src(%dma_wait3A_227 : memref<80x128xf32, #tpu.memory_space<vmem>>) dst(%dma_wait3A_224 : memref<80x128xf32, #tpu.memory_space<vmem_shared>>)
      tpu.yield
    }) : () -> ()
    %mul3A_31 = arith.constant 640 : i32
    %mul3A_32 = arith.muli %arg1, %mul3A_31 : i32
    %add3A_33 = arith.constant 480 : i32
    %add3A_34 = arith.addi %mul3A_32, %add3A_33 : i32
    "tpu.region"() ({
      %run_scoped3A_207 = tpu.sem_alloc : memref<!tpu.dma_semaphore, #tpu.memory_space<semaphore_mem>>
      %dma_start3A_208 = arith.constant 0 : i32
      %dma_start3A_209 = arith.constant 0 : i32
      %dma_start3A_210 = tpu.memref_slice %arg8[%dma_start3A_208, %dma_start3A_209] : memref<80x128xf32, #tpu.memory_space<vmem>> -> memref<80x128xf32, #tpu.memory_space<vmem>>
      %dma_start3A_211 = arith.constant 0 : i32
      %dma_start3A_212 = tpu.memref_slice %arg11[%add3A_34, %dma_start3A_211] : memref<10240x128xf32, #tpu.memory_space<vmem_shared>> -> memref<80x128xf32, #tpu.memory_space<vmem_shared>>
      %dma_start3A_213 = arith.constant 0 : i32
      %dma_start3A_214 = tpu.memref_slice %arg11[%add3A_34, %dma_start3A_213] : memref<10240x128xf32, #tpu.memory_space<vmem_shared>> -> memref<80x128xf32, #tpu.memory_space<vmem_shared>>
      %dma_start3A_215 = arith.constant 0 : i32
      %dma_start3A_216 = arith.constant 0 : i32
      %dma_start3A_217 = tpu.memref_slice %arg8[%dma_start3A_215, %dma_start3A_216] : memref<80x128xf32, #tpu.memory_space<vmem>> -> memref<80x128xf32, #tpu.memory_space<vmem>>
      tpu.enqueue_dma source(%dma_start3A_217 : memref<80x128xf32, #tpu.memory_space<vmem>>) target(%dma_start3A_214 : memref<80x128xf32, #tpu.memory_space<vmem_shared>>) target_semaphore(%run_scoped3A_207 : memref<!tpu.dma_semaphore, #tpu.memory_space<semaphore_mem>>)
      %dma_wait3A_218 = arith.constant 0 : i32
      %dma_wait3A_219 = arith.constant 0 : i32
      %dma_wait3A_220 = tpu.memref_slice %arg8[%dma_wait3A_218, %dma_wait3A_219] : memref<80x128xf32, #tpu.memory_space<vmem>> -> memref<80x128xf32, #tpu.memory_space<vmem>>
      %dma_wait3A_221 = arith.constant 0 : i32
      %dma_wait3A_222 = tpu.memref_slice %arg11[%add3A_34, %dma_wait3A_221] : memref<10240x128xf32, #tpu.memory_space<vmem_shared>> -> memref<80x128xf32, #tpu.memory_space<vmem_shared>>
      %dma_wait3A_223 = arith.constant 0 : i32
      %dma_wait3A_224 = tpu.memref_slice %arg11[%add3A_34, %dma_wait3A_223] : memref<10240x128xf32, #tpu.memory_space<vmem_shared>> -> memref<80x128xf32, #tpu.memory_space<vmem_shared>>
      %dma_wait3A_225 = arith.constant 0 : i32
      %dma_wait3A_226 = arith.constant 0 : i32
      %dma_wait3A_227 = tpu.memref_slice %arg8[%dma_wait3A_225, %dma_wait3A_226] : memref<80x128xf32, #tpu.memory_space<vmem>> -> memref<80x128xf32, #tpu.memory_space<vmem>>
      tpu.wait_dma2 semaphore(%run_scoped3A_207 : memref<!tpu.dma_semaphore, #tpu.memory_space<semaphore_mem>>) src(%dma_wait3A_227 : memref<80x128xf32, #tpu.memory_space<vmem>>) dst(%dma_wait3A_224 : memref<80x128xf32, #tpu.memory_space<vmem_shared>>)
      tpu.yield
    }) : () -> ()
    %mul3A_35 = arith.constant 640 : i32
    %mul3A_36 = arith.muli %arg1, %mul3A_35 : i32
    %add3A_37 = arith.constant 560 : i32
    %add3A_38 = arith.addi %mul3A_36, %add3A_37 : i32
    "tpu.region"() ({
      %run_scoped3A_207 = tpu.sem_alloc : memref<!tpu.dma_semaphore, #tpu.memory_space<semaphore_mem>>
      %dma_start3A_208 = arith.constant 0 : i32
      %dma_start3A_209 = arith.constant 0 : i32
      %dma_start3A_210 = tpu.memref_slice %arg8[%dma_start3A_208, %dma_start3A_209] : memref<80x128xf32, #tpu.memory_space<vmem>> -> memref<80x128xf32, #tpu.memory_space<vmem>>
      %dma_start3A_211 = arith.constant 0 : i32
      %dma_start3A_212 = tpu.memref_slice %arg11[%add3A_38, %dma_start3A_211] : memref<10240x128xf32, #tpu.memory_space<vmem_shared>> -> memref<80x128xf32, #tpu.memory_space<vmem_shared>>
      %dma_start3A_213 = arith.constant 0 : i32
      %dma_start3A_214 = tpu.memref_slice %arg11[%add3A_38, %dma_start3A_213] : memref<10240x128xf32, #tpu.memory_space<vmem_shared>> -> memref<80x128xf32, #tpu.memory_space<vmem_shared>>
      %dma_start3A_215 = arith.constant 0 : i32
      %dma_start3A_216 = arith.constant 0 : i32
      %dma_start3A_217 = tpu.memref_slice %arg8[%dma_start3A_215, %dma_start3A_216] : memref<80x128xf32, #tpu.memory_space<vmem>> -> memref<80x128xf32, #tpu.memory_space<vmem>>
      tpu.enqueue_dma source(%dma_start3A_217 : memref<80x128xf32, #tpu.memory_space<vmem>>) target(%dma_start3A_214 : memref<80x128xf32, #tpu.memory_space<vmem_shared>>) target_semaphore(%run_scoped3A_207 : memref<!tpu.dma_semaphore, #tpu.memory_space<semaphore_mem>>)
      %dma_wait3A_218 = arith.constant 0 : i32
      %dma_wait3A_219 = arith.constant 0 : i32
      %dma_wait3A_220 = tpu.memref_slice %arg8[%dma_wait3A_218, %dma_wait3A_219] : memref<80x128xf32, #tpu.memory_space<vmem>> -> memref<80x128xf32, #tpu.memory_space<vmem>>
      %dma_wait3A_221 = arith.constant 0 : i32
      %dma_wait3A_222 = tpu.memref_slice %arg11[%add3A_38, %dma_wait3A_221] : memref<10240x128xf32, #tpu.memory_space<vmem_shared>> -> memref<80x128xf32, #tpu.memory_space<vmem_shared>>
      %dma_wait3A_223 = arith.constant 0 : i32
      %dma_wait3A_224 = tpu.memref_slice %arg11[%add3A_38, %dma_wait3A_223] : memref<10240x128xf32, #tpu.memory_space<vmem_shared>> -> memref<80x128xf32, #tpu.memory_space<vmem_shared>>
      %dma_wait3A_225 = arith.constant 0 : i32
      %dma_wait3A_226 = arith.constant 0 : i32
      %dma_wait3A_227 = tpu.memref_slice %arg8[%dma_wait3A_225, %dma_wait3A_226] : memref<80x128xf32, #tpu.memory_space<vmem>> -> memref<80x128xf32, #tpu.memory_space<vmem>>
      tpu.wait_dma2 semaphore(%run_scoped3A_207 : memref<!tpu.dma_semaphore, #tpu.memory_space<semaphore_mem>>) src(%dma_wait3A_227 : memref<80x128xf32, #tpu.memory_space<vmem>>) dst(%dma_wait3A_224 : memref<80x128xf32, #tpu.memory_space<vmem_shared>>)
      tpu.yield
    }) : () -> ()
    %dma_start3A = arith.constant 0 : i32
    %dma_start3A_39 = arith.constant 0 : i32
    %dma_start3A_40 = arith.constant 0 : i32
    %dma_start3A_41 = tpu.memref_slice %arg3[%add3A, %dma_start3A, %dma_start3A_39, %dma_start3A_40] : memref<32x125x2x80xi32, #tpu.memory_space<hbm>> -> memref<1x1x2x80xi32, #tpu.memory_space<hbm>>
    %dma_start3A_42 = tpu.memref_squeeze %dma_start3A_41 : memref<1x1x2x80xi32, #tpu.memory_space<hbm>> -> memref<2x80xi32, #tpu.memory_space<hbm>>
    %dma_start3A_43 = arith.constant 0 : i32
    %dma_start3A_44 = arith.constant 0 : i32
    %dma_start3A_45 = tpu.memref_slice %arg3[%add3A, %dma_start3A, %dma_start3A_43, %dma_start3A_44] : memref<32x125x2x80xi32, #tpu.memory_space<hbm>> -> memref<1x1x2x80xi32, #tpu.memory_space<hbm>>
    %dma_start3A_46 = tpu.memref_squeeze %dma_start3A_45 : memref<1x1x2x80xi32, #tpu.memory_space<hbm>> -> memref<2x80xi32, #tpu.memory_space<hbm>>
    tpu.enqueue_dma source(%dma_start3A_46 : memref<2x80xi32, #tpu.memory_space<hbm>>) target(%arg5 : memref<2x80xi32, #tpu.memory_space<vmem>>) target_semaphore(%arg12 : memref<!tpu.dma_semaphore, #tpu.memory_space<semaphore_mem>>)
    %dma_start3A_47 = arith.constant 1 : i32
    %dma_start3A_48 = arith.constant 0 : i32
    %dma_start3A_49 = arith.constant 0 : i32
    %dma_start3A_50 = tpu.memref_slice %arg3[%add3A, %dma_start3A_47, %dma_start3A_48, %dma_start3A_49] : memref<32x125x2x80xi32, #tpu.memory_space<hbm>> -> memref<1x1x2x80xi32, #tpu.memory_space<hbm>>
    %dma_start3A_51 = tpu.memref_squeeze %dma_start3A_50 : memref<1x1x2x80xi32, #tpu.memory_space<hbm>> -> memref<2x80xi32, #tpu.memory_space<hbm>>
    %dma_start3A_52 = arith.constant 0 : i32
    %dma_start3A_53 = arith.constant 0 : i32
    %dma_start3A_54 = tpu.memref_slice %arg3[%add3A, %dma_start3A_47, %dma_start3A_52, %dma_start3A_53] : memref<32x125x2x80xi32, #tpu.memory_space<hbm>> -> memref<1x1x2x80xi32, #tpu.memory_space<hbm>>
    %dma_start3A_55 = tpu.memref_squeeze %dma_start3A_54 : memref<1x1x2x80xi32, #tpu.memory_space<hbm>> -> memref<2x80xi32, #tpu.memory_space<hbm>>
    tpu.enqueue_dma source(%dma_start3A_55 : memref<2x80xi32, #tpu.memory_space<hbm>>) target(%arg6 : memref<2x80xi32, #tpu.memory_space<vmem>>) target_semaphore(%arg13 : memref<!tpu.dma_semaphore, #tpu.memory_space<semaphore_mem>>)
    %dma_start3A_56 = arith.constant 2 : i32
    %dma_start3A_57 = arith.constant 0 : i32
    %dma_start3A_58 = arith.constant 0 : i32
    %dma_start3A_59 = tpu.memref_slice %arg3[%add3A, %dma_start3A_56, %dma_start3A_57, %dma_start3A_58] : memref<32x125x2x80xi32, #tpu.memory_space<hbm>> -> memref<1x1x2x80xi32, #tpu.memory_space<hbm>>
    %dma_start3A_60 = tpu.memref_squeeze %dma_start3A_59 : memref<1x1x2x80xi32, #tpu.memory_space<hbm>> -> memref<2x80xi32, #tpu.memory_space<hbm>>
    %dma_start3A_61 = arith.constant 0 : i32
    %dma_start3A_62 = arith.constant 0 : i32
    %dma_start3A_63 = tpu.memref_slice %arg3[%add3A, %dma_start3A_56, %dma_start3A_61, %dma_start3A_62] : memref<32x125x2x80xi32, #tpu.memory_space<hbm>> -> memref<1x1x2x80xi32, #tpu.memory_space<hbm>>
    %dma_start3A_64 = tpu.memref_squeeze %dma_start3A_63 : memref<1x1x2x80xi32, #tpu.memory_space<hbm>> -> memref<2x80xi32, #tpu.memory_space<hbm>>
    tpu.enqueue_dma source(%dma_start3A_64 : memref<2x80xi32, #tpu.memory_space<hbm>>) target(%arg7 : memref<2x80xi32, #tpu.memory_space<vmem>>) target_semaphore(%arg14 : memref<!tpu.dma_semaphore, #tpu.memory_space<semaphore_mem>>)
    %dma_wait3A = arith.constant 0 : i32
    %dma_wait3A_65 = arith.constant 0 : i32
    %dma_wait3A_66 = arith.constant 0 : i32
    %dma_wait3A_67 = tpu.memref_slice %arg3[%add3A, %dma_wait3A, %dma_wait3A_65, %dma_wait3A_66] : memref<32x125x2x80xi32, #tpu.memory_space<hbm>> -> memref<1x1x2x80xi32, #tpu.memory_space<hbm>>
    %dma_wait3A_68 = tpu.memref_squeeze %dma_wait3A_67 : memref<1x1x2x80xi32, #tpu.memory_space<hbm>> -> memref<2x80xi32, #tpu.memory_space<hbm>>
    %dma_wait3A_69 = arith.constant 0 : i32
    %dma_wait3A_70 = arith.constant 0 : i32
    %dma_wait3A_71 = tpu.memref_slice %arg3[%add3A, %dma_wait3A, %dma_wait3A_69, %dma_wait3A_70] : memref<32x125x2x80xi32, #tpu.memory_space<hbm>> -> memref<1x1x2x80xi32, #tpu.memory_space<hbm>>
    %dma_wait3A_72 = tpu.memref_squeeze %dma_wait3A_71 : memref<1x1x2x80xi32, #tpu.memory_space<hbm>> -> memref<2x80xi32, #tpu.memory_space<hbm>>
    tpu.wait_dma2 semaphore(%arg12 : memref<!tpu.dma_semaphore, #tpu.memory_space<semaphore_mem>>) src(%dma_wait3A_72 : memref<2x80xi32, #tpu.memory_space<hbm>>) dst(%arg5 : memref<2x80xi32, #tpu.memory_space<vmem>>)
    %dma_start3A_73 = arith.constant 0 : i32
    %dma_start3A_74 = arith.constant 0 : i32
    %dma_start3A_75 = tpu.memref_slice %arg5[%dma_start3A_73, %dma_start3A_74] : memref<2x80xi32, #tpu.memory_space<vmem>> -> memref<1x80xi32, #tpu.memory_space<vmem>>
    %dma_start3A_76 = tpu.memref_squeeze %dma_start3A_75 : memref<1x80xi32, #tpu.memory_space<vmem>> -> memref<80xi32, #tpu.memory_space<vmem>>
    %dma_start3A_77 = arith.constant 0 : i32
    %dma_start3A_78 = arith.constant 0 : i32
    %dma_start3A_79 = tpu.memref_slice %arg2[%dma_start3A_77, %dma_start3A_78] : memref<10000x128xf32, #tpu.memory_space<hbm>> -> memref<10000x128xf32, #tpu.memory_space<hbm>>
    tpu.enqueue_indirect_dma source(%dma_start3A_79 : memref<10000x128xf32, #tpu.memory_space<hbm>>) target(%arg8 : memref<80x128xf32, #tpu.memory_space<vmem>>) offsets(%dma_start3A_76 : memref<80xi32, #tpu.memory_space<vmem>>) semaphore(%arg15 : memref<!tpu.dma_semaphore, #tpu.memory_space<semaphore_mem>>)
    %dma_wait3A_80 = arith.constant 0 : i32
    %dma_wait3A_81 = arith.constant 0 : i32
    %dma_wait3A_82 = arith.constant 0 : i32
    %dma_wait3A_83 = tpu.memref_slice %arg3[%add3A, %dma_wait3A_80, %dma_wait3A_81, %dma_wait3A_82] : memref<32x125x2x80xi32, #tpu.memory_space<hbm>> -> memref<1x1x2x80xi32, #tpu.memory_space<hbm>>
    %dma_wait3A_84 = tpu.memref_squeeze %dma_wait3A_83 : memref<1x1x2x80xi32, #tpu.memory_space<hbm>> -> memref<2x80xi32, #tpu.memory_space<hbm>>
    %dma_wait3A_85 = arith.constant 0 : i32
    %dma_wait3A_86 = arith.constant 0 : i32
    %dma_wait3A_87 = tpu.memref_slice %arg3[%add3A, %dma_wait3A_80, %dma_wait3A_85, %dma_wait3A_86] : memref<32x125x2x80xi32, #tpu.memory_space<hbm>> -> memref<1x1x2x80xi32, #tpu.memory_space<hbm>>
    %dma_wait3A_88 = tpu.memref_squeeze %dma_wait3A_87 : memref<1x1x2x80xi32, #tpu.memory_space<hbm>> -> memref<2x80xi32, #tpu.memory_space<hbm>>
    tpu.wait_dma2 semaphore(%arg13 : memref<!tpu.dma_semaphore, #tpu.memory_space<semaphore_mem>>) src(%dma_wait3A_88 : memref<2x80xi32, #tpu.memory_space<hbm>>) dst(%arg6 : memref<2x80xi32, #tpu.memory_space<vmem>>)
    %dma_start3A_89 = arith.constant 0 : i32
    %dma_start3A_90 = arith.constant 0 : i32
    %dma_start3A_91 = tpu.memref_slice %arg6[%dma_start3A_89, %dma_start3A_90] : memref<2x80xi32, #tpu.memory_space<vmem>> -> memref<1x80xi32, #tpu.memory_space<vmem>>
    %dma_start3A_92 = tpu.memref_squeeze %dma_start3A_91 : memref<1x80xi32, #tpu.memory_space<vmem>> -> memref<80xi32, #tpu.memory_space<vmem>>
    %dma_start3A_93 = arith.constant 0 : i32
    %dma_start3A_94 = arith.constant 0 : i32
    %dma_start3A_95 = tpu.memref_slice %arg2[%dma_start3A_93, %dma_start3A_94] : memref<10000x128xf32, #tpu.memory_space<hbm>> -> memref<10000x128xf32, #tpu.memory_space<hbm>>
    tpu.enqueue_indirect_dma source(%dma_start3A_95 : memref<10000x128xf32, #tpu.memory_space<hbm>>) target(%arg9 : memref<80x128xf32, #tpu.memory_space<vmem>>) offsets(%dma_start3A_92 : memref<80xi32, #tpu.memory_space<vmem>>) semaphore(%arg16 : memref<!tpu.dma_semaphore, #tpu.memory_space<semaphore_mem>>)
    %barrier3A = arith.constant 0 : index
    tpu.barrier barrier_id(%barrier3A)
    %scan3A_96 = arith.constant 0 : i32
    %scan3A_97 = arith.constant 0 : i32
    %scan3A_98 = arith.constant 40 : i32
    %scan3A_99 = arith.addi %scan3A_97, %scan3A_98 : i32
    %scan3A_100 = arith.constant 1 : i32
    scf.for %scan3A_207 = %scan3A_97 to %scan3A_99 step %scan3A_100  : i32 {
      %mul3A_208 = arith.constant 3 : i32
      %mul3A_209 = arith.muli %mul3A_208, %scan3A_207 : i32
      %dma_wait3A_210 = arith.constant 0 : i32
      %dma_wait3A_211 = arith.constant 0 : i32
      %dma_wait3A_212 = tpu.memref_slice %arg2[%dma_wait3A_210, %dma_wait3A_211] : memref<10000x128xf32, #tpu.memory_space<hbm>> -> memref<80x128xf32, #tpu.memory_space<hbm>>
      %dma_wait3A_213 = arith.constant 0 : i32
      %dma_wait3A_214 = arith.constant 0 : i32
      %dma_wait3A_215 = tpu.memref_slice %arg2[%dma_wait3A_213, %dma_wait3A_214] : memref<10000x128xf32, #tpu.memory_space<hbm>> -> memref<80x128xf32, #tpu.memory_space<hbm>>
      tpu.wait_dma2 semaphore(%arg15 : memref<!tpu.dma_semaphore, #tpu.memory_space<semaphore_mem>>) src(%dma_wait3A_215 : memref<80x128xf32, #tpu.memory_space<hbm>>) dst(%arg8 : memref<80x128xf32, #tpu.memory_space<vmem>>)
      %run_scoped3A_216 = arith.constant 1 : i32
      "tpu.region"() ({
        %run_scoped3A_319 = tpu.sem_alloc : memref<!tpu.dma_semaphore, #tpu.memory_space<semaphore_mem>>
        %dma_start3A_320 = arith.constant 0 : i32
        %dma_start3A_321 = tpu.memref_slice %arg5[%run_scoped3A_216, %dma_start3A_320] : memref<2x80xi32, #tpu.memory_space<vmem>> -> memref<1x80xi32, #tpu.memory_space<vmem>>
        %dma_start3A_322 = tpu.memref_squeeze %dma_start3A_321 : memref<1x80xi32, #tpu.memory_space<vmem>> -> memref<80xi32, #tpu.memory_space<vmem>>
        %dma_start3A_323 = arith.constant 0 : i32
        %dma_start3A_324 = arith.constant 0 : i32
        %dma_start3A_325 = tpu.memref_slice %arg11[%dma_start3A_323, %dma_start3A_324] : memref<10240x128xf32, #tpu.memory_space<vmem_shared>> -> memref<10240x128xf32, #tpu.memory_space<vmem_shared>>
        tpu.enqueue_indirect_dma source(%arg8 : memref<80x128xf32, #tpu.memory_space<vmem>>) target(%dma_start3A_325 : memref<10240x128xf32, #tpu.memory_space<vmem_shared>>) offsets(%dma_start3A_322 : memref<80xi32, #tpu.memory_space<vmem>>) semaphore(%run_scoped3A_319 : memref<!tpu.dma_semaphore, #tpu.memory_space<semaphore_mem>>) {add = true}
        %dma_wait3A_326 = arith.constant 0 : i32
        %dma_wait3A_327 = tpu.memref_slice %arg5[%run_scoped3A_216, %dma_wait3A_326] : memref<2x80xi32, #tpu.memory_space<vmem>> -> memref<1x80xi32, #tpu.memory_space<vmem>>
        %dma_wait3A_328 = tpu.memref_squeeze %dma_wait3A_327 : memref<1x80xi32, #tpu.memory_space<vmem>> -> memref<80xi32, #tpu.memory_space<vmem>>
        %dma_wait3A_329 = arith.constant 0 : i32
        %dma_wait3A_330 = arith.constant 0 : i32
        %dma_wait3A_331 = tpu.memref_slice %arg11[%dma_wait3A_329, %dma_wait3A_330] : memref<10240x128xf32, #tpu.memory_space<vmem_shared>> -> memref<10240x128xf32, #tpu.memory_space<vmem_shared>>
        tpu.wait_indirect_dma semaphore(%run_scoped3A_319 : memref<!tpu.dma_semaphore, #tpu.memory_space<semaphore_mem>>) src(%arg8 : memref<80x128xf32, #tpu.memory_space<vmem>>) dst(%dma_wait3A_331 : memref<10240x128xf32, #tpu.memory_space<vmem_shared>>)
        tpu.yield
      }) : () -> ()
      %add3A_217 = arith.constant 3 : i32
      %add3A_218 = arith.addi %mul3A_209, %add3A_217 : i32
      %dma_start3A_219 = arith.constant 0 : i32
      %dma_start3A_220 = arith.constant 0 : i32
      %dma_start3A_221 = tpu.memref_slice %arg3[%add3A, %add3A_218, %dma_start3A_219, %dma_start3A_220] : memref<32x125x2x80xi32, #tpu.memory_space<hbm>> -> memref<1x1x2x80xi32, #tpu.memory_space<hbm>>
      %dma_start3A_222 = tpu.memref_squeeze %dma_start3A_221 : memref<1x1x2x80xi32, #tpu.memory_space<hbm>> -> memref<2x80xi32, #tpu.memory_space<hbm>>
      %dma_start3A_223 = arith.constant 0 : i32
      %dma_start3A_224 = arith.constant 0 : i32
      %dma_start3A_225 = tpu.memref_slice %arg3[%add3A, %add3A_218, %dma_start3A_223, %dma_start3A_224] : memref<32x125x2x80xi32, #tpu.memory_space<hbm>> -> memref<1x1x2x80xi32, #tpu.memory_space<hbm>>
      %dma_start3A_226 = tpu.memref_squeeze %dma_start3A_225 : memref<1x1x2x80xi32, #tpu.memory_space<hbm>> -> memref<2x80xi32, #tpu.memory_space<hbm>>
      tpu.enqueue_dma source(%dma_start3A_226 : memref<2x80xi32, #tpu.memory_space<hbm>>) target(%arg5 : memref<2x80xi32, #tpu.memory_space<vmem>>) target_semaphore(%arg12 : memref<!tpu.dma_semaphore, #tpu.memory_space<semaphore_mem>>)
      %dma_wait3A_227 = arith.constant 0 : i32
      %dma_wait3A_228 = arith.constant 0 : i32
      %dma_wait3A_229 = arith.constant 0 : i32
      %dma_wait3A_230 = tpu.memref_slice %arg3[%add3A, %dma_wait3A_227, %dma_wait3A_228, %dma_wait3A_229] : memref<32x125x2x80xi32, #tpu.memory_space<hbm>> -> memref<1x1x2x80xi32, #tpu.memory_space<hbm>>
      %dma_wait3A_231 = tpu.memref_squeeze %dma_wait3A_230 : memref<1x1x2x80xi32, #tpu.memory_space<hbm>> -> memref<2x80xi32, #tpu.memory_space<hbm>>
      %dma_wait3A_232 = arith.constant 0 : i32
      %dma_wait3A_233 = arith.constant 0 : i32
      %dma_wait3A_234 = tpu.memref_slice %arg3[%add3A, %dma_wait3A_227, %dma_wait3A_232, %dma_wait3A_233] : memref<32x125x2x80xi32, #tpu.memory_space<hbm>> -> memref<1x1x2x80xi32, #tpu.memory_space<hbm>>
      %dma_wait3A_235 = tpu.memref_squeeze %dma_wait3A_234 : memref<1x1x2x80xi32, #tpu.memory_space<hbm>> -> memref<2x80xi32, #tpu.memory_space<hbm>>
      tpu.wait_dma2 semaphore(%arg14 : memref<!tpu.dma_semaphore, #tpu.memory_space<semaphore_mem>>) src(%dma_wait3A_235 : memref<2x80xi32, #tpu.memory_space<hbm>>) dst(%arg7 : memref<2x80xi32, #tpu.memory_space<vmem>>)
      %add3A_236 = arith.constant 2 : i32
      %add3A_237 = arith.addi %mul3A_209, %add3A_236 : i32
      %dma_start3A_238 = arith.constant 0 : i32
      %dma_start3A_239 = arith.constant 0 : i32
      %dma_start3A_240 = tpu.memref_slice %arg7[%dma_start3A_238, %dma_start3A_239] : memref<2x80xi32, #tpu.memory_space<vmem>> -> memref<1x80xi32, #tpu.memory_space<vmem>>
      %dma_start3A_241 = tpu.memref_squeeze %dma_start3A_240 : memref<1x80xi32, #tpu.memory_space<vmem>> -> memref<80xi32, #tpu.memory_space<vmem>>
      %dma_start3A_242 = arith.constant 0 : i32
      %dma_start3A_243 = arith.constant 0 : i32
      %dma_start3A_244 = tpu.memref_slice %arg2[%dma_start3A_242, %dma_start3A_243] : memref<10000x128xf32, #tpu.memory_space<hbm>> -> memref<10000x128xf32, #tpu.memory_space<hbm>>
      tpu.enqueue_indirect_dma source(%dma_start3A_244 : memref<10000x128xf32, #tpu.memory_space<hbm>>) target(%arg10 : memref<80x128xf32, #tpu.memory_space<vmem>>) offsets(%dma_start3A_241 : memref<80xi32, #tpu.memory_space<vmem>>) semaphore(%arg17 : memref<!tpu.dma_semaphore, #tpu.memory_space<semaphore_mem>>)
      %add3A_245 = arith.constant 1 : i32
      %add3A_246 = arith.addi %mul3A_209, %add3A_245 : i32
      %dma_wait3A_247 = arith.constant 0 : i32
      %dma_wait3A_248 = arith.constant 0 : i32
      %dma_wait3A_249 = tpu.memref_slice %arg2[%dma_wait3A_247, %dma_wait3A_248] : memref<10000x128xf32, #tpu.memory_space<hbm>> -> memref<80x128xf32, #tpu.memory_space<hbm>>
      %dma_wait3A_250 = arith.constant 0 : i32
      %dma_wait3A_251 = arith.constant 0 : i32
      %dma_wait3A_252 = tpu.memref_slice %arg2[%dma_wait3A_250, %dma_wait3A_251] : memref<10000x128xf32, #tpu.memory_space<hbm>> -> memref<80x128xf32, #tpu.memory_space<hbm>>
      tpu.wait_dma2 semaphore(%arg16 : memref<!tpu.dma_semaphore, #tpu.memory_space<semaphore_mem>>) src(%dma_wait3A_252 : memref<80x128xf32, #tpu.memory_space<hbm>>) dst(%arg9 : memref<80x128xf32, #tpu.memory_space<vmem>>)
      %run_scoped3A_253 = arith.constant 1 : i32
      "tpu.region"() ({
        %run_scoped3A_319 = tpu.sem_alloc : memref<!tpu.dma_semaphore, #tpu.memory_space<semaphore_mem>>
        %dma_start3A_320 = arith.constant 0 : i32
        %dma_start3A_321 = tpu.memref_slice %arg6[%run_scoped3A_253, %dma_start3A_320] : memref<2x80xi32, #tpu.memory_space<vmem>> -> memref<1x80xi32, #tpu.memory_space<vmem>>
        %dma_start3A_322 = tpu.memref_squeeze %dma_start3A_321 : memref<1x80xi32, #tpu.memory_space<vmem>> -> memref<80xi32, #tpu.memory_space<vmem>>
        %dma_start3A_323 = arith.constant 0 : i32
        %dma_start3A_324 = arith.constant 0 : i32
        %dma_start3A_325 = tpu.memref_slice %arg11[%dma_start3A_323, %dma_start3A_324] : memref<10240x128xf32, #tpu.memory_space<vmem_shared>> -> memref<10240x128xf32, #tpu.memory_space<vmem_shared>>
        tpu.enqueue_indirect_dma source(%arg9 : memref<80x128xf32, #tpu.memory_space<vmem>>) target(%dma_start3A_325 : memref<10240x128xf32, #tpu.memory_space<vmem_shared>>) offsets(%dma_start3A_322 : memref<80xi32, #tpu.memory_space<vmem>>) semaphore(%run_scoped3A_319 : memref<!tpu.dma_semaphore, #tpu.memory_space<semaphore_mem>>) {add = true}
        %dma_wait3A_326 = arith.constant 0 : i32
        %dma_wait3A_327 = tpu.memref_slice %arg6[%run_scoped3A_253, %dma_wait3A_326] : memref<2x80xi32, #tpu.memory_space<vmem>> -> memref<1x80xi32, #tpu.memory_space<vmem>>
        %dma_wait3A_328 = tpu.memref_squeeze %dma_wait3A_327 : memref<1x80xi32, #tpu.memory_space<vmem>> -> memref<80xi32, #tpu.memory_space<vmem>>
        %dma_wait3A_329 = arith.constant 0 : i32
        %dma_wait3A_330 = arith.constant 0 : i32
        %dma_wait3A_331 = tpu.memref_slice %arg11[%dma_wait3A_329, %dma_wait3A_330] : memref<10240x128xf32, #tpu.memory_space<vmem_shared>> -> memref<10240x128xf32, #tpu.memory_space<vmem_shared>>
        tpu.wait_indirect_dma semaphore(%run_scoped3A_319 : memref<!tpu.dma_semaphore, #tpu.memory_space<semaphore_mem>>) src(%arg9 : memref<80x128xf32, #tpu.memory_space<vmem>>) dst(%dma_wait3A_331 : memref<10240x128xf32, #tpu.memory_space<vmem_shared>>)
        tpu.yield
      }) : () -> ()
      %add3A_254 = arith.constant 3 : i32
      %add3A_255 = arith.addi %add3A_246, %add3A_254 : i32
      %dma_start3A_256 = arith.constant 0 : i32
      %dma_start3A_257 = arith.constant 0 : i32
      %dma_start3A_258 = tpu.memref_slice %arg3[%add3A, %add3A_255, %dma_start3A_256, %dma_start3A_257] : memref<32x125x2x80xi32, #tpu.memory_space<hbm>> -> memref<1x1x2x80xi32, #tpu.memory_space<hbm>>
      %dma_start3A_259 = tpu.memref_squeeze %dma_start3A_258 : memref<1x1x2x80xi32, #tpu.memory_space<hbm>> -> memref<2x80xi32, #tpu.memory_space<hbm>>
      %dma_start3A_260 = arith.constant 0 : i32
      %dma_start3A_261 = arith.constant 0 : i32
      %dma_start3A_262 = tpu.memref_slice %arg3[%add3A, %add3A_255, %dma_start3A_260, %dma_start3A_261] : memref<32x125x2x80xi32, #tpu.memory_space<hbm>> -> memref<1x1x2x80xi32, #tpu.memory_space<hbm>>
      %dma_start3A_263 = tpu.memref_squeeze %dma_start3A_262 : memref<1x1x2x80xi32, #tpu.memory_space<hbm>> -> memref<2x80xi32, #tpu.memory_space<hbm>>
      tpu.enqueue_dma source(%dma_start3A_263 : memref<2x80xi32, #tpu.memory_space<hbm>>) target(%arg6 : memref<2x80xi32, #tpu.memory_space<vmem>>) target_semaphore(%arg13 : memref<!tpu.dma_semaphore, #tpu.memory_space<semaphore_mem>>)
      %dma_wait3A_264 = arith.constant 0 : i32
      %dma_wait3A_265 = arith.constant 0 : i32
      %dma_wait3A_266 = arith.constant 0 : i32
      %dma_wait3A_267 = tpu.memref_slice %arg3[%add3A, %dma_wait3A_264, %dma_wait3A_265, %dma_wait3A_266] : memref<32x125x2x80xi32, #tpu.memory_space<hbm>> -> memref<1x1x2x80xi32, #tpu.memory_space<hbm>>
      %dma_wait3A_268 = tpu.memref_squeeze %dma_wait3A_267 : memref<1x1x2x80xi32, #tpu.memory_space<hbm>> -> memref<2x80xi32, #tpu.memory_space<hbm>>
      %dma_wait3A_269 = arith.constant 0 : i32
      %dma_wait3A_270 = arith.constant 0 : i32
      %dma_wait3A_271 = tpu.memref_slice %arg3[%add3A, %dma_wait3A_264, %dma_wait3A_269, %dma_wait3A_270] : memref<32x125x2x80xi32, #tpu.memory_space<hbm>> -> memref<1x1x2x80xi32, #tpu.memory_space<hbm>>
      %dma_wait3A_272 = tpu.memref_squeeze %dma_wait3A_271 : memref<1x1x2x80xi32, #tpu.memory_space<hbm>> -> memref<2x80xi32, #tpu.memory_space<hbm>>
      tpu.wait_dma2 semaphore(%arg12 : memref<!tpu.dma_semaphore, #tpu.memory_space<semaphore_mem>>) src(%dma_wait3A_272 : memref<2x80xi32, #tpu.memory_space<hbm>>) dst(%arg5 : memref<2x80xi32, #tpu.memory_space<vmem>>)
      %add3A_273 = arith.constant 2 : i32
      %add3A_274 = arith.addi %add3A_246, %add3A_273 : i32
      %dma_start3A_275 = arith.constant 0 : i32
      %dma_start3A_276 = arith.constant 0 : i32
      %dma_start3A_277 = tpu.memref_slice %arg5[%dma_start3A_275, %dma_start3A_276] : memref<2x80xi32, #tpu.memory_space<vmem>> -> memref<1x80xi32, #tpu.memory_space<vmem>>
      %dma_start3A_278 = tpu.memref_squeeze %dma_start3A_277 : memref<1x80xi32, #tpu.memory_space<vmem>> -> memref<80xi32, #tpu.memory_space<vmem>>
      %dma_start3A_279 = arith.constant 0 : i32
      %dma_start3A_280 = arith.constant 0 : i32
      %dma_start3A_281 = tpu.memref_slice %arg2[%dma_start3A_279, %dma_start3A_280] : memref<10000x128xf32, #tpu.memory_space<hbm>> -> memref<10000x128xf32, #tpu.memory_space<hbm>>
      tpu.enqueue_indirect_dma source(%dma_start3A_281 : memref<10000x128xf32, #tpu.memory_space<hbm>>) target(%arg8 : memref<80x128xf32, #tpu.memory_space<vmem>>) offsets(%dma_start3A_278 : memref<80xi32, #tpu.memory_space<vmem>>) semaphore(%arg15 : memref<!tpu.dma_semaphore, #tpu.memory_space<semaphore_mem>>)
      %add3A_282 = arith.constant 2 : i32
      %add3A_283 = arith.addi %mul3A_209, %add3A_282 : i32
      %dma_wait3A_284 = arith.constant 0 : i32
      %dma_wait3A_285 = arith.constant 0 : i32
      %dma_wait3A_286 = tpu.memref_slice %arg2[%dma_wait3A_284, %dma_wait3A_285] : memref<10000x128xf32, #tpu.memory_space<hbm>> -> memref<80x128xf32, #tpu.memory_space<hbm>>
      %dma_wait3A_287 = arith.constant 0 : i32
      %dma_wait3A_288 = arith.constant 0 : i32
      %dma_wait3A_289 = tpu.memref_slice %arg2[%dma_wait3A_287, %dma_wait3A_288] : memref<10000x128xf32, #tpu.memory_space<hbm>> -> memref<80x128xf32, #tpu.memory_space<hbm>>
      tpu.wait_dma2 semaphore(%arg17 : memref<!tpu.dma_semaphore, #tpu.memory_space<semaphore_mem>>) src(%dma_wait3A_289 : memref<80x128xf32, #tpu.memory_space<hbm>>) dst(%arg10 : memref<80x128xf32, #tpu.memory_space<vmem>>)
      %run_scoped3A_290 = arith.constant 1 : i32
      "tpu.region"() ({
        %run_scoped3A_319 = tpu.sem_alloc : memref<!tpu.dma_semaphore, #tpu.memory_space<semaphore_mem>>
        %dma_start3A_320 = arith.constant 0 : i32
        %dma_start3A_321 = tpu.memref_slice %arg7[%run_scoped3A_290, %dma_start3A_320] : memref<2x80xi32, #tpu.memory_space<vmem>> -> memref<1x80xi32, #tpu.memory_space<vmem>>
        %dma_start3A_322 = tpu.memref_squeeze %dma_start3A_321 : memref<1x80xi32, #tpu.memory_space<vmem>> -> memref<80xi32, #tpu.memory_space<vmem>>
        %dma_start3A_323 = arith.constant 0 : i32
        %dma_start3A_324 = arith.constant 0 : i32
        %dma_start3A_325 = tpu.memref_slice %arg11[%dma_start3A_323, %dma_start3A_324] : memref<10240x128xf32, #tpu.memory_space<vmem_shared>> -> memref<10240x128xf32, #tpu.memory_space<vmem_shared>>
        tpu.enqueue_indirect_dma source(%arg10 : memref<80x128xf32, #tpu.memory_space<vmem>>) target(%dma_start3A_325 : memref<10240x128xf32, #tpu.memory_space<vmem_shared>>) offsets(%dma_start3A_322 : memref<80xi32, #tpu.memory_space<vmem>>) semaphore(%run_scoped3A_319 : memref<!tpu.dma_semaphore, #tpu.memory_space<semaphore_mem>>) {add = true}
        %dma_wait3A_326 = arith.constant 0 : i32
        %dma_wait3A_327 = tpu.memref_slice %arg7[%run_scoped3A_290, %dma_wait3A_326] : memref<2x80xi32, #tpu.memory_space<vmem>> -> memref<1x80xi32, #tpu.memory_space<vmem>>
        %dma_wait3A_328 = tpu.memref_squeeze %dma_wait3A_327 : memref<1x80xi32, #tpu.memory_space<vmem>> -> memref<80xi32, #tpu.memory_space<vmem>>
        %dma_wait3A_329 = arith.constant 0 : i32
        %dma_wait3A_330 = arith.constant 0 : i32
        %dma_wait3A_331 = tpu.memref_slice %arg11[%dma_wait3A_329, %dma_wait3A_330] : memref<10240x128xf32, #tpu.memory_space<vmem_shared>> -> memref<10240x128xf32, #tpu.memory_space<vmem_shared>>
        tpu.wait_indirect_dma semaphore(%run_scoped3A_319 : memref<!tpu.dma_semaphore, #tpu.memory_space<semaphore_mem>>) src(%arg10 : memref<80x128xf32, #tpu.memory_space<vmem>>) dst(%dma_wait3A_331 : memref<10240x128xf32, #tpu.memory_space<vmem_shared>>)
        tpu.yield
      }) : () -> ()
      %add3A_291 = arith.constant 3 : i32
      %add3A_292 = arith.addi %add3A_283, %add3A_291 : i32
      %dma_start3A_293 = arith.constant 0 : i32
      %dma_start3A_294 = arith.constant 0 : i32
      %dma_start3A_295 = tpu.memref_slice %arg3[%add3A, %add3A_292, %dma_start3A_293, %dma_start3A_294] : memref<32x125x2x80xi32, #tpu.memory_space<hbm>> -> memref<1x1x2x80xi32, #tpu.memory_space<hbm>>
      %dma_start3A_296 = tpu.memref_squeeze %dma_start3A_295 : memref<1x1x2x80xi32, #tpu.memory_space<hbm>> -> memref<2x80xi32, #tpu.memory_space<hbm>>
      %dma_start3A_297 = arith.constant 0 : i32
      %dma_start3A_298 = arith.constant 0 : i32
      %dma_start3A_299 = tpu.memref_slice %arg3[%add3A, %add3A_292, %dma_start3A_297, %dma_start3A_298] : memref<32x125x2x80xi32, #tpu.memory_space<hbm>> -> memref<1x1x2x80xi32, #tpu.memory_space<hbm>>
      %dma_start3A_300 = tpu.memref_squeeze %dma_start3A_299 : memref<1x1x2x80xi32, #tpu.memory_space<hbm>> -> memref<2x80xi32, #tpu.memory_space<hbm>>
      tpu.enqueue_dma source(%dma_start3A_300 : memref<2x80xi32, #tpu.memory_space<hbm>>) target(%arg7 : memref<2x80xi32, #tpu.memory_space<vmem>>) target_semaphore(%arg14 : memref<!tpu.dma_semaphore, #tpu.memory_space<semaphore_mem>>)
      %dma_wait3A_301 = arith.constant 0 : i32
      %dma_wait3A_302 = arith.constant 0 : i32
      %dma_wait3A_303 = arith.constant 0 : i32
      %dma_wait3A_304 = tpu.memref_slice %arg3[%add3A, %dma_wait3A_301, %dma_wait3A_302, %dma_wait3A_303] : memref<32x125x2x80xi32, #tpu.memory_space<hbm>> -> memref<1x1x2x80xi32, #tpu.memory_space<hbm>>
      %dma_wait3A_305 = tpu.memref_squeeze %dma_wait3A_304 : memref<1x1x2x80xi32, #tpu.memory_space<hbm>> -> memref<2x80xi32, #tpu.memory_space<hbm>>
      %dma_wait3A_306 = arith.constant 0 : i32
      %dma_wait3A_307 = arith.constant 0 : i32
      %dma_wait3A_308 = tpu.memref_slice %arg3[%add3A, %dma_wait3A_301, %dma_wait3A_306, %dma_wait3A_307] : memref<32x125x2x80xi32, #tpu.memory_space<hbm>> -> memref<1x1x2x80xi32, #tpu.memory_space<hbm>>
      %dma_wait3A_309 = tpu.memref_squeeze %dma_wait3A_308 : memref<1x1x2x80xi32, #tpu.memory_space<hbm>> -> memref<2x80xi32, #tpu.memory_space<hbm>>
      tpu.wait_dma2 semaphore(%arg13 : memref<!tpu.dma_semaphore, #tpu.memory_space<semaphore_mem>>) src(%dma_wait3A_309 : memref<2x80xi32, #tpu.memory_space<hbm>>) dst(%arg6 : memref<2x80xi32, #tpu.memory_space<vmem>>)
      %add3A_310 = arith.constant 2 : i32
      %add3A_311 = arith.addi %add3A_283, %add3A_310 : i32
      %dma_start3A_312 = arith.constant 0 : i32
      %dma_start3A_313 = arith.constant 0 : i32
      %dma_start3A_314 = tpu.memref_slice %arg6[%dma_start3A_312, %dma_start3A_313] : memref<2x80xi32, #tpu.memory_space<vmem>> -> memref<1x80xi32, #tpu.memory_space<vmem>>
      %dma_start3A_315 = tpu.memref_squeeze %dma_start3A_314 : memref<1x80xi32, #tpu.memory_space<vmem>> -> memref<80xi32, #tpu.memory_space<vmem>>
      %dma_start3A_316 = arith.constant 0 : i32
      %dma_start3A_317 = arith.constant 0 : i32
      %dma_start3A_318 = tpu.memref_slice %arg2[%dma_start3A_316, %dma_start3A_317] : memref<10000x128xf32, #tpu.memory_space<hbm>> -> memref<10000x128xf32, #tpu.memory_space<hbm>>
      tpu.enqueue_indirect_dma source(%dma_start3A_318 : memref<10000x128xf32, #tpu.memory_space<hbm>>) target(%arg9 : memref<80x128xf32, #tpu.memory_space<vmem>>) offsets(%dma_start3A_315 : memref<80xi32, #tpu.memory_space<vmem>>) semaphore(%arg16 : memref<!tpu.dma_semaphore, #tpu.memory_space<semaphore_mem>>)
    }
    %scan3A_101 = arith.constant 40 : i32
    %dma_wait3A_102 = arith.constant 0 : i32
    %dma_wait3A_103 = arith.constant 0 : i32
    %dma_wait3A_104 = tpu.memref_slice %arg2[%dma_wait3A_102, %dma_wait3A_103] : memref<10000x128xf32, #tpu.memory_space<hbm>> -> memref<80x128xf32, #tpu.memory_space<hbm>>
    %dma_wait3A_105 = arith.constant 0 : i32
    %dma_wait3A_106 = arith.constant 0 : i32
    %dma_wait3A_107 = tpu.memref_slice %arg2[%dma_wait3A_105, %dma_wait3A_106] : memref<10000x128xf32, #tpu.memory_space<hbm>> -> memref<80x128xf32, #tpu.memory_space<hbm>>
    tpu.wait_dma2 semaphore(%arg15 : memref<!tpu.dma_semaphore, #tpu.memory_space<semaphore_mem>>) src(%dma_wait3A_107 : memref<80x128xf32, #tpu.memory_space<hbm>>) dst(%arg8 : memref<80x128xf32, #tpu.memory_space<vmem>>)
    %run_scoped3A = arith.constant 1 : i32
    "tpu.region"() ({
      %run_scoped3A_207 = tpu.sem_alloc : memref<!tpu.dma_semaphore, #tpu.memory_space<semaphore_mem>>
      %dma_start3A_208 = arith.constant 0 : i32
      %dma_start3A_209 = tpu.memref_slice %arg5[%run_scoped3A, %dma_start3A_208] : memref<2x80xi32, #tpu.memory_space<vmem>> -> memref<1x80xi32, #tpu.memory_space<vmem>>
      %dma_start3A_210 = tpu.memref_squeeze %dma_start3A_209 : memref<1x80xi32, #tpu.memory_space<vmem>> -> memref<80xi32, #tpu.memory_space<vmem>>
      %dma_start3A_211 = arith.constant 0 : i32
      %dma_start3A_212 = arith.constant 0 : i32
      %dma_start3A_213 = tpu.memref_slice %arg11[%dma_start3A_211, %dma_start3A_212] : memref<10240x128xf32, #tpu.memory_space<vmem_shared>> -> memref<10240x128xf32, #tpu.memory_space<vmem_shared>>
      tpu.enqueue_indirect_dma source(%arg8 : memref<80x128xf32, #tpu.memory_space<vmem>>) target(%dma_start3A_213 : memref<10240x128xf32, #tpu.memory_space<vmem_shared>>) offsets(%dma_start3A_210 : memref<80xi32, #tpu.memory_space<vmem>>) semaphore(%run_scoped3A_207 : memref<!tpu.dma_semaphore, #tpu.memory_space<semaphore_mem>>) {add = true}
      %dma_wait3A_214 = arith.constant 0 : i32
      %dma_wait3A_215 = tpu.memref_slice %arg5[%run_scoped3A, %dma_wait3A_214] : memref<2x80xi32, #tpu.memory_space<vmem>> -> memref<1x80xi32, #tpu.memory_space<vmem>>
      %dma_wait3A_216 = tpu.memref_squeeze %dma_wait3A_215 : memref<1x80xi32, #tpu.memory_space<vmem>> -> memref<80xi32, #tpu.memory_space<vmem>>
      %dma_wait3A_217 = arith.constant 0 : i32
      %dma_wait3A_218 = arith.constant 0 : i32
      %dma_wait3A_219 = tpu.memref_slice %arg11[%dma_wait3A_217, %dma_wait3A_218] : memref<10240x128xf32, #tpu.memory_space<vmem_shared>> -> memref<10240x128xf32, #tpu.memory_space<vmem_shared>>
      tpu.wait_indirect_dma semaphore(%run_scoped3A_207 : memref<!tpu.dma_semaphore, #tpu.memory_space<semaphore_mem>>) src(%arg8 : memref<80x128xf32, #tpu.memory_space<vmem>>) dst(%dma_wait3A_219 : memref<10240x128xf32, #tpu.memory_space<vmem_shared>>)
      tpu.yield
    }) : () -> ()
    %dma_start3A_108 = arith.constant 123 : i32
    %dma_start3A_109 = arith.constant 0 : i32
    %dma_start3A_110 = arith.constant 0 : i32
    %dma_start3A_111 = tpu.memref_slice %arg3[%add3A, %dma_start3A_108, %dma_start3A_109, %dma_start3A_110] : memref<32x125x2x80xi32, #tpu.memory_space<hbm>> -> memref<1x1x2x80xi32, #tpu.memory_space<hbm>>
    %dma_start3A_112 = tpu.memref_squeeze %dma_start3A_111 : memref<1x1x2x80xi32, #tpu.memory_space<hbm>> -> memref<2x80xi32, #tpu.memory_space<hbm>>
    %dma_start3A_113 = arith.constant 0 : i32
    %dma_start3A_114 = arith.constant 0 : i32
    %dma_start3A_115 = tpu.memref_slice %arg3[%add3A, %dma_start3A_108, %dma_start3A_113, %dma_start3A_114] : memref<32x125x2x80xi32, #tpu.memory_space<hbm>> -> memref<1x1x2x80xi32, #tpu.memory_space<hbm>>
    %dma_start3A_116 = tpu.memref_squeeze %dma_start3A_115 : memref<1x1x2x80xi32, #tpu.memory_space<hbm>> -> memref<2x80xi32, #tpu.memory_space<hbm>>
    tpu.enqueue_dma source(%dma_start3A_116 : memref<2x80xi32, #tpu.memory_space<hbm>>) target(%arg5 : memref<2x80xi32, #tpu.memory_space<vmem>>) target_semaphore(%arg12 : memref<!tpu.dma_semaphore, #tpu.memory_space<semaphore_mem>>)
    %dma_wait3A_117 = arith.constant 0 : i32
    %dma_wait3A_118 = arith.constant 0 : i32
    %dma_wait3A_119 = arith.constant 0 : i32
    %dma_wait3A_120 = tpu.memref_slice %arg3[%add3A, %dma_wait3A_117, %dma_wait3A_118, %dma_wait3A_119] : memref<32x125x2x80xi32, #tpu.memory_space<hbm>> -> memref<1x1x2x80xi32, #tpu.memory_space<hbm>>
    %dma_wait3A_121 = tpu.memref_squeeze %dma_wait3A_120 : memref<1x1x2x80xi32, #tpu.memory_space<hbm>> -> memref<2x80xi32, #tpu.memory_space<hbm>>
    %dma_wait3A_122 = arith.constant 0 : i32
    %dma_wait3A_123 = arith.constant 0 : i32
    %dma_wait3A_124 = tpu.memref_slice %arg3[%add3A, %dma_wait3A_117, %dma_wait3A_122, %dma_wait3A_123] : memref<32x125x2x80xi32, #tpu.memory_space<hbm>> -> memref<1x1x2x80xi32, #tpu.memory_space<hbm>>
    %dma_wait3A_125 = tpu.memref_squeeze %dma_wait3A_124 : memref<1x1x2x80xi32, #tpu.memory_space<hbm>> -> memref<2x80xi32, #tpu.memory_space<hbm>>
    tpu.wait_dma2 semaphore(%arg14 : memref<!tpu.dma_semaphore, #tpu.memory_space<semaphore_mem>>) src(%dma_wait3A_125 : memref<2x80xi32, #tpu.memory_space<hbm>>) dst(%arg7 : memref<2x80xi32, #tpu.memory_space<vmem>>)
    %dma_start3A_126 = arith.constant 0 : i32
    %dma_start3A_127 = arith.constant 0 : i32
    %dma_start3A_128 = tpu.memref_slice %arg7[%dma_start3A_126, %dma_start3A_127] : memref<2x80xi32, #tpu.memory_space<vmem>> -> memref<1x80xi32, #tpu.memory_space<vmem>>
    %dma_start3A_129 = tpu.memref_squeeze %dma_start3A_128 : memref<1x80xi32, #tpu.memory_space<vmem>> -> memref<80xi32, #tpu.memory_space<vmem>>
    %dma_start3A_130 = arith.constant 0 : i32
    %dma_start3A_131 = arith.constant 0 : i32
    %dma_start3A_132 = tpu.memref_slice %arg2[%dma_start3A_130, %dma_start3A_131] : memref<10000x128xf32, #tpu.memory_space<hbm>> -> memref<10000x128xf32, #tpu.memory_space<hbm>>
    tpu.enqueue_indirect_dma source(%dma_start3A_132 : memref<10000x128xf32, #tpu.memory_space<hbm>>) target(%arg10 : memref<80x128xf32, #tpu.memory_space<vmem>>) offsets(%dma_start3A_129 : memref<80xi32, #tpu.memory_space<vmem>>) semaphore(%arg17 : memref<!tpu.dma_semaphore, #tpu.memory_space<semaphore_mem>>)
    %dma_wait3A_133 = arith.constant 0 : i32
    %dma_wait3A_134 = arith.constant 0 : i32
    %dma_wait3A_135 = tpu.memref_slice %arg2[%dma_wait3A_133, %dma_wait3A_134] : memref<10000x128xf32, #tpu.memory_space<hbm>> -> memref<80x128xf32, #tpu.memory_space<hbm>>
    %dma_wait3A_136 = arith.constant 0 : i32
    %dma_wait3A_137 = arith.constant 0 : i32
    %dma_wait3A_138 = tpu.memref_slice %arg2[%dma_wait3A_136, %dma_wait3A_137] : memref<10000x128xf32, #tpu.memory_space<hbm>> -> memref<80x128xf32, #tpu.memory_space<hbm>>
    tpu.wait_dma2 semaphore(%arg16 : memref<!tpu.dma_semaphore, #tpu.memory_space<semaphore_mem>>) src(%dma_wait3A_138 : memref<80x128xf32, #tpu.memory_space<hbm>>) dst(%arg9 : memref<80x128xf32, #tpu.memory_space<vmem>>)
    %run_scoped3A_139 = arith.constant 1 : i32
    "tpu.region"() ({
      %run_scoped3A_207 = tpu.sem_alloc : memref<!tpu.dma_semaphore, #tpu.memory_space<semaphore_mem>>
      %dma_start3A_208 = arith.constant 0 : i32
      %dma_start3A_209 = tpu.memref_slice %arg6[%run_scoped3A_139, %dma_start3A_208] : memref<2x80xi32, #tpu.memory_space<vmem>> -> memref<1x80xi32, #tpu.memory_space<vmem>>
      %dma_start3A_210 = tpu.memref_squeeze %dma_start3A_209 : memref<1x80xi32, #tpu.memory_space<vmem>> -> memref<80xi32, #tpu.memory_space<vmem>>
      %dma_start3A_211 = arith.constant 0 : i32
      %dma_start3A_212 = arith.constant 0 : i32
      %dma_start3A_213 = tpu.memref_slice %arg11[%dma_start3A_211, %dma_start3A_212] : memref<10240x128xf32, #tpu.memory_space<vmem_shared>> -> memref<10240x128xf32, #tpu.memory_space<vmem_shared>>
      tpu.enqueue_indirect_dma source(%arg9 : memref<80x128xf32, #tpu.memory_space<vmem>>) target(%dma_start3A_213 : memref<10240x128xf32, #tpu.memory_space<vmem_shared>>) offsets(%dma_start3A_210 : memref<80xi32, #tpu.memory_space<vmem>>) semaphore(%run_scoped3A_207 : memref<!tpu.dma_semaphore, #tpu.memory_space<semaphore_mem>>) {add = true}
      %dma_wait3A_214 = arith.constant 0 : i32
      %dma_wait3A_215 = tpu.memref_slice %arg6[%run_scoped3A_139, %dma_wait3A_214] : memref<2x80xi32, #tpu.memory_space<vmem>> -> memref<1x80xi32, #tpu.memory_space<vmem>>
      %dma_wait3A_216 = tpu.memref_squeeze %dma_wait3A_215 : memref<1x80xi32, #tpu.memory_space<vmem>> -> memref<80xi32, #tpu.memory_space<vmem>>
      %dma_wait3A_217 = arith.constant 0 : i32
      %dma_wait3A_218 = arith.constant 0 : i32
      %dma_wait3A_219 = tpu.memref_slice %arg11[%dma_wait3A_217, %dma_wait3A_218] : memref<10240x128xf32, #tpu.memory_space<vmem_shared>> -> memref<10240x128xf32, #tpu.memory_space<vmem_shared>>
      tpu.wait_indirect_dma semaphore(%run_scoped3A_207 : memref<!tpu.dma_semaphore, #tpu.memory_space<semaphore_mem>>) src(%arg9 : memref<80x128xf32, #tpu.memory_space<vmem>>) dst(%dma_wait3A_219 : memref<10240x128xf32, #tpu.memory_space<vmem_shared>>)
      tpu.yield
    }) : () -> ()
    %dma_start3A_140 = arith.constant 124 : i32
    %dma_start3A_141 = arith.constant 0 : i32
    %dma_start3A_142 = arith.constant 0 : i32
    %dma_start3A_143 = tpu.memref_slice %arg3[%add3A, %dma_start3A_140, %dma_start3A_141, %dma_start3A_142] : memref<32x125x2x80xi32, #tpu.memory_space<hbm>> -> memref<1x1x2x80xi32, #tpu.memory_space<hbm>>
    %dma_start3A_144 = tpu.memref_squeeze %dma_start3A_143 : memref<1x1x2x80xi32, #tpu.memory_space<hbm>> -> memref<2x80xi32, #tpu.memory_space<hbm>>
    %dma_start3A_145 = arith.constant 0 : i32
    %dma_start3A_146 = arith.constant 0 : i32
    %dma_start3A_147 = tpu.memref_slice %arg3[%add3A, %dma_start3A_140, %dma_start3A_145, %dma_start3A_146] : memref<32x125x2x80xi32, #tpu.memory_space<hbm>> -> memref<1x1x2x80xi32, #tpu.memory_space<hbm>>
    %dma_start3A_148 = tpu.memref_squeeze %dma_start3A_147 : memref<1x1x2x80xi32, #tpu.memory_space<hbm>> -> memref<2x80xi32, #tpu.memory_space<hbm>>
    tpu.enqueue_dma source(%dma_start3A_148 : memref<2x80xi32, #tpu.memory_space<hbm>>) target(%arg6 : memref<2x80xi32, #tpu.memory_space<vmem>>) target_semaphore(%arg13 : memref<!tpu.dma_semaphore, #tpu.memory_space<semaphore_mem>>)
    %dma_wait3A_149 = arith.constant 0 : i32
    %dma_wait3A_150 = arith.constant 0 : i32
    %dma_wait3A_151 = arith.constant 0 : i32
    %dma_wait3A_152 = tpu.memref_slice %arg3[%add3A, %dma_wait3A_149, %dma_wait3A_150, %dma_wait3A_151] : memref<32x125x2x80xi32, #tpu.memory_space<hbm>> -> memref<1x1x2x80xi32, #tpu.memory_space<hbm>>
    %dma_wait3A_153 = tpu.memref_squeeze %dma_wait3A_152 : memref<1x1x2x80xi32, #tpu.memory_space<hbm>> -> memref<2x80xi32, #tpu.memory_space<hbm>>
    %dma_wait3A_154 = arith.constant 0 : i32
    %dma_wait3A_155 = arith.constant 0 : i32
    %dma_wait3A_156 = tpu.memref_slice %arg3[%add3A, %dma_wait3A_149, %dma_wait3A_154, %dma_wait3A_155] : memref<32x125x2x80xi32, #tpu.memory_space<hbm>> -> memref<1x1x2x80xi32, #tpu.memory_space<hbm>>
    %dma_wait3A_157 = tpu.memref_squeeze %dma_wait3A_156 : memref<1x1x2x80xi32, #tpu.memory_space<hbm>> -> memref<2x80xi32, #tpu.memory_space<hbm>>
    tpu.wait_dma2 semaphore(%arg12 : memref<!tpu.dma_semaphore, #tpu.memory_space<semaphore_mem>>) src(%dma_wait3A_157 : memref<2x80xi32, #tpu.memory_space<hbm>>) dst(%arg5 : memref<2x80xi32, #tpu.memory_space<vmem>>)
    %dma_start3A_158 = arith.constant 0 : i32
    %dma_start3A_159 = arith.constant 0 : i32
    %dma_start3A_160 = tpu.memref_slice %arg5[%dma_start3A_158, %dma_start3A_159] : memref<2x80xi32, #tpu.memory_space<vmem>> -> memref<1x80xi32, #tpu.memory_space<vmem>>
    %dma_start3A_161 = tpu.memref_squeeze %dma_start3A_160 : memref<1x80xi32, #tpu.memory_space<vmem>> -> memref<80xi32, #tpu.memory_space<vmem>>
    %dma_start3A_162 = arith.constant 0 : i32
    %dma_start3A_163 = arith.constant 0 : i32
    %dma_start3A_164 = tpu.memref_slice %arg2[%dma_start3A_162, %dma_start3A_163] : memref<10000x128xf32, #tpu.memory_space<hbm>> -> memref<10000x128xf32, #tpu.memory_space<hbm>>
    tpu.enqueue_indirect_dma source(%dma_start3A_164 : memref<10000x128xf32, #tpu.memory_space<hbm>>) target(%arg8 : memref<80x128xf32, #tpu.memory_space<vmem>>) offsets(%dma_start3A_161 : memref<80xi32, #tpu.memory_space<vmem>>) semaphore(%arg15 : memref<!tpu.dma_semaphore, #tpu.memory_space<semaphore_mem>>)
    %dma_wait3A_165 = arith.constant 0 : i32
    %dma_wait3A_166 = arith.constant 0 : i32
    %dma_wait3A_167 = tpu.memref_slice %arg2[%dma_wait3A_165, %dma_wait3A_166] : memref<10000x128xf32, #tpu.memory_space<hbm>> -> memref<80x128xf32, #tpu.memory_space<hbm>>
    %dma_wait3A_168 = arith.constant 0 : i32
    %dma_wait3A_169 = arith.constant 0 : i32
    %dma_wait3A_170 = tpu.memref_slice %arg2[%dma_wait3A_168, %dma_wait3A_169] : memref<10000x128xf32, #tpu.memory_space<hbm>> -> memref<80x128xf32, #tpu.memory_space<hbm>>
    tpu.wait_dma2 semaphore(%arg17 : memref<!tpu.dma_semaphore, #tpu.memory_space<semaphore_mem>>) src(%dma_wait3A_170 : memref<80x128xf32, #tpu.memory_space<hbm>>) dst(%arg10 : memref<80x128xf32, #tpu.memory_space<vmem>>)
    %run_scoped3A_171 = arith.constant 1 : i32
    "tpu.region"() ({
      %run_scoped3A_207 = tpu.sem_alloc : memref<!tpu.dma_semaphore, #tpu.memory_space<semaphore_mem>>
      %dma_start3A_208 = arith.constant 0 : i32
      %dma_start3A_209 = tpu.memref_slice %arg7[%run_scoped3A_171, %dma_start3A_208] : memref<2x80xi32, #tpu.memory_space<vmem>> -> memref<1x80xi32, #tpu.memory_space<vmem>>
      %dma_start3A_210 = tpu.memref_squeeze %dma_start3A_209 : memref<1x80xi32, #tpu.memory_space<vmem>> -> memref<80xi32, #tpu.memory_space<vmem>>
      %dma_start3A_211 = arith.constant 0 : i32
      %dma_start3A_212 = arith.constant 0 : i32
      %dma_start3A_213 = tpu.memref_slice %arg11[%dma_start3A_211, %dma_start3A_212] : memref<10240x128xf32, #tpu.memory_space<vmem_shared>> -> memref<10240x128xf32, #tpu.memory_space<vmem_shared>>
      tpu.enqueue_indirect_dma source(%arg10 : memref<80x128xf32, #tpu.memory_space<vmem>>) target(%dma_start3A_213 : memref<10240x128xf32, #tpu.memory_space<vmem_shared>>) offsets(%dma_start3A_210 : memref<80xi32, #tpu.memory_space<vmem>>) semaphore(%run_scoped3A_207 : memref<!tpu.dma_semaphore, #tpu.memory_space<semaphore_mem>>) {add = true}
      %dma_wait3A_214 = arith.constant 0 : i32
      %dma_wait3A_215 = tpu.memref_slice %arg7[%run_scoped3A_171, %dma_wait3A_214] : memref<2x80xi32, #tpu.memory_space<vmem>> -> memref<1x80xi32, #tpu.memory_space<vmem>>
      %dma_wait3A_216 = tpu.memref_squeeze %dma_wait3A_215 : memref<1x80xi32, #tpu.memory_space<vmem>> -> memref<80xi32, #tpu.memory_space<vmem>>
      %dma_wait3A_217 = arith.constant 0 : i32
      %dma_wait3A_218 = arith.constant 0 : i32
      %dma_wait3A_219 = tpu.memref_slice %arg11[%dma_wait3A_217, %dma_wait3A_218] : memref<10240x128xf32, #tpu.memory_space<vmem_shared>> -> memref<10240x128xf32, #tpu.memory_space<vmem_shared>>
      tpu.wait_indirect_dma semaphore(%run_scoped3A_207 : memref<!tpu.dma_semaphore, #tpu.memory_space<semaphore_mem>>) src(%arg10 : memref<80x128xf32, #tpu.memory_space<vmem>>) dst(%dma_wait3A_219 : memref<10240x128xf32, #tpu.memory_space<vmem_shared>>)
      tpu.yield
    }) : () -> ()
    %dma_wait3A_172 = arith.constant 0 : i32
    %dma_wait3A_173 = arith.constant 0 : i32
    %dma_wait3A_174 = arith.constant 0 : i32
    %dma_wait3A_175 = tpu.memref_slice %arg3[%add3A, %dma_wait3A_172, %dma_wait3A_173, %dma_wait3A_174] : memref<32x125x2x80xi32, #tpu.memory_space<hbm>> -> memref<1x1x2x80xi32, #tpu.memory_space<hbm>>
    %dma_wait3A_176 = tpu.memref_squeeze %dma_wait3A_175 : memref<1x1x2x80xi32, #tpu.memory_space<hbm>> -> memref<2x80xi32, #tpu.memory_space<hbm>>
    %dma_wait3A_177 = arith.constant 0 : i32
    %dma_wait3A_178 = arith.constant 0 : i32
    %dma_wait3A_179 = tpu.memref_slice %arg3[%add3A, %dma_wait3A_172, %dma_wait3A_177, %dma_wait3A_178] : memref<32x125x2x80xi32, #tpu.memory_space<hbm>> -> memref<1x1x2x80xi32, #tpu.memory_space<hbm>>
    %dma_wait3A_180 = tpu.memref_squeeze %dma_wait3A_179 : memref<1x1x2x80xi32, #tpu.memory_space<hbm>> -> memref<2x80xi32, #tpu.memory_space<hbm>>
    tpu.wait_dma2 semaphore(%arg13 : memref<!tpu.dma_semaphore, #tpu.memory_space<semaphore_mem>>) src(%dma_wait3A_180 : memref<2x80xi32, #tpu.memory_space<hbm>>) dst(%arg6 : memref<2x80xi32, #tpu.memory_space<vmem>>)
    %dma_start3A_181 = arith.constant 0 : i32
    %dma_start3A_182 = arith.constant 0 : i32
    %dma_start3A_183 = tpu.memref_slice %arg6[%dma_start3A_181, %dma_start3A_182] : memref<2x80xi32, #tpu.memory_space<vmem>> -> memref<1x80xi32, #tpu.memory_space<vmem>>
    %dma_start3A_184 = tpu.memref_squeeze %dma_start3A_183 : memref<1x80xi32, #tpu.memory_space<vmem>> -> memref<80xi32, #tpu.memory_space<vmem>>
    %dma_start3A_185 = arith.constant 0 : i32
    %dma_start3A_186 = arith.constant 0 : i32
    %dma_start3A_187 = tpu.memref_slice %arg2[%dma_start3A_185, %dma_start3A_186] : memref<10000x128xf32, #tpu.memory_space<hbm>> -> memref<10000x128xf32, #tpu.memory_space<hbm>>
    tpu.enqueue_indirect_dma source(%dma_start3A_187 : memref<10000x128xf32, #tpu.memory_space<hbm>>) target(%arg9 : memref<80x128xf32, #tpu.memory_space<vmem>>) offsets(%dma_start3A_184 : memref<80xi32, #tpu.memory_space<vmem>>) semaphore(%arg16 : memref<!tpu.dma_semaphore, #tpu.memory_space<semaphore_mem>>)
    %dma_wait3A_188 = arith.constant 0 : i32
    %dma_wait3A_189 = arith.constant 0 : i32
    %dma_wait3A_190 = tpu.memref_slice %arg2[%dma_wait3A_188, %dma_wait3A_189] : memref<10000x128xf32, #tpu.memory_space<hbm>> -> memref<80x128xf32, #tpu.memory_space<hbm>>
    %dma_wait3A_191 = arith.constant 0 : i32
    %dma_wait3A_192 = arith.constant 0 : i32
    %dma_wait3A_193 = tpu.memref_slice %arg2[%dma_wait3A_191, %dma_wait3A_192] : memref<10000x128xf32, #tpu.memory_space<hbm>> -> memref<80x128xf32, #tpu.memory_space<hbm>>
    tpu.wait_dma2 semaphore(%arg15 : memref<!tpu.dma_semaphore, #tpu.memory_space<semaphore_mem>>) src(%dma_wait3A_193 : memref<80x128xf32, #tpu.memory_space<hbm>>) dst(%arg8 : memref<80x128xf32, #tpu.memory_space<vmem>>)
    %run_scoped3A_194 = arith.constant 1 : i32
    "tpu.region"() ({
      %run_scoped3A_207 = tpu.sem_alloc : memref<!tpu.dma_semaphore, #tpu.memory_space<semaphore_mem>>
      %dma_start3A_208 = arith.constant 0 : i32
      %dma_start3A_209 = tpu.memref_slice %arg5[%run_scoped3A_194, %dma_start3A_208] : memref<2x80xi32, #tpu.memory_space<vmem>> -> memref<1x80xi32, #tpu.memory_space<vmem>>
      %dma_start3A_210 = tpu.memref_squeeze %dma_start3A_209 : memref<1x80xi32, #tpu.memory_space<vmem>> -> memref<80xi32, #tpu.memory_space<vmem>>
      %dma_start3A_211 = arith.constant 0 : i32
      %dma_start3A_212 = arith.constant 0 : i32
      %dma_start3A_213 = tpu.memref_slice %arg11[%dma_start3A_211, %dma_start3A_212] : memref<10240x128xf32, #tpu.memory_space<vmem_shared>> -> memref<10240x128xf32, #tpu.memory_space<vmem_shared>>
      tpu.enqueue_indirect_dma source(%arg8 : memref<80x128xf32, #tpu.memory_space<vmem>>) target(%dma_start3A_213 : memref<10240x128xf32, #tpu.memory_space<vmem_shared>>) offsets(%dma_start3A_210 : memref<80xi32, #tpu.memory_space<vmem>>) semaphore(%run_scoped3A_207 : memref<!tpu.dma_semaphore, #tpu.memory_space<semaphore_mem>>) {add = true}
      %dma_wait3A_214 = arith.constant 0 : i32
      %dma_wait3A_215 = tpu.memref_slice %arg5[%run_scoped3A_194, %dma_wait3A_214] : memref<2x80xi32, #tpu.memory_space<vmem>> -> memref<1x80xi32, #tpu.memory_space<vmem>>
      %dma_wait3A_216 = tpu.memref_squeeze %dma_wait3A_215 : memref<1x80xi32, #tpu.memory_space<vmem>> -> memref<80xi32, #tpu.memory_space<vmem>>
      %dma_wait3A_217 = arith.constant 0 : i32
      %dma_wait3A_218 = arith.constant 0 : i32
      %dma_wait3A_219 = tpu.memref_slice %arg11[%dma_wait3A_217, %dma_wait3A_218] : memref<10240x128xf32, #tpu.memory_space<vmem_shared>> -> memref<10240x128xf32, #tpu.memory_space<vmem_shared>>
      tpu.wait_indirect_dma semaphore(%run_scoped3A_207 : memref<!tpu.dma_semaphore, #tpu.memory_space<semaphore_mem>>) src(%arg8 : memref<80x128xf32, #tpu.memory_space<vmem>>) dst(%dma_wait3A_219 : memref<10240x128xf32, #tpu.memory_space<vmem_shared>>)
      tpu.yield
    }) : () -> ()
    %dma_wait3A_195 = arith.constant 0 : i32
    %dma_wait3A_196 = arith.constant 0 : i32
    %dma_wait3A_197 = tpu.memref_slice %arg2[%dma_wait3A_195, %dma_wait3A_196] : memref<10000x128xf32, #tpu.memory_space<hbm>> -> memref<80x128xf32, #tpu.memory_space<hbm>>
    %dma_wait3A_198 = arith.constant 0 : i32
    %dma_wait3A_199 = arith.constant 0 : i32
    %dma_wait3A_200 = tpu.memref_slice %arg2[%dma_wait3A_198, %dma_wait3A_199] : memref<10000x128xf32, #tpu.memory_space<hbm>> -> memref<80x128xf32, #tpu.memory_space<hbm>>
    tpu.wait_dma2 semaphore(%arg16 : memref<!tpu.dma_semaphore, #tpu.memory_space<semaphore_mem>>) src(%dma_wait3A_200 : memref<80x128xf32, #tpu.memory_space<hbm>>) dst(%arg9 : memref<80x128xf32, #tpu.memory_space<vmem>>)
    %run_scoped3A_201 = arith.constant 1 : i32
    "tpu.region"() ({
      %run_scoped3A_207 = tpu.sem_alloc : memref<!tpu.dma_semaphore, #tpu.memory_space<semaphore_mem>>
      %dma_start3A_208 = arith.constant 0 : i32
      %dma_start3A_209 = tpu.memref_slice %arg6[%run_scoped3A_201, %dma_start3A_208] : memref<2x80xi32, #tpu.memory_space<vmem>> -> memref<1x80xi32, #tpu.memory_space<vmem>>
      %dma_start3A_210 = tpu.memref_squeeze %dma_start3A_209 : memref<1x80xi32, #tpu.memory_space<vmem>> -> memref<80xi32, #tpu.memory_space<vmem>>
      %dma_start3A_211 = arith.constant 0 : i32
      %dma_start3A_212 = arith.constant 0 : i32
      %dma_start3A_213 = tpu.memref_slice %arg11[%dma_start3A_211, %dma_start3A_212] : memref<10240x128xf32, #tpu.memory_space<vmem_shared>> -> memref<10240x128xf32, #tpu.memory_space<vmem_shared>>
      tpu.enqueue_indirect_dma source(%arg9 : memref<80x128xf32, #tpu.memory_space<vmem>>) target(%dma_start3A_213 : memref<10240x128xf32, #tpu.memory_space<vmem_shared>>) offsets(%dma_start3A_210 : memref<80xi32, #tpu.memory_space<vmem>>) semaphore(%run_scoped3A_207 : memref<!tpu.dma_semaphore, #tpu.memory_space<semaphore_mem>>) {add = true}
      %dma_wait3A_214 = arith.constant 0 : i32
      %dma_wait3A_215 = tpu.memref_slice %arg6[%run_scoped3A_201, %dma_wait3A_214] : memref<2x80xi32, #tpu.memory_space<vmem>> -> memref<1x80xi32, #tpu.memory_space<vmem>>
      %dma_wait3A_216 = tpu.memref_squeeze %dma_wait3A_215 : memref<1x80xi32, #tpu.memory_space<vmem>> -> memref<80xi32, #tpu.memory_space<vmem>>
      %dma_wait3A_217 = arith.constant 0 : i32
      %dma_wait3A_218 = arith.constant 0 : i32
      %dma_wait3A_219 = tpu.memref_slice %arg11[%dma_wait3A_217, %dma_wait3A_218] : memref<10240x128xf32, #tpu.memory_space<vmem_shared>> -> memref<10240x128xf32, #tpu.memory_space<vmem_shared>>
      tpu.wait_indirect_dma semaphore(%run_scoped3A_207 : memref<!tpu.dma_semaphore, #tpu.memory_space<semaphore_mem>>) src(%arg9 : memref<80x128xf32, #tpu.memory_space<vmem>>) dst(%dma_wait3A_219 : memref<10240x128xf32, #tpu.memory_space<vmem_shared>>)
      tpu.yield
    }) : () -> ()
    %barrier3A_202 = arith.constant 0 : index
    tpu.barrier barrier_id(%barrier3A_202)
    %mul3A_203 = arith.constant 640 : i32
    %mul3A_204 = arith.muli %arg1, %mul3A_203 : i32
    %mul3A_205 = arith.constant 640 : i32
    %mul3A_206 = arith.muli %arg1, %mul3A_205 : i32
    "tpu.region"() ({
      %run_scoped3A_207 = tpu.sem_alloc : memref<!tpu.dma_semaphore, #tpu.memory_space<semaphore_mem>>
      %dma_start3A_208 = arith.constant 0 : i32
      %dma_start3A_209 = tpu.memref_slice %arg4[%arg0, %mul3A_206, %dma_start3A_208] : memref<2x10240x128xf32, #tpu.memory_space<hbm>> -> memref<1x640x128xf32, #tpu.memory_space<hbm>>
      %dma_start3A_210 = tpu.memref_squeeze %dma_start3A_209 : memref<1x640x128xf32, #tpu.memory_space<hbm>> -> memref<640x128xf32, #tpu.memory_space<hbm>>
      %dma_start3A_211 = arith.constant 0 : i32
      %dma_start3A_212 = tpu.memref_slice %arg11[%mul3A_204, %dma_start3A_211] : memref<10240x128xf32, #tpu.memory_space<vmem_shared>> -> memref<640x128xf32, #tpu.memory_space<vmem_shared>>
      tpu.enqueue_dma source(%dma_start3A_212 : memref<640x128xf32, #tpu.memory_space<vmem_shared>>) target(%dma_start3A_210 : memref<640x128xf32, #tpu.memory_space<hbm>>) target_semaphore(%run_scoped3A_207 : memref<!tpu.dma_semaphore, #tpu.memory_space<semaphore_mem>>)
      %dma_wait3A_213 = arith.constant 0 : i32
      %dma_wait3A_214 = tpu.memref_slice %arg4[%arg0, %mul3A_206, %dma_wait3A_213] : memref<2x10240x128xf32, #tpu.memory_space<hbm>> -> memref<1x640x128xf32, #tpu.memory_space<hbm>>
      %dma_wait3A_215 = tpu.memref_squeeze %dma_wait3A_214 : memref<1x640x128xf32, #tpu.memory_space<hbm>> -> memref<640x128xf32, #tpu.memory_space<hbm>>
      %dma_wait3A_216 = arith.constant 0 : i32
      %dma_wait3A_217 = tpu.memref_slice %arg11[%mul3A_204, %dma_wait3A_216] : memref<10240x128xf32, #tpu.memory_space<vmem_shared>> -> memref<640x128xf32, #tpu.memory_space<vmem_shared>>
      tpu.wait_dma2 semaphore(%run_scoped3A_207 : memref<!tpu.dma_semaphore, #tpu.memory_space<semaphore_mem>>) src(%dma_wait3A_217 : memref<640x128xf32, #tpu.memory_space<vmem_shared>>) dst(%dma_wait3A_215 : memref<640x128xf32, #tpu.memory_space<hbm>>)
      tpu.yield
    }) : () -> ()
    return
  }
}

#map = affine_map<(d0, d1) -> (0, 0)>
#map1 = affine_map<(d0, d1) -> (0, 0, 0, 0)>
#map2 = affine_map<(d0, d1) -> (0, 0, 0)>
module attributes {stable_mosaic.version = 14 : i64} {
  func.func @_sc_edge_scatter(%arg0: i32, %arg1: i32, %arg2: memref<10000x128xf32, #tpu.memory_space<hbm>>, %arg3: memref<32x125x2x80xi32, #tpu.memory_space<hbm>>, %arg4: memref<2x10240x128xf32, #tpu.memory_space<hbm>>, %arg5: memref<2x80xi32, #tpu.memory_space<vmem>>, %arg6: memref<2x80xi32, #tpu.memory_space<vmem>>, %arg7: memref<2x80xi32, #tpu.memory_space<vmem>>, %arg8: memref<80x128xf32, #tpu.memory_space<vmem>>, %arg9: memref<80x128xf32, #tpu.memory_space<vmem>>, %arg10: memref<80x128xf32, #tpu.memory_space<vmem>>, %arg11: memref<10240x128xf32, #tpu.memory_space<vmem_shared>>, %arg12: memref<!tpu.dma_semaphore, #tpu.memory_space<semaphore_mem>>, %arg13: memref<!tpu.dma_semaphore, #tpu.memory_space<semaphore_mem>>, %arg14: memref<!tpu.dma_semaphore, #tpu.memory_space<semaphore_mem>>, %arg15: memref<!tpu.dma_semaphore, #tpu.memory_space<semaphore_mem>>, %arg16: memref<!tpu.dma_semaphore, #tpu.memory_space<semaphore_mem>>, %arg17: memref<!tpu.dma_semaphore, #tpu.memory_space<semaphore_mem>>) attributes {dimension_semantics = [#tpu.dimension_semantics<core_parallel>, #tpu.dimension_semantics<subcore_parallel>], iteration_bounds = array<i64: 2, 16>, scalar_prefetch = 0 : i64, scratch_operands = 13 : i64, tpu.core_type = #tpu.core_type<sc_vector_subcore>, window_params = [{transform_indices = #map}, {transform_indices = #map1}, {transform_indices = #map2}]} {
    %mul3A = arith.constant 2 : i32
    %mul3A_0 = arith.muli %arg1, %mul3A : i32
    %add3A = arith.addi %mul3A_0, %arg0 : i32
    %broadcast_in_dim3A = arith.constant 0.000000e+00 : f32
    %broadcast_in_dim3A_1 = vector.broadcast %broadcast_in_dim3A : f32 to vector<16xf32>
    %scan3A = arith.constant 0 : i32
    %scan3A_2 = arith.constant 0 : i32
    %scan3A_3 = arith.constant 80 : i32
    %scan3A_4 = arith.addi %scan3A_2, %scan3A_3 : i32
    %scan3A_5 = arith.constant 1 : i32
    scf.for %scan3A_207 = %scan3A_2 to %scan3A_4 step %scan3A_5  : i32 {
      %swap3A = arith.index_cast %scan3A_207 : i32 to index
      %swap3A_208 = arith.constant 0 : index
      %swap3A_209 = tpu.vector_load %arg8[%swap3A, %swap3A_208] {strides = array<i32>} : memref<80x128xf32, #tpu.memory_space<vmem>>, vector<16xf32>,
      tpu.vector_store %arg8[%swap3A, %swap3A_208], %broadcast_in_dim3A_1 {strides = array<i32>} : memref<80x128xf32, #tpu.memory_space<vmem>>, vector<16xf32>,
      %swap3A_210 = arith.index_cast %scan3A_207 : i32 to index
      %swap3A_211 = arith.constant 16 : index
      %swap3A_212 = tpu.vector_load %arg8[%swap3A_210, %swap3A_211] {strides = array<i32>} : memref<80x128xf32, #tpu.memory_space<vmem>>, vector<16xf32>,
      tpu.vector_store %arg8[%swap3A_210, %swap3A_211], %broadcast_in_dim3A_1 {strides = array<i32>} : memref<80x128xf32, #tpu.memory_space<vmem>>, vector<16xf32>,
      %swap3A_213 = arith.index_cast %scan3A_207 : i32 to index
      %swap3A_214 = arith.constant 32 : index
      %swap3A_215 = tpu.vector_load %arg8[%swap3A_213, %swap3A_214] {strides = array<i32>} : memref<80x128xf32, #tpu.memory_space<vmem>>, vector<16xf32>,
      tpu.vector_store %arg8[%swap3A_213, %swap3A_214], %broadcast_in_dim3A_1 {strides = array<i32>} : memref<80x128xf32, #tpu.memory_space<vmem>>, vector<16xf32>,
      %swap3A_216 = arith.index_cast %scan3A_207 : i32 to index
      %swap3A_217 = arith.constant 48 : index
      %swap3A_218 = tpu.vector_load %arg8[%swap3A_216, %swap3A_217] {strides = array<i32>} : memref<80x128xf32, #tpu.memory_space<vmem>>, vector<16xf32>,
      tpu.vector_store %arg8[%swap3A_216, %swap3A_217], %broadcast_in_dim3A_1 {strides = array<i32>} : memref<80x128xf32, #tpu.memory_space<vmem>>, vector<16xf32>,
      %swap3A_219 = arith.index_cast %scan3A_207 : i32 to index
      %swap3A_220 = arith.constant 64 : index
      %swap3A_221 = tpu.vector_load %arg8[%swap3A_219, %swap3A_220] {strides = array<i32>} : memref<80x128xf32, #tpu.memory_space<vmem>>, vector<16xf32>,
      tpu.vector_store %arg8[%swap3A_219, %swap3A_220], %broadcast_in_dim3A_1 {strides = array<i32>} : memref<80x128xf32, #tpu.memory_space<vmem>>, vector<16xf32>,
      %swap3A_222 = arith.index_cast %scan3A_207 : i32 to index
      %swap3A_223 = arith.constant 80 : index
      %swap3A_224 = tpu.vector_load %arg8[%swap3A_222, %swap3A_223] {strides = array<i32>} : memref<80x128xf32, #tpu.memory_space<vmem>>, vector<16xf32>,
      tpu.vector_store %arg8[%swap3A_222, %swap3A_223], %broadcast_in_dim3A_1 {strides = array<i32>} : memref<80x128xf32, #tpu.memory_space<vmem>>, vector<16xf32>,
      %swap3A_225 = arith.index_cast %scan3A_207 : i32 to index
      %swap3A_226 = arith.constant 96 : index
      %swap3A_227 = tpu.vector_load %arg8[%swap3A_225, %swap3A_226] {strides = array<i32>} : memref<80x128xf32, #tpu.memory_space<vmem>>, vector<16xf32>,
      tpu.vector_store %arg8[%swap3A_225, %swap3A_226], %broadcast_in_dim3A_1 {strides = array<i32>} : memref<80x128xf32, #tpu.memory_space<vmem>>, vector<16xf32>,
      %swap3A_228 = arith.index_cast %scan3A_207 : i32 to index
      %swap3A_229 = arith.constant 112 : index
      %swap3A_230 = tpu.vector_load %arg8[%swap3A_228, %swap3A_229] {strides = array<i32>} : memref<80x128xf32, #tpu.memory_space<vmem>>, vector<16xf32>,
      tpu.vector_store %arg8[%swap3A_228, %swap3A_229], %broadcast_in_dim3A_1 {strides = array<i32>} : memref<80x128xf32, #tpu.memory_space<vmem>>, vector<16xf32>,
    }
    %scan3A_6 = arith.constant 80 : i32
    %mul3A_7 = arith.constant 640 : i32
    %mul3A_8 = arith.muli %arg1, %mul3A_7 : i32
    %add3A_9 = arith.constant 0 : i32
    %add3A_10 = arith.addi %mul3A_8, %add3A_9 : i32
    "tpu.region"() ({
      %run_scoped3A_207 = tpu.sem_alloc : memref<!tpu.dma_semaphore, #tpu.memory_space<semaphore_mem>>
      %dma_start3A_208 = arith.constant 0 : i32
      %dma_start3A_209 = arith.constant 0 : i32
      %dma_start3A_210 = tpu.memref_slice %arg8[%dma_start3A_208, %dma_start3A_209] : memref<80x128xf32, #tpu.memory_space<vmem>> -> memref<80x128xf32, #tpu.memory_space<vmem>>
      %dma_start3A_211 = arith.constant 0 : i32
      %dma_start3A_212 = tpu.memref_slice %arg11[%add3A_10, %dma_start3A_211] : memref<10240x128xf32, #tpu.memory_space<vmem_shared>> -> memref<80x128xf32, #tpu.memory_space<vmem_shared>>
      %dma_start3A_213 = arith.constant 0 : i32
      %dma_start3A_214 = tpu.memref_slice %arg11[%add3A_10, %dma_start3A_213] : memref<10240x128xf32, #tpu.memory_space<vmem_shared>> -> memref<80x128xf32, #tpu.memory_space<vmem_shared>>
      %dma_start3A_215 = arith.constant 0 : i32
      %dma_start3A_216 = arith.constant 0 : i32
      %dma_start3A_217 = tpu.memref_slice %arg8[%dma_start3A_215, %dma_start3A_216] : memref<80x128xf32, #tpu.memory_space<vmem>> -> memref<80x128xf32, #tpu.memory_space<vmem>>
      tpu.enqueue_dma source(%dma_start3A_217 : memref<80x128xf32, #tpu.memory_space<vmem>>) target(%dma_start3A_214 : memref<80x128xf32, #tpu.memory_space<vmem_shared>>) target_semaphore(%run_scoped3A_207 : memref<!tpu.dma_semaphore, #tpu.memory_space<semaphore_mem>>)
      %dma_wait3A_218 = arith.constant 0 : i32
      %dma_wait3A_219 = arith.constant 0 : i32
      %dma_wait3A_220 = tpu.memref_slice %arg8[%dma_wait3A_218, %dma_wait3A_219] : memref<80x128xf32, #tpu.memory_space<vmem>> -> memref<80x128xf32, #tpu.memory_space<vmem>>
      %dma_wait3A_221 = arith.constant 0 : i32
      %dma_wait3A_222 = tpu.memref_slice %arg11[%add3A_10, %dma_wait3A_221] : memref<10240x128xf32, #tpu.memory_space<vmem_shared>> -> memref<80x128xf32, #tpu.memory_space<vmem_shared>>
      %dma_wait3A_223 = arith.constant 0 : i32
      %dma_wait3A_224 = tpu.memref_slice %arg11[%add3A_10, %dma_wait3A_223] : memref<10240x128xf32, #tpu.memory_space<vmem_shared>> -> memref<80x128xf32, #tpu.memory_space<vmem_shared>>
      %dma_wait3A_225 = arith.constant 0 : i32
      %dma_wait3A_226 = arith.constant 0 : i32
      %dma_wait3A_227 = tpu.memref_slice %arg8[%dma_wait3A_225, %dma_wait3A_226] : memref<80x128xf32, #tpu.memory_space<vmem>> -> memref<80x128xf32, #tpu.memory_space<vmem>>
      tpu.wait_dma2 semaphore(%run_scoped3A_207 : memref<!tpu.dma_semaphore, #tpu.memory_space<semaphore_mem>>) src(%dma_wait3A_227 : memref<80x128xf32, #tpu.memory_space<vmem>>) dst(%dma_wait3A_224 : memref<80x128xf32, #tpu.memory_space<vmem_shared>>)
      tpu.yield
    }) : () -> ()
    %mul3A_11 = arith.constant 640 : i32
    %mul3A_12 = arith.muli %arg1, %mul3A_11 : i32
    %add3A_13 = arith.constant 80 : i32
    %add3A_14 = arith.addi %mul3A_12, %add3A_13 : i32
    "tpu.region"() ({
      %run_scoped3A_207 = tpu.sem_alloc : memref<!tpu.dma_semaphore, #tpu.memory_space<semaphore_mem>>
      %dma_start3A_208 = arith.constant 0 : i32
      %dma_start3A_209 = arith.constant 0 : i32
      %dma_start3A_210 = tpu.memref_slice %arg8[%dma_start3A_208, %dma_start3A_209] : memref<80x128xf32, #tpu.memory_space<vmem>> -> memref<80x128xf32, #tpu.memory_space<vmem>>
      %dma_start3A_211 = arith.constant 0 : i32
      %dma_start3A_212 = tpu.memref_slice %arg11[%add3A_14, %dma_start3A_211] : memref<10240x128xf32, #tpu.memory_space<vmem_shared>> -> memref<80x128xf32, #tpu.memory_space<vmem_shared>>
      %dma_start3A_213 = arith.constant 0 : i32
      %dma_start3A_214 = tpu.memref_slice %arg11[%add3A_14, %dma_start3A_213] : memref<10240x128xf32, #tpu.memory_space<vmem_shared>> -> memref<80x128xf32, #tpu.memory_space<vmem_shared>>
      %dma_start3A_215 = arith.constant 0 : i32
      %dma_start3A_216 = arith.constant 0 : i32
      %dma_start3A_217 = tpu.memref_slice %arg8[%dma_start3A_215, %dma_start3A_216] : memref<80x128xf32, #tpu.memory_space<vmem>> -> memref<80x128xf32, #tpu.memory_space<vmem>>
      tpu.enqueue_dma source(%dma_start3A_217 : memref<80x128xf32, #tpu.memory_space<vmem>>) target(%dma_start3A_214 : memref<80x128xf32, #tpu.memory_space<vmem_shared>>) target_semaphore(%run_scoped3A_207 : memref<!tpu.dma_semaphore, #tpu.memory_space<semaphore_mem>>)
      %dma_wait3A_218 = arith.constant 0 : i32
      %dma_wait3A_219 = arith.constant 0 : i32
      %dma_wait3A_220 = tpu.memref_slice %arg8[%dma_wait3A_218, %dma_wait3A_219] : memref<80x128xf32, #tpu.memory_space<vmem>> -> memref<80x128xf32, #tpu.memory_space<vmem>>
      %dma_wait3A_221 = arith.constant 0 : i32
      %dma_wait3A_222 = tpu.memref_slice %arg11[%add3A_14, %dma_wait3A_221] : memref<10240x128xf32, #tpu.memory_space<vmem_shared>> -> memref<80x128xf32, #tpu.memory_space<vmem_shared>>
      %dma_wait3A_223 = arith.constant 0 : i32
      %dma_wait3A_224 = tpu.memref_slice %arg11[%add3A_14, %dma_wait3A_223] : memref<10240x128xf32, #tpu.memory_space<vmem_shared>> -> memref<80x128xf32, #tpu.memory_space<vmem_shared>>
      %dma_wait3A_225 = arith.constant 0 : i32
      %dma_wait3A_226 = arith.constant 0 : i32
      %dma_wait3A_227 = tpu.memref_slice %arg8[%dma_wait3A_225, %dma_wait3A_226] : memref<80x128xf32, #tpu.memory_space<vmem>> -> memref<80x128xf32, #tpu.memory_space<vmem>>
      tpu.wait_dma2 semaphore(%run_scoped3A_207 : memref<!tpu.dma_semaphore, #tpu.memory_space<semaphore_mem>>) src(%dma_wait3A_227 : memref<80x128xf32, #tpu.memory_space<vmem>>) dst(%dma_wait3A_224 : memref<80x128xf32, #tpu.memory_space<vmem_shared>>)
      tpu.yield
    }) : () -> ()
    %mul3A_15 = arith.constant 640 : i32
    %mul3A_16 = arith.muli %arg1, %mul3A_15 : i32
    %add3A_17 = arith.constant 160 : i32
    %add3A_18 = arith.addi %mul3A_16, %add3A_17 : i32
    "tpu.region"() ({
      %run_scoped3A_207 = tpu.sem_alloc : memref<!tpu.dma_semaphore, #tpu.memory_space<semaphore_mem>>
      %dma_start3A_208 = arith.constant 0 : i32
      %dma_start3A_209 = arith.constant 0 : i32
      %dma_start3A_210 = tpu.memref_slice %arg8[%dma_start3A_208, %dma_start3A_209] : memref<80x128xf32, #tpu.memory_space<vmem>> -> memref<80x128xf32, #tpu.memory_space<vmem>>
      %dma_start3A_211 = arith.constant 0 : i32
      %dma_start3A_212 = tpu.memref_slice %arg11[%add3A_18, %dma_start3A_211] : memref<10240x128xf32, #tpu.memory_space<vmem_shared>> -> memref<80x128xf32, #tpu.memory_space<vmem_shared>>
      %dma_start3A_213 = arith.constant 0 : i32
      %dma_start3A_214 = tpu.memref_slice %arg11[%add3A_18, %dma_start3A_213] : memref<10240x128xf32, #tpu.memory_space<vmem_shared>> -> memref<80x128xf32, #tpu.memory_space<vmem_shared>>
      %dma_start3A_215 = arith.constant 0 : i32
      %dma_start3A_216 = arith.constant 0 : i32
      %dma_start3A_217 = tpu.memref_slice %arg8[%dma_start3A_215, %dma_start3A_216] : memref<80x128xf32, #tpu.memory_space<vmem>> -> memref<80x128xf32, #tpu.memory_space<vmem>>
      tpu.enqueue_dma source(%dma_start3A_217 : memref<80x128xf32, #tpu.memory_space<vmem>>) target(%dma_start3A_214 : memref<80x128xf32, #tpu.memory_space<vmem_shared>>) target_semaphore(%run_scoped3A_207 : memref<!tpu.dma_semaphore, #tpu.memory_space<semaphore_mem>>)
      %dma_wait3A_218 = arith.constant 0 : i32
      %dma_wait3A_219 = arith.constant 0 : i32
      %dma_wait3A_220 = tpu.memref_slice %arg8[%dma_wait3A_218, %dma_wait3A_219] : memref<80x128xf32, #tpu.memory_space<vmem>> -> memref<80x128xf32, #tpu.memory_space<vmem>>
      %dma_wait3A_221 = arith.constant 0 : i32
      %dma_wait3A_222 = tpu.memref_slice %arg11[%add3A_18, %dma_wait3A_221] : memref<10240x128xf32, #tpu.memory_space<vmem_shared>> -> memref<80x128xf32, #tpu.memory_space<vmem_shared>>
      %dma_wait3A_223 = arith.constant 0 : i32
      %dma_wait3A_224 = tpu.memref_slice %arg11[%add3A_18, %dma_wait3A_223] : memref<10240x128xf32, #tpu.memory_space<vmem_shared>> -> memref<80x128xf32, #tpu.memory_space<vmem_shared>>
      %dma_wait3A_225 = arith.constant 0 : i32
      %dma_wait3A_226 = arith.constant 0 : i32
      %dma_wait3A_227 = tpu.memref_slice %arg8[%dma_wait3A_225, %dma_wait3A_226] : memref<80x128xf32, #tpu.memory_space<vmem>> -> memref<80x128xf32, #tpu.memory_space<vmem>>
      tpu.wait_dma2 semaphore(%run_scoped3A_207 : memref<!tpu.dma_semaphore, #tpu.memory_space<semaphore_mem>>) src(%dma_wait3A_227 : memref<80x128xf32, #tpu.memory_space<vmem>>) dst(%dma_wait3A_224 : memref<80x128xf32, #tpu.memory_space<vmem_shared>>)
      tpu.yield
    }) : () -> ()
    %mul3A_19 = arith.constant 640 : i32
    %mul3A_20 = arith.muli %arg1, %mul3A_19 : i32
    %add3A_21 = arith.constant 240 : i32
    %add3A_22 = arith.addi %mul3A_20, %add3A_21 : i32
    "tpu.region"() ({
      %run_scoped3A_207 = tpu.sem_alloc : memref<!tpu.dma_semaphore, #tpu.memory_space<semaphore_mem>>
      %dma_start3A_208 = arith.constant 0 : i32
      %dma_start3A_209 = arith.constant 0 : i32
      %dma_start3A_210 = tpu.memref_slice %arg8[%dma_start3A_208, %dma_start3A_209] : memref<80x128xf32, #tpu.memory_space<vmem>> -> memref<80x128xf32, #tpu.memory_space<vmem>>
      %dma_start3A_211 = arith.constant 0 : i32
      %dma_start3A_212 = tpu.memref_slice %arg11[%add3A_22, %dma_start3A_211] : memref<10240x128xf32, #tpu.memory_space<vmem_shared>> -> memref<80x128xf32, #tpu.memory_space<vmem_shared>>
      %dma_start3A_213 = arith.constant 0 : i32
      %dma_start3A_214 = tpu.memref_slice %arg11[%add3A_22, %dma_start3A_213] : memref<10240x128xf32, #tpu.memory_space<vmem_shared>> -> memref<80x128xf32, #tpu.memory_space<vmem_shared>>
      %dma_start3A_215 = arith.constant 0 : i32
      %dma_start3A_216 = arith.constant 0 : i32
      %dma_start3A_217 = tpu.memref_slice %arg8[%dma_start3A_215, %dma_start3A_216] : memref<80x128xf32, #tpu.memory_space<vmem>> -> memref<80x128xf32, #tpu.memory_space<vmem>>
      tpu.enqueue_dma source(%dma_start3A_217 : memref<80x128xf32, #tpu.memory_space<vmem>>) target(%dma_start3A_214 : memref<80x128xf32, #tpu.memory_space<vmem_shared>>) target_semaphore(%run_scoped3A_207 : memref<!tpu.dma_semaphore, #tpu.memory_space<semaphore_mem>>)
      %dma_wait3A_218 = arith.constant 0 : i32
      %dma_wait3A_219 = arith.constant 0 : i32
      %dma_wait3A_220 = tpu.memref_slice %arg8[%dma_wait3A_218, %dma_wait3A_219] : memref<80x128xf32, #tpu.memory_space<vmem>> -> memref<80x128xf32, #tpu.memory_space<vmem>>
      %dma_wait3A_221 = arith.constant 0 : i32
      %dma_wait3A_222 = tpu.memref_slice %arg11[%add3A_22, %dma_wait3A_221] : memref<10240x128xf32, #tpu.memory_space<vmem_shared>> -> memref<80x128xf32, #tpu.memory_space<vmem_shared>>
      %dma_wait3A_223 = arith.constant 0 : i32
      %dma_wait3A_224 = tpu.memref_slice %arg11[%add3A_22, %dma_wait3A_223] : memref<10240x128xf32, #tpu.memory_space<vmem_shared>> -> memref<80x128xf32, #tpu.memory_space<vmem_shared>>
      %dma_wait3A_225 = arith.constant 0 : i32
      %dma_wait3A_226 = arith.constant 0 : i32
      %dma_wait3A_227 = tpu.memref_slice %arg8[%dma_wait3A_225, %dma_wait3A_226] : memref<80x128xf32, #tpu.memory_space<vmem>> -> memref<80x128xf32, #tpu.memory_space<vmem>>
      tpu.wait_dma2 semaphore(%run_scoped3A_207 : memref<!tpu.dma_semaphore, #tpu.memory_space<semaphore_mem>>) src(%dma_wait3A_227 : memref<80x128xf32, #tpu.memory_space<vmem>>) dst(%dma_wait3A_224 : memref<80x128xf32, #tpu.memory_space<vmem_shared>>)
      tpu.yield
    }) : () -> ()
    %mul3A_23 = arith.constant 640 : i32
    %mul3A_24 = arith.muli %arg1, %mul3A_23 : i32
    %add3A_25 = arith.constant 320 : i32
    %add3A_26 = arith.addi %mul3A_24, %add3A_25 : i32
    "tpu.region"() ({
      %run_scoped3A_207 = tpu.sem_alloc : memref<!tpu.dma_semaphore, #tpu.memory_space<semaphore_mem>>
      %dma_start3A_208 = arith.constant 0 : i32
      %dma_start3A_209 = arith.constant 0 : i32
      %dma_start3A_210 = tpu.memref_slice %arg8[%dma_start3A_208, %dma_start3A_209] : memref<80x128xf32, #tpu.memory_space<vmem>> -> memref<80x128xf32, #tpu.memory_space<vmem>>
      %dma_start3A_211 = arith.constant 0 : i32
      %dma_start3A_212 = tpu.memref_slice %arg11[%add3A_26, %dma_start3A_211] : memref<10240x128xf32, #tpu.memory_space<vmem_shared>> -> memref<80x128xf32, #tpu.memory_space<vmem_shared>>
      %dma_start3A_213 = arith.constant 0 : i32
      %dma_start3A_214 = tpu.memref_slice %arg11[%add3A_26, %dma_start3A_213] : memref<10240x128xf32, #tpu.memory_space<vmem_shared>> -> memref<80x128xf32, #tpu.memory_space<vmem_shared>>
      %dma_start3A_215 = arith.constant 0 : i32
      %dma_start3A_216 = arith.constant 0 : i32
      %dma_start3A_217 = tpu.memref_slice %arg8[%dma_start3A_215, %dma_start3A_216] : memref<80x128xf32, #tpu.memory_space<vmem>> -> memref<80x128xf32, #tpu.memory_space<vmem>>
      tpu.enqueue_dma source(%dma_start3A_217 : memref<80x128xf32, #tpu.memory_space<vmem>>) target(%dma_start3A_214 : memref<80x128xf32, #tpu.memory_space<vmem_shared>>) target_semaphore(%run_scoped3A_207 : memref<!tpu.dma_semaphore, #tpu.memory_space<semaphore_mem>>)
      %dma_wait3A_218 = arith.constant 0 : i32
      %dma_wait3A_219 = arith.constant 0 : i32
      %dma_wait3A_220 = tpu.memref_slice %arg8[%dma_wait3A_218, %dma_wait3A_219] : memref<80x128xf32, #tpu.memory_space<vmem>> -> memref<80x128xf32, #tpu.memory_space<vmem>>
      %dma_wait3A_221 = arith.constant 0 : i32
      %dma_wait3A_222 = tpu.memref_slice %arg11[%add3A_26, %dma_wait3A_221] : memref<10240x128xf32, #tpu.memory_space<vmem_shared>> -> memref<80x128xf32, #tpu.memory_space<vmem_shared>>
      %dma_wait3A_223 = arith.constant 0 : i32
      %dma_wait3A_224 = tpu.memref_slice %arg11[%add3A_26, %dma_wait3A_223] : memref<10240x128xf32, #tpu.memory_space<vmem_shared>> -> memref<80x128xf32, #tpu.memory_space<vmem_shared>>
      %dma_wait3A_225 = arith.constant 0 : i32
      %dma_wait3A_226 = arith.constant 0 : i32
      %dma_wait3A_227 = tpu.memref_slice %arg8[%dma_wait3A_225, %dma_wait3A_226] : memref<80x128xf32, #tpu.memory_space<vmem>> -> memref<80x128xf32, #tpu.memory_space<vmem>>
      tpu.wait_dma2 semaphore(%run_scoped3A_207 : memref<!tpu.dma_semaphore, #tpu.memory_space<semaphore_mem>>) src(%dma_wait3A_227 : memref<80x128xf32, #tpu.memory_space<vmem>>) dst(%dma_wait3A_224 : memref<80x128xf32, #tpu.memory_space<vmem_shared>>)
      tpu.yield
    }) : () -> ()
    %mul3A_27 = arith.constant 640 : i32
    %mul3A_28 = arith.muli %arg1, %mul3A_27 : i32
    %add3A_29 = arith.constant 400 : i32
    %add3A_30 = arith.addi %mul3A_28, %add3A_29 : i32
    "tpu.region"() ({
      %run_scoped3A_207 = tpu.sem_alloc : memref<!tpu.dma_semaphore, #tpu.memory_space<semaphore_mem>>
      %dma_start3A_208 = arith.constant 0 : i32
      %dma_start3A_209 = arith.constant 0 : i32
      %dma_start3A_210 = tpu.memref_slice %arg8[%dma_start3A_208, %dma_start3A_209] : memref<80x128xf32, #tpu.memory_space<vmem>> -> memref<80x128xf32, #tpu.memory_space<vmem>>
      %dma_start3A_211 = arith.constant 0 : i32
      %dma_start3A_212 = tpu.memref_slice %arg11[%add3A_30, %dma_start3A_211] : memref<10240x128xf32, #tpu.memory_space<vmem_shared>> -> memref<80x128xf32, #tpu.memory_space<vmem_shared>>
      %dma_start3A_213 = arith.constant 0 : i32
      %dma_start3A_214 = tpu.memref_slice %arg11[%add3A_30, %dma_start3A_213] : memref<10240x128xf32, #tpu.memory_space<vmem_shared>> -> memref<80x128xf32, #tpu.memory_space<vmem_shared>>
      %dma_start3A_215 = arith.constant 0 : i32
      %dma_start3A_216 = arith.constant 0 : i32
      %dma_start3A_217 = tpu.memref_slice %arg8[%dma_start3A_215, %dma_start3A_216] : memref<80x128xf32, #tpu.memory_space<vmem>> -> memref<80x128xf32, #tpu.memory_space<vmem>>
      tpu.enqueue_dma source(%dma_start3A_217 : memref<80x128xf32, #tpu.memory_space<vmem>>) target(%dma_start3A_214 : memref<80x128xf32, #tpu.memory_space<vmem_shared>>) target_semaphore(%run_scoped3A_207 : memref<!tpu.dma_semaphore, #tpu.memory_space<semaphore_mem>>)
      %dma_wait3A_218 = arith.constant 0 : i32
      %dma_wait3A_219 = arith.constant 0 : i32
      %dma_wait3A_220 = tpu.memref_slice %arg8[%dma_wait3A_218, %dma_wait3A_219] : memref<80x128xf32, #tpu.memory_space<vmem>> -> memref<80x128xf32, #tpu.memory_space<vmem>>
      %dma_wait3A_221 = arith.constant 0 : i32
      %dma_wait3A_222 = tpu.memref_slice %arg11[%add3A_30, %dma_wait3A_221] : memref<10240x128xf32, #tpu.memory_space<vmem_shared>> -> memref<80x128xf32, #tpu.memory_space<vmem_shared>>
      %dma_wait3A_223 = arith.constant 0 : i32
      %dma_wait3A_224 = tpu.memref_slice %arg11[%add3A_30, %dma_wait3A_223] : memref<10240x128xf32, #tpu.memory_space<vmem_shared>> -> memref<80x128xf32, #tpu.memory_space<vmem_shared>>
      %dma_wait3A_225 = arith.constant 0 : i32
      %dma_wait3A_226 = arith.constant 0 : i32
      %dma_wait3A_227 = tpu.memref_slice %arg8[%dma_wait3A_225, %dma_wait3A_226] : memref<80x128xf32, #tpu.memory_space<vmem>> -> memref<80x128xf32, #tpu.memory_space<vmem>>
      tpu.wait_dma2 semaphore(%run_scoped3A_207 : memref<!tpu.dma_semaphore, #tpu.memory_space<semaphore_mem>>) src(%dma_wait3A_227 : memref<80x128xf32, #tpu.memory_space<vmem>>) dst(%dma_wait3A_224 : memref<80x128xf32, #tpu.memory_space<vmem_shared>>)
      tpu.yield
    }) : () -> ()
    %mul3A_31 = arith.constant 640 : i32
    %mul3A_32 = arith.muli %arg1, %mul3A_31 : i32
    %add3A_33 = arith.constant 480 : i32
    %add3A_34 = arith.addi %mul3A_32, %add3A_33 : i32
    "tpu.region"() ({
      %run_scoped3A_207 = tpu.sem_alloc : memref<!tpu.dma_semaphore, #tpu.memory_space<semaphore_mem>>
      %dma_start3A_208 = arith.constant 0 : i32
      %dma_start3A_209 = arith.constant 0 : i32
      %dma_start3A_210 = tpu.memref_slice %arg8[%dma_start3A_208, %dma_start3A_209] : memref<80x128xf32, #tpu.memory_space<vmem>> -> memref<80x128xf32, #tpu.memory_space<vmem>>
      %dma_start3A_211 = arith.constant 0 : i32
      %dma_start3A_212 = tpu.memref_slice %arg11[%add3A_34, %dma_start3A_211] : memref<10240x128xf32, #tpu.memory_space<vmem_shared>> -> memref<80x128xf32, #tpu.memory_space<vmem_shared>>
      %dma_start3A_213 = arith.constant 0 : i32
      %dma_start3A_214 = tpu.memref_slice %arg11[%add3A_34, %dma_start3A_213] : memref<10240x128xf32, #tpu.memory_space<vmem_shared>> -> memref<80x128xf32, #tpu.memory_space<vmem_shared>>
      %dma_start3A_215 = arith.constant 0 : i32
      %dma_start3A_216 = arith.constant 0 : i32
      %dma_start3A_217 = tpu.memref_slice %arg8[%dma_start3A_215, %dma_start3A_216] : memref<80x128xf32, #tpu.memory_space<vmem>> -> memref<80x128xf32, #tpu.memory_space<vmem>>
      tpu.enqueue_dma source(%dma_start3A_217 : memref<80x128xf32, #tpu.memory_space<vmem>>) target(%dma_start3A_214 : memref<80x128xf32, #tpu.memory_space<vmem_shared>>) target_semaphore(%run_scoped3A_207 : memref<!tpu.dma_semaphore, #tpu.memory_space<semaphore_mem>>)
      %dma_wait3A_218 = arith.constant 0 : i32
      %dma_wait3A_219 = arith.constant 0 : i32
      %dma_wait3A_220 = tpu.memref_slice %arg8[%dma_wait3A_218, %dma_wait3A_219] : memref<80x128xf32, #tpu.memory_space<vmem>> -> memref<80x128xf32, #tpu.memory_space<vmem>>
      %dma_wait3A_221 = arith.constant 0 : i32
      %dma_wait3A_222 = tpu.memref_slice %arg11[%add3A_34, %dma_wait3A_221] : memref<10240x128xf32, #tpu.memory_space<vmem_shared>> -> memref<80x128xf32, #tpu.memory_space<vmem_shared>>
      %dma_wait3A_223 = arith.constant 0 : i32
      %dma_wait3A_224 = tpu.memref_slice %arg11[%add3A_34, %dma_wait3A_223] : memref<10240x128xf32, #tpu.memory_space<vmem_shared>> -> memref<80x128xf32, #tpu.memory_space<vmem_shared>>
      %dma_wait3A_225 = arith.constant 0 : i32
      %dma_wait3A_226 = arith.constant 0 : i32
      %dma_wait3A_227 = tpu.memref_slice %arg8[%dma_wait3A_225, %dma_wait3A_226] : memref<80x128xf32, #tpu.memory_space<vmem>> -> memref<80x128xf32, #tpu.memory_space<vmem>>
      tpu.wait_dma2 semaphore(%run_scoped3A_207 : memref<!tpu.dma_semaphore, #tpu.memory_space<semaphore_mem>>) src(%dma_wait3A_227 : memref<80x128xf32, #tpu.memory_space<vmem>>) dst(%dma_wait3A_224 : memref<80x128xf32, #tpu.memory_space<vmem_shared>>)
      tpu.yield
    }) : () -> ()
    %mul3A_35 = arith.constant 640 : i32
    %mul3A_36 = arith.muli %arg1, %mul3A_35 : i32
    %add3A_37 = arith.constant 560 : i32
    %add3A_38 = arith.addi %mul3A_36, %add3A_37 : i32
    "tpu.region"() ({
      %run_scoped3A_207 = tpu.sem_alloc : memref<!tpu.dma_semaphore, #tpu.memory_space<semaphore_mem>>
      %dma_start3A_208 = arith.constant 0 : i32
      %dma_start3A_209 = arith.constant 0 : i32
      %dma_start3A_210 = tpu.memref_slice %arg8[%dma_start3A_208, %dma_start3A_209] : memref<80x128xf32, #tpu.memory_space<vmem>> -> memref<80x128xf32, #tpu.memory_space<vmem>>
      %dma_start3A_211 = arith.constant 0 : i32
      %dma_start3A_212 = tpu.memref_slice %arg11[%add3A_38, %dma_start3A_211] : memref<10240x128xf32, #tpu.memory_space<vmem_shared>> -> memref<80x128xf32, #tpu.memory_space<vmem_shared>>
      %dma_start3A_213 = arith.constant 0 : i32
      %dma_start3A_214 = tpu.memref_slice %arg11[%add3A_38, %dma_start3A_213] : memref<10240x128xf32, #tpu.memory_space<vmem_shared>> -> memref<80x128xf32, #tpu.memory_space<vmem_shared>>
      %dma_start3A_215 = arith.constant 0 : i32
      %dma_start3A_216 = arith.constant 0 : i32
      %dma_start3A_217 = tpu.memref_slice %arg8[%dma_start3A_215, %dma_start3A_216] : memref<80x128xf32, #tpu.memory_space<vmem>> -> memref<80x128xf32, #tpu.memory_space<vmem>>
      tpu.enqueue_dma source(%dma_start3A_217 : memref<80x128xf32, #tpu.memory_space<vmem>>) target(%dma_start3A_214 : memref<80x128xf32, #tpu.memory_space<vmem_shared>>) target_semaphore(%run_scoped3A_207 : memref<!tpu.dma_semaphore, #tpu.memory_space<semaphore_mem>>)
      %dma_wait3A_218 = arith.constant 0 : i32
      %dma_wait3A_219 = arith.constant 0 : i32
      %dma_wait3A_220 = tpu.memref_slice %arg8[%dma_wait3A_218, %dma_wait3A_219] : memref<80x128xf32, #tpu.memory_space<vmem>> -> memref<80x128xf32, #tpu.memory_space<vmem>>
      %dma_wait3A_221 = arith.constant 0 : i32
      %dma_wait3A_222 = tpu.memref_slice %arg11[%add3A_38, %dma_wait3A_221] : memref<10240x128xf32, #tpu.memory_space<vmem_shared>> -> memref<80x128xf32, #tpu.memory_space<vmem_shared>>
      %dma_wait3A_223 = arith.constant 0 : i32
      %dma_wait3A_224 = tpu.memref_slice %arg11[%add3A_38, %dma_wait3A_223] : memref<10240x128xf32, #tpu.memory_space<vmem_shared>> -> memref<80x128xf32, #tpu.memory_space<vmem_shared>>
      %dma_wait3A_225 = arith.constant 0 : i32
      %dma_wait3A_226 = arith.constant 0 : i32
      %dma_wait3A_227 = tpu.memref_slice %arg8[%dma_wait3A_225, %dma_wait3A_226] : memref<80x128xf32, #tpu.memory_space<vmem>> -> memref<80x128xf32, #tpu.memory_space<vmem>>
      tpu.wait_dma2 semaphore(%run_scoped3A_207 : memref<!tpu.dma_semaphore, #tpu.memory_space<semaphore_mem>>) src(%dma_wait3A_227 : memref<80x128xf32, #tpu.memory_space<vmem>>) dst(%dma_wait3A_224 : memref<80x128xf32, #tpu.memory_space<vmem_shared>>)
      tpu.yield
    }) : () -> ()
    %dma_start3A = arith.constant 0 : i32
    %dma_start3A_39 = arith.constant 0 : i32
    %dma_start3A_40 = arith.constant 0 : i32
    %dma_start3A_41 = tpu.memref_slice %arg3[%add3A, %dma_start3A, %dma_start3A_39, %dma_start3A_40] : memref<32x125x2x80xi32, #tpu.memory_space<hbm>> -> memref<1x1x2x80xi32, #tpu.memory_space<hbm>>
    %dma_start3A_42 = tpu.memref_squeeze %dma_start3A_41 : memref<1x1x2x80xi32, #tpu.memory_space<hbm>> -> memref<2x80xi32, #tpu.memory_space<hbm>>
    %dma_start3A_43 = arith.constant 0 : i32
    %dma_start3A_44 = arith.constant 0 : i32
    %dma_start3A_45 = tpu.memref_slice %arg3[%add3A, %dma_start3A, %dma_start3A_43, %dma_start3A_44] : memref<32x125x2x80xi32, #tpu.memory_space<hbm>> -> memref<1x1x2x80xi32, #tpu.memory_space<hbm>>
    %dma_start3A_46 = tpu.memref_squeeze %dma_start3A_45 : memref<1x1x2x80xi32, #tpu.memory_space<hbm>> -> memref<2x80xi32, #tpu.memory_space<hbm>>
    tpu.enqueue_dma source(%dma_start3A_46 : memref<2x80xi32, #tpu.memory_space<hbm>>) target(%arg5 : memref<2x80xi32, #tpu.memory_space<vmem>>) target_semaphore(%arg12 : memref<!tpu.dma_semaphore, #tpu.memory_space<semaphore_mem>>)
    %dma_start3A_47 = arith.constant 1 : i32
    %dma_start3A_48 = arith.constant 0 : i32
    %dma_start3A_49 = arith.constant 0 : i32
    %dma_start3A_50 = tpu.memref_slice %arg3[%add3A, %dma_start3A_47, %dma_start3A_48, %dma_start3A_49] : memref<32x125x2x80xi32, #tpu.memory_space<hbm>> -> memref<1x1x2x80xi32, #tpu.memory_space<hbm>>
    %dma_start3A_51 = tpu.memref_squeeze %dma_start3A_50 : memref<1x1x2x80xi32, #tpu.memory_space<hbm>> -> memref<2x80xi32, #tpu.memory_space<hbm>>
    %dma_start3A_52 = arith.constant 0 : i32
    %dma_start3A_53 = arith.constant 0 : i32
    %dma_start3A_54 = tpu.memref_slice %arg3[%add3A, %dma_start3A_47, %dma_start3A_52, %dma_start3A_53] : memref<32x125x2x80xi32, #tpu.memory_space<hbm>> -> memref<1x1x2x80xi32, #tpu.memory_space<hbm>>
    %dma_start3A_55 = tpu.memref_squeeze %dma_start3A_54 : memref<1x1x2x80xi32, #tpu.memory_space<hbm>> -> memref<2x80xi32, #tpu.memory_space<hbm>>
    tpu.enqueue_dma source(%dma_start3A_55 : memref<2x80xi32, #tpu.memory_space<hbm>>) target(%arg6 : memref<2x80xi32, #tpu.memory_space<vmem>>) target_semaphore(%arg13 : memref<!tpu.dma_semaphore, #tpu.memory_space<semaphore_mem>>)
    %dma_start3A_56 = arith.constant 2 : i32
    %dma_start3A_57 = arith.constant 0 : i32
    %dma_start3A_58 = arith.constant 0 : i32
    %dma_start3A_59 = tpu.memref_slice %arg3[%add3A, %dma_start3A_56, %dma_start3A_57, %dma_start3A_58] : memref<32x125x2x80xi32, #tpu.memory_space<hbm>> -> memref<1x1x2x80xi32, #tpu.memory_space<hbm>>
    %dma_start3A_60 = tpu.memref_squeeze %dma_start3A_59 : memref<1x1x2x80xi32, #tpu.memory_space<hbm>> -> memref<2x80xi32, #tpu.memory_space<hbm>>
    %dma_start3A_61 = arith.constant 0 : i32
    %dma_start3A_62 = arith.constant 0 : i32
    %dma_start3A_63 = tpu.memref_slice %arg3[%add3A, %dma_start3A_56, %dma_start3A_61, %dma_start3A_62] : memref<32x125x2x80xi32, #tpu.memory_space<hbm>> -> memref<1x1x2x80xi32, #tpu.memory_space<hbm>>
    %dma_start3A_64 = tpu.memref_squeeze %dma_start3A_63 : memref<1x1x2x80xi32, #tpu.memory_space<hbm>> -> memref<2x80xi32, #tpu.memory_space<hbm>>
    tpu.enqueue_dma source(%dma_start3A_64 : memref<2x80xi32, #tpu.memory_space<hbm>>) target(%arg7 : memref<2x80xi32, #tpu.memory_space<vmem>>) target_semaphore(%arg14 : memref<!tpu.dma_semaphore, #tpu.memory_space<semaphore_mem>>)
    %dma_wait3A = arith.constant 0 : i32
    %dma_wait3A_65 = arith.constant 0 : i32
    %dma_wait3A_66 = arith.constant 0 : i32
    %dma_wait3A_67 = tpu.memref_slice %arg3[%add3A, %dma_wait3A, %dma_wait3A_65, %dma_wait3A_66] : memref<32x125x2x80xi32, #tpu.memory_space<hbm>> -> memref<1x1x2x80xi32, #tpu.memory_space<hbm>>
    %dma_wait3A_68 = tpu.memref_squeeze %dma_wait3A_67 : memref<1x1x2x80xi32, #tpu.memory_space<hbm>> -> memref<2x80xi32, #tpu.memory_space<hbm>>
    %dma_wait3A_69 = arith.constant 0 : i32
    %dma_wait3A_70 = arith.constant 0 : i32
    %dma_wait3A_71 = tpu.memref_slice %arg3[%add3A, %dma_wait3A, %dma_wait3A_69, %dma_wait3A_70] : memref<32x125x2x80xi32, #tpu.memory_space<hbm>> -> memref<1x1x2x80xi32, #tpu.memory_space<hbm>>
    %dma_wait3A_72 = tpu.memref_squeeze %dma_wait3A_71 : memref<1x1x2x80xi32, #tpu.memory_space<hbm>> -> memref<2x80xi32, #tpu.memory_space<hbm>>
    tpu.wait_dma2 semaphore(%arg12 : memref<!tpu.dma_semaphore, #tpu.memory_space<semaphore_mem>>) src(%dma_wait3A_72 : memref<2x80xi32, #tpu.memory_space<hbm>>) dst(%arg5 : memref<2x80xi32, #tpu.memory_space<vmem>>)
    %dma_start3A_73 = arith.constant 0 : i32
    %dma_start3A_74 = arith.constant 0 : i32
    %dma_start3A_75 = tpu.memref_slice %arg5[%dma_start3A_73, %dma_start3A_74] : memref<2x80xi32, #tpu.memory_space<vmem>> -> memref<1x80xi32, #tpu.memory_space<vmem>>
    %dma_start3A_76 = tpu.memref_squeeze %dma_start3A_75 : memref<1x80xi32, #tpu.memory_space<vmem>> -> memref<80xi32, #tpu.memory_space<vmem>>
    %dma_start3A_77 = arith.constant 0 : i32
    %dma_start3A_78 = arith.constant 0 : i32
    %dma_start3A_79 = tpu.memref_slice %arg2[%dma_start3A_77, %dma_start3A_78] : memref<10000x128xf32, #tpu.memory_space<hbm>> -> memref<10000x128xf32, #tpu.memory_space<hbm>>
    tpu.enqueue_indirect_dma source(%dma_start3A_79 : memref<10000x128xf32, #tpu.memory_space<hbm>>) target(%arg8 : memref<80x128xf32, #tpu.memory_space<vmem>>) offsets(%dma_start3A_76 : memref<80xi32, #tpu.memory_space<vmem>>) semaphore(%arg15 : memref<!tpu.dma_semaphore, #tpu.memory_space<semaphore_mem>>)
    %dma_wait3A_80 = arith.constant 0 : i32
    %dma_wait3A_81 = arith.constant 0 : i32
    %dma_wait3A_82 = arith.constant 0 : i32
    %dma_wait3A_83 = tpu.memref_slice %arg3[%add3A, %dma_wait3A_80, %dma_wait3A_81, %dma_wait3A_82] : memref<32x125x2x80xi32, #tpu.memory_space<hbm>> -> memref<1x1x2x80xi32, #tpu.memory_space<hbm>>
    %dma_wait3A_84 = tpu.memref_squeeze %dma_wait3A_83 : memref<1x1x2x80xi32, #tpu.memory_space<hbm>> -> memref<2x80xi32, #tpu.memory_space<hbm>>
    %dma_wait3A_85 = arith.constant 0 : i32
    %dma_wait3A_86 = arith.constant 0 : i32
    %dma_wait3A_87 = tpu.memref_slice %arg3[%add3A, %dma_wait3A_80, %dma_wait3A_85, %dma_wait3A_86] : memref<32x125x2x80xi32, #tpu.memory_space<hbm>> -> memref<1x1x2x80xi32, #tpu.memory_space<hbm>>
    %dma_wait3A_88 = tpu.memref_squeeze %dma_wait3A_87 : memref<1x1x2x80xi32, #tpu.memory_space<hbm>> -> memref<2x80xi32, #tpu.memory_space<hbm>>
    tpu.wait_dma2 semaphore(%arg13 : memref<!tpu.dma_semaphore, #tpu.memory_space<semaphore_mem>>) src(%dma_wait3A_88 : memref<2x80xi32, #tpu.memory_space<hbm>>) dst(%arg6 : memref<2x80xi32, #tpu.memory_space<vmem>>)
    %dma_start3A_89 = arith.constant 0 : i32
    %dma_start3A_90 = arith.constant 0 : i32
    %dma_start3A_91 = tpu.memref_slice %arg6[%dma_start3A_89, %dma_start3A_90] : memref<2x80xi32, #tpu.memory_space<vmem>> -> memref<1x80xi32, #tpu.memory_space<vmem>>
    %dma_start3A_92 = tpu.memref_squeeze %dma_start3A_91 : memref<1x80xi32, #tpu.memory_space<vmem>> -> memref<80xi32, #tpu.memory_space<vmem>>
    %dma_start3A_93 = arith.constant 0 : i32
    %dma_start3A_94 = arith.constant 0 : i32
    %dma_start3A_95 = tpu.memref_slice %arg2[%dma_start3A_93, %dma_start3A_94] : memref<10000x128xf32, #tpu.memory_space<hbm>> -> memref<10000x128xf32, #tpu.memory_space<hbm>>
    tpu.enqueue_indirect_dma source(%dma_start3A_95 : memref<10000x128xf32, #tpu.memory_space<hbm>>) target(%arg9 : memref<80x128xf32, #tpu.memory_space<vmem>>) offsets(%dma_start3A_92 : memref<80xi32, #tpu.memory_space<vmem>>) semaphore(%arg16 : memref<!tpu.dma_semaphore, #tpu.memory_space<semaphore_mem>>)
    %barrier3A = arith.constant 0 : index
    tpu.barrier barrier_id(%barrier3A)
    %scan3A_96 = arith.constant 0 : i32
    %scan3A_97 = arith.constant 0 : i32
    %scan3A_98 = arith.constant 40 : i32
    %scan3A_99 = arith.addi %scan3A_97, %scan3A_98 : i32
    %scan3A_100 = arith.constant 1 : i32
    scf.for %scan3A_207 = %scan3A_97 to %scan3A_99 step %scan3A_100  : i32 {
      %mul3A_208 = arith.constant 3 : i32
      %mul3A_209 = arith.muli %mul3A_208, %scan3A_207 : i32
      %dma_wait3A_210 = arith.constant 0 : i32
      %dma_wait3A_211 = arith.constant 0 : i32
      %dma_wait3A_212 = tpu.memref_slice %arg2[%dma_wait3A_210, %dma_wait3A_211] : memref<10000x128xf32, #tpu.memory_space<hbm>> -> memref<80x128xf32, #tpu.memory_space<hbm>>
      %dma_wait3A_213 = arith.constant 0 : i32
      %dma_wait3A_214 = arith.constant 0 : i32
      %dma_wait3A_215 = tpu.memref_slice %arg2[%dma_wait3A_213, %dma_wait3A_214] : memref<10000x128xf32, #tpu.memory_space<hbm>> -> memref<80x128xf32, #tpu.memory_space<hbm>>
      tpu.wait_dma2 semaphore(%arg15 : memref<!tpu.dma_semaphore, #tpu.memory_space<semaphore_mem>>) src(%dma_wait3A_215 : memref<80x128xf32, #tpu.memory_space<hbm>>) dst(%arg8 : memref<80x128xf32, #tpu.memory_space<vmem>>)
      %run_scoped3A_216 = arith.constant 1 : i32
      "tpu.region"() ({
        %run_scoped3A_319 = tpu.sem_alloc : memref<!tpu.dma_semaphore, #tpu.memory_space<semaphore_mem>>
        %dma_start3A_320 = arith.constant 0 : i32
        %dma_start3A_321 = tpu.memref_slice %arg5[%run_scoped3A_216, %dma_start3A_320] : memref<2x80xi32, #tpu.memory_space<vmem>> -> memref<1x80xi32, #tpu.memory_space<vmem>>
        %dma_start3A_322 = tpu.memref_squeeze %dma_start3A_321 : memref<1x80xi32, #tpu.memory_space<vmem>> -> memref<80xi32, #tpu.memory_space<vmem>>
        %dma_start3A_323 = arith.constant 0 : i32
        %dma_start3A_324 = arith.constant 0 : i32
        %dma_start3A_325 = tpu.memref_slice %arg11[%dma_start3A_323, %dma_start3A_324] : memref<10240x128xf32, #tpu.memory_space<vmem_shared>> -> memref<10240x128xf32, #tpu.memory_space<vmem_shared>>
        tpu.enqueue_indirect_dma source(%arg8 : memref<80x128xf32, #tpu.memory_space<vmem>>) target(%dma_start3A_325 : memref<10240x128xf32, #tpu.memory_space<vmem_shared>>) offsets(%dma_start3A_322 : memref<80xi32, #tpu.memory_space<vmem>>) semaphore(%run_scoped3A_319 : memref<!tpu.dma_semaphore, #tpu.memory_space<semaphore_mem>>) {add = true}
        %dma_wait3A_326 = arith.constant 0 : i32
        %dma_wait3A_327 = tpu.memref_slice %arg5[%run_scoped3A_216, %dma_wait3A_326] : memref<2x80xi32, #tpu.memory_space<vmem>> -> memref<1x80xi32, #tpu.memory_space<vmem>>
        %dma_wait3A_328 = tpu.memref_squeeze %dma_wait3A_327 : memref<1x80xi32, #tpu.memory_space<vmem>> -> memref<80xi32, #tpu.memory_space<vmem>>
        %dma_wait3A_329 = arith.constant 0 : i32
        %dma_wait3A_330 = arith.constant 0 : i32
        %dma_wait3A_331 = tpu.memref_slice %arg11[%dma_wait3A_329, %dma_wait3A_330] : memref<10240x128xf32, #tpu.memory_space<vmem_shared>> -> memref<10240x128xf32, #tpu.memory_space<vmem_shared>>
        tpu.wait_indirect_dma semaphore(%run_scoped3A_319 : memref<!tpu.dma_semaphore, #tpu.memory_space<semaphore_mem>>) src(%arg8 : memref<80x128xf32, #tpu.memory_space<vmem>>) dst(%dma_wait3A_331 : memref<10240x128xf32, #tpu.memory_space<vmem_shared>>)
        tpu.yield
      }) : () -> ()
      %add3A_217 = arith.constant 3 : i32
      %add3A_218 = arith.addi %mul3A_209, %add3A_217 : i32
      %dma_start3A_219 = arith.constant 0 : i32
      %dma_start3A_220 = arith.constant 0 : i32
      %dma_start3A_221 = tpu.memref_slice %arg3[%add3A, %add3A_218, %dma_start3A_219, %dma_start3A_220] : memref<32x125x2x80xi32, #tpu.memory_space<hbm>> -> memref<1x1x2x80xi32, #tpu.memory_space<hbm>>
      %dma_start3A_222 = tpu.memref_squeeze %dma_start3A_221 : memref<1x1x2x80xi32, #tpu.memory_space<hbm>> -> memref<2x80xi32, #tpu.memory_space<hbm>>
      %dma_start3A_223 = arith.constant 0 : i32
      %dma_start3A_224 = arith.constant 0 : i32
      %dma_start3A_225 = tpu.memref_slice %arg3[%add3A, %add3A_218, %dma_start3A_223, %dma_start3A_224] : memref<32x125x2x80xi32, #tpu.memory_space<hbm>> -> memref<1x1x2x80xi32, #tpu.memory_space<hbm>>
      %dma_start3A_226 = tpu.memref_squeeze %dma_start3A_225 : memref<1x1x2x80xi32, #tpu.memory_space<hbm>> -> memref<2x80xi32, #tpu.memory_space<hbm>>
      tpu.enqueue_dma source(%dma_start3A_226 : memref<2x80xi32, #tpu.memory_space<hbm>>) target(%arg5 : memref<2x80xi32, #tpu.memory_space<vmem>>) target_semaphore(%arg12 : memref<!tpu.dma_semaphore, #tpu.memory_space<semaphore_mem>>)
      %dma_wait3A_227 = arith.constant 0 : i32
      %dma_wait3A_228 = arith.constant 0 : i32
      %dma_wait3A_229 = arith.constant 0 : i32
      %dma_wait3A_230 = tpu.memref_slice %arg3[%add3A, %dma_wait3A_227, %dma_wait3A_228, %dma_wait3A_229] : memref<32x125x2x80xi32, #tpu.memory_space<hbm>> -> memref<1x1x2x80xi32, #tpu.memory_space<hbm>>
      %dma_wait3A_231 = tpu.memref_squeeze %dma_wait3A_230 : memref<1x1x2x80xi32, #tpu.memory_space<hbm>> -> memref<2x80xi32, #tpu.memory_space<hbm>>
      %dma_wait3A_232 = arith.constant 0 : i32
      %dma_wait3A_233 = arith.constant 0 : i32
      %dma_wait3A_234 = tpu.memref_slice %arg3[%add3A, %dma_wait3A_227, %dma_wait3A_232, %dma_wait3A_233] : memref<32x125x2x80xi32, #tpu.memory_space<hbm>> -> memref<1x1x2x80xi32, #tpu.memory_space<hbm>>
      %dma_wait3A_235 = tpu.memref_squeeze %dma_wait3A_234 : memref<1x1x2x80xi32, #tpu.memory_space<hbm>> -> memref<2x80xi32, #tpu.memory_space<hbm>>
      tpu.wait_dma2 semaphore(%arg14 : memref<!tpu.dma_semaphore, #tpu.memory_space<semaphore_mem>>) src(%dma_wait3A_235 : memref<2x80xi32, #tpu.memory_space<hbm>>) dst(%arg7 : memref<2x80xi32, #tpu.memory_space<vmem>>)
      %add3A_236 = arith.constant 2 : i32
      %add3A_237 = arith.addi %mul3A_209, %add3A_236 : i32
      %dma_start3A_238 = arith.constant 0 : i32
      %dma_start3A_239 = arith.constant 0 : i32
      %dma_start3A_240 = tpu.memref_slice %arg7[%dma_start3A_238, %dma_start3A_239] : memref<2x80xi32, #tpu.memory_space<vmem>> -> memref<1x80xi32, #tpu.memory_space<vmem>>
      %dma_start3A_241 = tpu.memref_squeeze %dma_start3A_240 : memref<1x80xi32, #tpu.memory_space<vmem>> -> memref<80xi32, #tpu.memory_space<vmem>>
      %dma_start3A_242 = arith.constant 0 : i32
      %dma_start3A_243 = arith.constant 0 : i32
      %dma_start3A_244 = tpu.memref_slice %arg2[%dma_start3A_242, %dma_start3A_243] : memref<10000x128xf32, #tpu.memory_space<hbm>> -> memref<10000x128xf32, #tpu.memory_space<hbm>>
      tpu.enqueue_indirect_dma source(%dma_start3A_244 : memref<10000x128xf32, #tpu.memory_space<hbm>>) target(%arg10 : memref<80x128xf32, #tpu.memory_space<vmem>>) offsets(%dma_start3A_241 : memref<80xi32, #tpu.memory_space<vmem>>) semaphore(%arg17 : memref<!tpu.dma_semaphore, #tpu.memory_space<semaphore_mem>>)
      %add3A_245 = arith.constant 1 : i32
      %add3A_246 = arith.addi %mul3A_209, %add3A_245 : i32
      %dma_wait3A_247 = arith.constant 0 : i32
      %dma_wait3A_248 = arith.constant 0 : i32
      %dma_wait3A_249 = tpu.memref_slice %arg2[%dma_wait3A_247, %dma_wait3A_248] : memref<10000x128xf32, #tpu.memory_space<hbm>> -> memref<80x128xf32, #tpu.memory_space<hbm>>
      %dma_wait3A_250 = arith.constant 0 : i32
      %dma_wait3A_251 = arith.constant 0 : i32
      %dma_wait3A_252 = tpu.memref_slice %arg2[%dma_wait3A_250, %dma_wait3A_251] : memref<10000x128xf32, #tpu.memory_space<hbm>> -> memref<80x128xf32, #tpu.memory_space<hbm>>
      tpu.wait_dma2 semaphore(%arg16 : memref<!tpu.dma_semaphore, #tpu.memory_space<semaphore_mem>>) src(%dma_wait3A_252 : memref<80x128xf32, #tpu.memory_space<hbm>>) dst(%arg9 : memref<80x128xf32, #tpu.memory_space<vmem>>)
      %run_scoped3A_253 = arith.constant 1 : i32
      "tpu.region"() ({
        %run_scoped3A_319 = tpu.sem_alloc : memref<!tpu.dma_semaphore, #tpu.memory_space<semaphore_mem>>
        %dma_start3A_320 = arith.constant 0 : i32
        %dma_start3A_321 = tpu.memref_slice %arg6[%run_scoped3A_253, %dma_start3A_320] : memref<2x80xi32, #tpu.memory_space<vmem>> -> memref<1x80xi32, #tpu.memory_space<vmem>>
        %dma_start3A_322 = tpu.memref_squeeze %dma_start3A_321 : memref<1x80xi32, #tpu.memory_space<vmem>> -> memref<80xi32, #tpu.memory_space<vmem>>
        %dma_start3A_323 = arith.constant 0 : i32
        %dma_start3A_324 = arith.constant 0 : i32
        %dma_start3A_325 = tpu.memref_slice %arg11[%dma_start3A_323, %dma_start3A_324] : memref<10240x128xf32, #tpu.memory_space<vmem_shared>> -> memref<10240x128xf32, #tpu.memory_space<vmem_shared>>
        tpu.enqueue_indirect_dma source(%arg9 : memref<80x128xf32, #tpu.memory_space<vmem>>) target(%dma_start3A_325 : memref<10240x128xf32, #tpu.memory_space<vmem_shared>>) offsets(%dma_start3A_322 : memref<80xi32, #tpu.memory_space<vmem>>) semaphore(%run_scoped3A_319 : memref<!tpu.dma_semaphore, #tpu.memory_space<semaphore_mem>>) {add = true}
        %dma_wait3A_326 = arith.constant 0 : i32
        %dma_wait3A_327 = tpu.memref_slice %arg6[%run_scoped3A_253, %dma_wait3A_326] : memref<2x80xi32, #tpu.memory_space<vmem>> -> memref<1x80xi32, #tpu.memory_space<vmem>>
        %dma_wait3A_328 = tpu.memref_squeeze %dma_wait3A_327 : memref<1x80xi32, #tpu.memory_space<vmem>> -> memref<80xi32, #tpu.memory_space<vmem>>
        %dma_wait3A_329 = arith.constant 0 : i32
        %dma_wait3A_330 = arith.constant 0 : i32
        %dma_wait3A_331 = tpu.memref_slice %arg11[%dma_wait3A_329, %dma_wait3A_330] : memref<10240x128xf32, #tpu.memory_space<vmem_shared>> -> memref<10240x128xf32, #tpu.memory_space<vmem_shared>>
        tpu.wait_indirect_dma semaphore(%run_scoped3A_319 : memref<!tpu.dma_semaphore, #tpu.memory_space<semaphore_mem>>) src(%arg9 : memref<80x128xf32, #tpu.memory_space<vmem>>) dst(%dma_wait3A_331 : memref<10240x128xf32, #tpu.memory_space<vmem_shared>>)
        tpu.yield
      }) : () -> ()
      %add3A_254 = arith.constant 3 : i32
      %add3A_255 = arith.addi %add3A_246, %add3A_254 : i32
      %dma_start3A_256 = arith.constant 0 : i32
      %dma_start3A_257 = arith.constant 0 : i32
      %dma_start3A_258 = tpu.memref_slice %arg3[%add3A, %add3A_255, %dma_start3A_256, %dma_start3A_257] : memref<32x125x2x80xi32, #tpu.memory_space<hbm>> -> memref<1x1x2x80xi32, #tpu.memory_space<hbm>>
      %dma_start3A_259 = tpu.memref_squeeze %dma_start3A_258 : memref<1x1x2x80xi32, #tpu.memory_space<hbm>> -> memref<2x80xi32, #tpu.memory_space<hbm>>
      %dma_start3A_260 = arith.constant 0 : i32
      %dma_start3A_261 = arith.constant 0 : i32
      %dma_start3A_262 = tpu.memref_slice %arg3[%add3A, %add3A_255, %dma_start3A_260, %dma_start3A_261] : memref<32x125x2x80xi32, #tpu.memory_space<hbm>> -> memref<1x1x2x80xi32, #tpu.memory_space<hbm>>
      %dma_start3A_263 = tpu.memref_squeeze %dma_start3A_262 : memref<1x1x2x80xi32, #tpu.memory_space<hbm>> -> memref<2x80xi32, #tpu.memory_space<hbm>>
      tpu.enqueue_dma source(%dma_start3A_263 : memref<2x80xi32, #tpu.memory_space<hbm>>) target(%arg6 : memref<2x80xi32, #tpu.memory_space<vmem>>) target_semaphore(%arg13 : memref<!tpu.dma_semaphore, #tpu.memory_space<semaphore_mem>>)
      %dma_wait3A_264 = arith.constant 0 : i32
      %dma_wait3A_265 = arith.constant 0 : i32
      %dma_wait3A_266 = arith.constant 0 : i32
      %dma_wait3A_267 = tpu.memref_slice %arg3[%add3A, %dma_wait3A_264, %dma_wait3A_265, %dma_wait3A_266] : memref<32x125x2x80xi32, #tpu.memory_space<hbm>> -> memref<1x1x2x80xi32, #tpu.memory_space<hbm>>
      %dma_wait3A_268 = tpu.memref_squeeze %dma_wait3A_267 : memref<1x1x2x80xi32, #tpu.memory_space<hbm>> -> memref<2x80xi32, #tpu.memory_space<hbm>>
      %dma_wait3A_269 = arith.constant 0 : i32
      %dma_wait3A_270 = arith.constant 0 : i32
      %dma_wait3A_271 = tpu.memref_slice %arg3[%add3A, %dma_wait3A_264, %dma_wait3A_269, %dma_wait3A_270] : memref<32x125x2x80xi32, #tpu.memory_space<hbm>> -> memref<1x1x2x80xi32, #tpu.memory_space<hbm>>
      %dma_wait3A_272 = tpu.memref_squeeze %dma_wait3A_271 : memref<1x1x2x80xi32, #tpu.memory_space<hbm>> -> memref<2x80xi32, #tpu.memory_space<hbm>>
      tpu.wait_dma2 semaphore(%arg12 : memref<!tpu.dma_semaphore, #tpu.memory_space<semaphore_mem>>) src(%dma_wait3A_272 : memref<2x80xi32, #tpu.memory_space<hbm>>) dst(%arg5 : memref<2x80xi32, #tpu.memory_space<vmem>>)
      %add3A_273 = arith.constant 2 : i32
      %add3A_274 = arith.addi %add3A_246, %add3A_273 : i32
      %dma_start3A_275 = arith.constant 0 : i32
      %dma_start3A_276 = arith.constant 0 : i32
      %dma_start3A_277 = tpu.memref_slice %arg5[%dma_start3A_275, %dma_start3A_276] : memref<2x80xi32, #tpu.memory_space<vmem>> -> memref<1x80xi32, #tpu.memory_space<vmem>>
      %dma_start3A_278 = tpu.memref_squeeze %dma_start3A_277 : memref<1x80xi32, #tpu.memory_space<vmem>> -> memref<80xi32, #tpu.memory_space<vmem>>
      %dma_start3A_279 = arith.constant 0 : i32
      %dma_start3A_280 = arith.constant 0 : i32
      %dma_start3A_281 = tpu.memref_slice %arg2[%dma_start3A_279, %dma_start3A_280] : memref<10000x128xf32, #tpu.memory_space<hbm>> -> memref<10000x128xf32, #tpu.memory_space<hbm>>
      tpu.enqueue_indirect_dma source(%dma_start3A_281 : memref<10000x128xf32, #tpu.memory_space<hbm>>) target(%arg8 : memref<80x128xf32, #tpu.memory_space<vmem>>) offsets(%dma_start3A_278 : memref<80xi32, #tpu.memory_space<vmem>>) semaphore(%arg15 : memref<!tpu.dma_semaphore, #tpu.memory_space<semaphore_mem>>)
      %add3A_282 = arith.constant 2 : i32
      %add3A_283 = arith.addi %mul3A_209, %add3A_282 : i32
      %dma_wait3A_284 = arith.constant 0 : i32
      %dma_wait3A_285 = arith.constant 0 : i32
      %dma_wait3A_286 = tpu.memref_slice %arg2[%dma_wait3A_284, %dma_wait3A_285] : memref<10000x128xf32, #tpu.memory_space<hbm>> -> memref<80x128xf32, #tpu.memory_space<hbm>>
      %dma_wait3A_287 = arith.constant 0 : i32
      %dma_wait3A_288 = arith.constant 0 : i32
      %dma_wait3A_289 = tpu.memref_slice %arg2[%dma_wait3A_287, %dma_wait3A_288] : memref<10000x128xf32, #tpu.memory_space<hbm>> -> memref<80x128xf32, #tpu.memory_space<hbm>>
      tpu.wait_dma2 semaphore(%arg17 : memref<!tpu.dma_semaphore, #tpu.memory_space<semaphore_mem>>) src(%dma_wait3A_289 : memref<80x128xf32, #tpu.memory_space<hbm>>) dst(%arg10 : memref<80x128xf32, #tpu.memory_space<vmem>>)
      %run_scoped3A_290 = arith.constant 1 : i32
      "tpu.region"() ({
        %run_scoped3A_319 = tpu.sem_alloc : memref<!tpu.dma_semaphore, #tpu.memory_space<semaphore_mem>>
        %dma_start3A_320 = arith.constant 0 : i32
        %dma_start3A_321 = tpu.memref_slice %arg7[%run_scoped3A_290, %dma_start3A_320] : memref<2x80xi32, #tpu.memory_space<vmem>> -> memref<1x80xi32, #tpu.memory_space<vmem>>
        %dma_start3A_322 = tpu.memref_squeeze %dma_start3A_321 : memref<1x80xi32, #tpu.memory_space<vmem>> -> memref<80xi32, #tpu.memory_space<vmem>>
        %dma_start3A_323 = arith.constant 0 : i32
        %dma_start3A_324 = arith.constant 0 : i32
        %dma_start3A_325 = tpu.memref_slice %arg11[%dma_start3A_323, %dma_start3A_324] : memref<10240x128xf32, #tpu.memory_space<vmem_shared>> -> memref<10240x128xf32, #tpu.memory_space<vmem_shared>>
        tpu.enqueue_indirect_dma source(%arg10 : memref<80x128xf32, #tpu.memory_space<vmem>>) target(%dma_start3A_325 : memref<10240x128xf32, #tpu.memory_space<vmem_shared>>) offsets(%dma_start3A_322 : memref<80xi32, #tpu.memory_space<vmem>>) semaphore(%run_scoped3A_319 : memref<!tpu.dma_semaphore, #tpu.memory_space<semaphore_mem>>) {add = true}
        %dma_wait3A_326 = arith.constant 0 : i32
        %dma_wait3A_327 = tpu.memref_slice %arg7[%run_scoped3A_290, %dma_wait3A_326] : memref<2x80xi32, #tpu.memory_space<vmem>> -> memref<1x80xi32, #tpu.memory_space<vmem>>
        %dma_wait3A_328 = tpu.memref_squeeze %dma_wait3A_327 : memref<1x80xi32, #tpu.memory_space<vmem>> -> memref<80xi32, #tpu.memory_space<vmem>>
        %dma_wait3A_329 = arith.constant 0 : i32
        %dma_wait3A_330 = arith.constant 0 : i32
        %dma_wait3A_331 = tpu.memref_slice %arg11[%dma_wait3A_329, %dma_wait3A_330] : memref<10240x128xf32, #tpu.memory_space<vmem_shared>> -> memref<10240x128xf32, #tpu.memory_space<vmem_shared>>
        tpu.wait_indirect_dma semaphore(%run_scoped3A_319 : memref<!tpu.dma_semaphore, #tpu.memory_space<semaphore_mem>>) src(%arg10 : memref<80x128xf32, #tpu.memory_space<vmem>>) dst(%dma_wait3A_331 : memref<10240x128xf32, #tpu.memory_space<vmem_shared>>)
        tpu.yield
      }) : () -> ()
      %add3A_291 = arith.constant 3 : i32
      %add3A_292 = arith.addi %add3A_283, %add3A_291 : i32
      %dma_start3A_293 = arith.constant 0 : i32
      %dma_start3A_294 = arith.constant 0 : i32
      %dma_start3A_295 = tpu.memref_slice %arg3[%add3A, %add3A_292, %dma_start3A_293, %dma_start3A_294] : memref<32x125x2x80xi32, #tpu.memory_space<hbm>> -> memref<1x1x2x80xi32, #tpu.memory_space<hbm>>
      %dma_start3A_296 = tpu.memref_squeeze %dma_start3A_295 : memref<1x1x2x80xi32, #tpu.memory_space<hbm>> -> memref<2x80xi32, #tpu.memory_space<hbm>>
      %dma_start3A_297 = arith.constant 0 : i32
      %dma_start3A_298 = arith.constant 0 : i32
      %dma_start3A_299 = tpu.memref_slice %arg3[%add3A, %add3A_292, %dma_start3A_297, %dma_start3A_298] : memref<32x125x2x80xi32, #tpu.memory_space<hbm>> -> memref<1x1x2x80xi32, #tpu.memory_space<hbm>>
      %dma_start3A_300 = tpu.memref_squeeze %dma_start3A_299 : memref<1x1x2x80xi32, #tpu.memory_space<hbm>> -> memref<2x80xi32, #tpu.memory_space<hbm>>
      tpu.enqueue_dma source(%dma_start3A_300 : memref<2x80xi32, #tpu.memory_space<hbm>>) target(%arg7 : memref<2x80xi32, #tpu.memory_space<vmem>>) target_semaphore(%arg14 : memref<!tpu.dma_semaphore, #tpu.memory_space<semaphore_mem>>)
      %dma_wait3A_301 = arith.constant 0 : i32
      %dma_wait3A_302 = arith.constant 0 : i32
      %dma_wait3A_303 = arith.constant 0 : i32
      %dma_wait3A_304 = tpu.memref_slice %arg3[%add3A, %dma_wait3A_301, %dma_wait3A_302, %dma_wait3A_303] : memref<32x125x2x80xi32, #tpu.memory_space<hbm>> -> memref<1x1x2x80xi32, #tpu.memory_space<hbm>>
      %dma_wait3A_305 = tpu.memref_squeeze %dma_wait3A_304 : memref<1x1x2x80xi32, #tpu.memory_space<hbm>> -> memref<2x80xi32, #tpu.memory_space<hbm>>
      %dma_wait3A_306 = arith.constant 0 : i32
      %dma_wait3A_307 = arith.constant 0 : i32
      %dma_wait3A_308 = tpu.memref_slice %arg3[%add3A, %dma_wait3A_301, %dma_wait3A_306, %dma_wait3A_307] : memref<32x125x2x80xi32, #tpu.memory_space<hbm>> -> memref<1x1x2x80xi32, #tpu.memory_space<hbm>>
      %dma_wait3A_309 = tpu.memref_squeeze %dma_wait3A_308 : memref<1x1x2x80xi32, #tpu.memory_space<hbm>> -> memref<2x80xi32, #tpu.memory_space<hbm>>
      tpu.wait_dma2 semaphore(%arg13 : memref<!tpu.dma_semaphore, #tpu.memory_space<semaphore_mem>>) src(%dma_wait3A_309 : memref<2x80xi32, #tpu.memory_space<hbm>>) dst(%arg6 : memref<2x80xi32, #tpu.memory_space<vmem>>)
      %add3A_310 = arith.constant 2 : i32
      %add3A_311 = arith.addi %add3A_283, %add3A_310 : i32
      %dma_start3A_312 = arith.constant 0 : i32
      %dma_start3A_313 = arith.constant 0 : i32
      %dma_start3A_314 = tpu.memref_slice %arg6[%dma_start3A_312, %dma_start3A_313] : memref<2x80xi32, #tpu.memory_space<vmem>> -> memref<1x80xi32, #tpu.memory_space<vmem>>
      %dma_start3A_315 = tpu.memref_squeeze %dma_start3A_314 : memref<1x80xi32, #tpu.memory_space<vmem>> -> memref<80xi32, #tpu.memory_space<vmem>>
      %dma_start3A_316 = arith.constant 0 : i32
      %dma_start3A_317 = arith.constant 0 : i32
      %dma_start3A_318 = tpu.memref_slice %arg2[%dma_start3A_316, %dma_start3A_317] : memref<10000x128xf32, #tpu.memory_space<hbm>> -> memref<10000x128xf32, #tpu.memory_space<hbm>>
      tpu.enqueue_indirect_dma source(%dma_start3A_318 : memref<10000x128xf32, #tpu.memory_space<hbm>>) target(%arg9 : memref<80x128xf32, #tpu.memory_space<vmem>>) offsets(%dma_start3A_315 : memref<80xi32, #tpu.memory_space<vmem>>) semaphore(%arg16 : memref<!tpu.dma_semaphore, #tpu.memory_space<semaphore_mem>>)
    }
    %scan3A_101 = arith.constant 40 : i32
    %dma_wait3A_102 = arith.constant 0 : i32
    %dma_wait3A_103 = arith.constant 0 : i32
    %dma_wait3A_104 = tpu.memref_slice %arg2[%dma_wait3A_102, %dma_wait3A_103] : memref<10000x128xf32, #tpu.memory_space<hbm>> -> memref<80x128xf32, #tpu.memory_space<hbm>>
    %dma_wait3A_105 = arith.constant 0 : i32
    %dma_wait3A_106 = arith.constant 0 : i32
    %dma_wait3A_107 = tpu.memref_slice %arg2[%dma_wait3A_105, %dma_wait3A_106] : memref<10000x128xf32, #tpu.memory_space<hbm>> -> memref<80x128xf32, #tpu.memory_space<hbm>>
    tpu.wait_dma2 semaphore(%arg15 : memref<!tpu.dma_semaphore, #tpu.memory_space<semaphore_mem>>) src(%dma_wait3A_107 : memref<80x128xf32, #tpu.memory_space<hbm>>) dst(%arg8 : memref<80x128xf32, #tpu.memory_space<vmem>>)
    %run_scoped3A = arith.constant 1 : i32
    "tpu.region"() ({
      %run_scoped3A_207 = tpu.sem_alloc : memref<!tpu.dma_semaphore, #tpu.memory_space<semaphore_mem>>
      %dma_start3A_208 = arith.constant 0 : i32
      %dma_start3A_209 = tpu.memref_slice %arg5[%run_scoped3A, %dma_start3A_208] : memref<2x80xi32, #tpu.memory_space<vmem>> -> memref<1x80xi32, #tpu.memory_space<vmem>>
      %dma_start3A_210 = tpu.memref_squeeze %dma_start3A_209 : memref<1x80xi32, #tpu.memory_space<vmem>> -> memref<80xi32, #tpu.memory_space<vmem>>
      %dma_start3A_211 = arith.constant 0 : i32
      %dma_start3A_212 = arith.constant 0 : i32
      %dma_start3A_213 = tpu.memref_slice %arg11[%dma_start3A_211, %dma_start3A_212] : memref<10240x128xf32, #tpu.memory_space<vmem_shared>> -> memref<10240x128xf32, #tpu.memory_space<vmem_shared>>
      tpu.enqueue_indirect_dma source(%arg8 : memref<80x128xf32, #tpu.memory_space<vmem>>) target(%dma_start3A_213 : memref<10240x128xf32, #tpu.memory_space<vmem_shared>>) offsets(%dma_start3A_210 : memref<80xi32, #tpu.memory_space<vmem>>) semaphore(%run_scoped3A_207 : memref<!tpu.dma_semaphore, #tpu.memory_space<semaphore_mem>>) {add = true}
      %dma_wait3A_214 = arith.constant 0 : i32
      %dma_wait3A_215 = tpu.memref_slice %arg5[%run_scoped3A, %dma_wait3A_214] : memref<2x80xi32, #tpu.memory_space<vmem>> -> memref<1x80xi32, #tpu.memory_space<vmem>>
      %dma_wait3A_216 = tpu.memref_squeeze %dma_wait3A_215 : memref<1x80xi32, #tpu.memory_space<vmem>> -> memref<80xi32, #tpu.memory_space<vmem>>
      %dma_wait3A_217 = arith.constant 0 : i32
      %dma_wait3A_218 = arith.constant 0 : i32
      %dma_wait3A_219 = tpu.memref_slice %arg11[%dma_wait3A_217, %dma_wait3A_218] : memref<10240x128xf32, #tpu.memory_space<vmem_shared>> -> memref<10240x128xf32, #tpu.memory_space<vmem_shared>>
      tpu.wait_indirect_dma semaphore(%run_scoped3A_207 : memref<!tpu.dma_semaphore, #tpu.memory_space<semaphore_mem>>) src(%arg8 : memref<80x128xf32, #tpu.memory_space<vmem>>) dst(%dma_wait3A_219 : memref<10240x128xf32, #tpu.memory_space<vmem_shared>>)
      tpu.yield
    }) : () -> ()
    %dma_start3A_108 = arith.constant 123 : i32
    %dma_start3A_109 = arith.constant 0 : i32
    %dma_start3A_110 = arith.constant 0 : i32
    %dma_start3A_111 = tpu.memref_slice %arg3[%add3A, %dma_start3A_108, %dma_start3A_109, %dma_start3A_110] : memref<32x125x2x80xi32, #tpu.memory_space<hbm>> -> memref<1x1x2x80xi32, #tpu.memory_space<hbm>>
    %dma_start3A_112 = tpu.memref_squeeze %dma_start3A_111 : memref<1x1x2x80xi32, #tpu.memory_space<hbm>> -> memref<2x80xi32, #tpu.memory_space<hbm>>
    %dma_start3A_113 = arith.constant 0 : i32
    %dma_start3A_114 = arith.constant 0 : i32
    %dma_start3A_115 = tpu.memref_slice %arg3[%add3A, %dma_start3A_108, %dma_start3A_113, %dma_start3A_114] : memref<32x125x2x80xi32, #tpu.memory_space<hbm>> -> memref<1x1x2x80xi32, #tpu.memory_space<hbm>>
    %dma_start3A_116 = tpu.memref_squeeze %dma_start3A_115 : memref<1x1x2x80xi32, #tpu.memory_space<hbm>> -> memref<2x80xi32, #tpu.memory_space<hbm>>
    tpu.enqueue_dma source(%dma_start3A_116 : memref<2x80xi32, #tpu.memory_space<hbm>>) target(%arg5 : memref<2x80xi32, #tpu.memory_space<vmem>>) target_semaphore(%arg12 : memref<!tpu.dma_semaphore, #tpu.memory_space<semaphore_mem>>)
    %dma_wait3A_117 = arith.constant 0 : i32
    %dma_wait3A_118 = arith.constant 0 : i32
    %dma_wait3A_119 = arith.constant 0 : i32
    %dma_wait3A_120 = tpu.memref_slice %arg3[%add3A, %dma_wait3A_117, %dma_wait3A_118, %dma_wait3A_119] : memref<32x125x2x80xi32, #tpu.memory_space<hbm>> -> memref<1x1x2x80xi32, #tpu.memory_space<hbm>>
    %dma_wait3A_121 = tpu.memref_squeeze %dma_wait3A_120 : memref<1x1x2x80xi32, #tpu.memory_space<hbm>> -> memref<2x80xi32, #tpu.memory_space<hbm>>
    %dma_wait3A_122 = arith.constant 0 : i32
    %dma_wait3A_123 = arith.constant 0 : i32
    %dma_wait3A_124 = tpu.memref_slice %arg3[%add3A, %dma_wait3A_117, %dma_wait3A_122, %dma_wait3A_123] : memref<32x125x2x80xi32, #tpu.memory_space<hbm>> -> memref<1x1x2x80xi32, #tpu.memory_space<hbm>>
    %dma_wait3A_125 = tpu.memref_squeeze %dma_wait3A_124 : memref<1x1x2x80xi32, #tpu.memory_space<hbm>> -> memref<2x80xi32, #tpu.memory_space<hbm>>
    tpu.wait_dma2 semaphore(%arg14 : memref<!tpu.dma_semaphore, #tpu.memory_space<semaphore_mem>>) src(%dma_wait3A_125 : memref<2x80xi32, #tpu.memory_space<hbm>>) dst(%arg7 : memref<2x80xi32, #tpu.memory_space<vmem>>)
    %dma_start3A_126 = arith.constant 0 : i32
    %dma_start3A_127 = arith.constant 0 : i32
    %dma_start3A_128 = tpu.memref_slice %arg7[%dma_start3A_126, %dma_start3A_127] : memref<2x80xi32, #tpu.memory_space<vmem>> -> memref<1x80xi32, #tpu.memory_space<vmem>>
    %dma_start3A_129 = tpu.memref_squeeze %dma_start3A_128 : memref<1x80xi32, #tpu.memory_space<vmem>> -> memref<80xi32, #tpu.memory_space<vmem>>
    %dma_start3A_130 = arith.constant 0 : i32
    %dma_start3A_131 = arith.constant 0 : i32
    %dma_start3A_132 = tpu.memref_slice %arg2[%dma_start3A_130, %dma_start3A_131] : memref<10000x128xf32, #tpu.memory_space<hbm>> -> memref<10000x128xf32, #tpu.memory_space<hbm>>
    tpu.enqueue_indirect_dma source(%dma_start3A_132 : memref<10000x128xf32, #tpu.memory_space<hbm>>) target(%arg10 : memref<80x128xf32, #tpu.memory_space<vmem>>) offsets(%dma_start3A_129 : memref<80xi32, #tpu.memory_space<vmem>>) semaphore(%arg17 : memref<!tpu.dma_semaphore, #tpu.memory_space<semaphore_mem>>)
    %dma_wait3A_133 = arith.constant 0 : i32
    %dma_wait3A_134 = arith.constant 0 : i32
    %dma_wait3A_135 = tpu.memref_slice %arg2[%dma_wait3A_133, %dma_wait3A_134] : memref<10000x128xf32, #tpu.memory_space<hbm>> -> memref<80x128xf32, #tpu.memory_space<hbm>>
    %dma_wait3A_136 = arith.constant 0 : i32
    %dma_wait3A_137 = arith.constant 0 : i32
    %dma_wait3A_138 = tpu.memref_slice %arg2[%dma_wait3A_136, %dma_wait3A_137] : memref<10000x128xf32, #tpu.memory_space<hbm>> -> memref<80x128xf32, #tpu.memory_space<hbm>>
    tpu.wait_dma2 semaphore(%arg16 : memref<!tpu.dma_semaphore, #tpu.memory_space<semaphore_mem>>) src(%dma_wait3A_138 : memref<80x128xf32, #tpu.memory_space<hbm>>) dst(%arg9 : memref<80x128xf32, #tpu.memory_space<vmem>>)
    %run_scoped3A_139 = arith.constant 1 : i32
    "tpu.region"() ({
      %run_scoped3A_207 = tpu.sem_alloc : memref<!tpu.dma_semaphore, #tpu.memory_space<semaphore_mem>>
      %dma_start3A_208 = arith.constant 0 : i32
      %dma_start3A_209 = tpu.memref_slice %arg6[%run_scoped3A_139, %dma_start3A_208] : memref<2x80xi32, #tpu.memory_space<vmem>> -> memref<1x80xi32, #tpu.memory_space<vmem>>
      %dma_start3A_210 = tpu.memref_squeeze %dma_start3A_209 : memref<1x80xi32, #tpu.memory_space<vmem>> -> memref<80xi32, #tpu.memory_space<vmem>>
      %dma_start3A_211 = arith.constant 0 : i32
      %dma_start3A_212 = arith.constant 0 : i32
      %dma_start3A_213 = tpu.memref_slice %arg11[%dma_start3A_211, %dma_start3A_212] : memref<10240x128xf32, #tpu.memory_space<vmem_shared>> -> memref<10240x128xf32, #tpu.memory_space<vmem_shared>>
      tpu.enqueue_indirect_dma source(%arg9 : memref<80x128xf32, #tpu.memory_space<vmem>>) target(%dma_start3A_213 : memref<10240x128xf32, #tpu.memory_space<vmem_shared>>) offsets(%dma_start3A_210 : memref<80xi32, #tpu.memory_space<vmem>>) semaphore(%run_scoped3A_207 : memref<!tpu.dma_semaphore, #tpu.memory_space<semaphore_mem>>) {add = true}
      %dma_wait3A_214 = arith.constant 0 : i32
      %dma_wait3A_215 = tpu.memref_slice %arg6[%run_scoped3A_139, %dma_wait3A_214] : memref<2x80xi32, #tpu.memory_space<vmem>> -> memref<1x80xi32, #tpu.memory_space<vmem>>
      %dma_wait3A_216 = tpu.memref_squeeze %dma_wait3A_215 : memref<1x80xi32, #tpu.memory_space<vmem>> -> memref<80xi32, #tpu.memory_space<vmem>>
      %dma_wait3A_217 = arith.constant 0 : i32
      %dma_wait3A_218 = arith.constant 0 : i32
      %dma_wait3A_219 = tpu.memref_slice %arg11[%dma_wait3A_217, %dma_wait3A_218] : memref<10240x128xf32, #tpu.memory_space<vmem_shared>> -> memref<10240x128xf32, #tpu.memory_space<vmem_shared>>
      tpu.wait_indirect_dma semaphore(%run_scoped3A_207 : memref<!tpu.dma_semaphore, #tpu.memory_space<semaphore_mem>>) src(%arg9 : memref<80x128xf32, #tpu.memory_space<vmem>>) dst(%dma_wait3A_219 : memref<10240x128xf32, #tpu.memory_space<vmem_shared>>)
      tpu.yield
    }) : () -> ()
    %dma_start3A_140 = arith.constant 124 : i32
    %dma_start3A_141 = arith.constant 0 : i32
    %dma_start3A_142 = arith.constant 0 : i32
    %dma_start3A_143 = tpu.memref_slice %arg3[%add3A, %dma_start3A_140, %dma_start3A_141, %dma_start3A_142] : memref<32x125x2x80xi32, #tpu.memory_space<hbm>> -> memref<1x1x2x80xi32, #tpu.memory_space<hbm>>
    %dma_start3A_144 = tpu.memref_squeeze %dma_start3A_143 : memref<1x1x2x80xi32, #tpu.memory_space<hbm>> -> memref<2x80xi32, #tpu.memory_space<hbm>>
    %dma_start3A_145 = arith.constant 0 : i32
    %dma_start3A_146 = arith.constant 0 : i32
    %dma_start3A_147 = tpu.memref_slice %arg3[%add3A, %dma_start3A_140, %dma_start3A_145, %dma_start3A_146] : memref<32x125x2x80xi32, #tpu.memory_space<hbm>> -> memref<1x1x2x80xi32, #tpu.memory_space<hbm>>
    %dma_start3A_148 = tpu.memref_squeeze %dma_start3A_147 : memref<1x1x2x80xi32, #tpu.memory_space<hbm>> -> memref<2x80xi32, #tpu.memory_space<hbm>>
    tpu.enqueue_dma source(%dma_start3A_148 : memref<2x80xi32, #tpu.memory_space<hbm>>) target(%arg6 : memref<2x80xi32, #tpu.memory_space<vmem>>) target_semaphore(%arg13 : memref<!tpu.dma_semaphore, #tpu.memory_space<semaphore_mem>>)
    %dma_wait3A_149 = arith.constant 0 : i32
    %dma_wait3A_150 = arith.constant 0 : i32
    %dma_wait3A_151 = arith.constant 0 : i32
    %dma_wait3A_152 = tpu.memref_slice %arg3[%add3A, %dma_wait3A_149, %dma_wait3A_150, %dma_wait3A_151] : memref<32x125x2x80xi32, #tpu.memory_space<hbm>> -> memref<1x1x2x80xi32, #tpu.memory_space<hbm>>
    %dma_wait3A_153 = tpu.memref_squeeze %dma_wait3A_152 : memref<1x1x2x80xi32, #tpu.memory_space<hbm>> -> memref<2x80xi32, #tpu.memory_space<hbm>>
    %dma_wait3A_154 = arith.constant 0 : i32
    %dma_wait3A_155 = arith.constant 0 : i32
    %dma_wait3A_156 = tpu.memref_slice %arg3[%add3A, %dma_wait3A_149, %dma_wait3A_154, %dma_wait3A_155] : memref<32x125x2x80xi32, #tpu.memory_space<hbm>> -> memref<1x1x2x80xi32, #tpu.memory_space<hbm>>
    %dma_wait3A_157 = tpu.memref_squeeze %dma_wait3A_156 : memref<1x1x2x80xi32, #tpu.memory_space<hbm>> -> memref<2x80xi32, #tpu.memory_space<hbm>>
    tpu.wait_dma2 semaphore(%arg12 : memref<!tpu.dma_semaphore, #tpu.memory_space<semaphore_mem>>) src(%dma_wait3A_157 : memref<2x80xi32, #tpu.memory_space<hbm>>) dst(%arg5 : memref<2x80xi32, #tpu.memory_space<vmem>>)
    %dma_start3A_158 = arith.constant 0 : i32
    %dma_start3A_159 = arith.constant 0 : i32
    %dma_start3A_160 = tpu.memref_slice %arg5[%dma_start3A_158, %dma_start3A_159] : memref<2x80xi32, #tpu.memory_space<vmem>> -> memref<1x80xi32, #tpu.memory_space<vmem>>
    %dma_start3A_161 = tpu.memref_squeeze %dma_start3A_160 : memref<1x80xi32, #tpu.memory_space<vmem>> -> memref<80xi32, #tpu.memory_space<vmem>>
    %dma_start3A_162 = arith.constant 0 : i32
    %dma_start3A_163 = arith.constant 0 : i32
    %dma_start3A_164 = tpu.memref_slice %arg2[%dma_start3A_162, %dma_start3A_163] : memref<10000x128xf32, #tpu.memory_space<hbm>> -> memref<10000x128xf32, #tpu.memory_space<hbm>>
    tpu.enqueue_indirect_dma source(%dma_start3A_164 : memref<10000x128xf32, #tpu.memory_space<hbm>>) target(%arg8 : memref<80x128xf32, #tpu.memory_space<vmem>>) offsets(%dma_start3A_161 : memref<80xi32, #tpu.memory_space<vmem>>) semaphore(%arg15 : memref<!tpu.dma_semaphore, #tpu.memory_space<semaphore_mem>>)
    %dma_wait3A_165 = arith.constant 0 : i32
    %dma_wait3A_166 = arith.constant 0 : i32
    %dma_wait3A_167 = tpu.memref_slice %arg2[%dma_wait3A_165, %dma_wait3A_166] : memref<10000x128xf32, #tpu.memory_space<hbm>> -> memref<80x128xf32, #tpu.memory_space<hbm>>
    %dma_wait3A_168 = arith.constant 0 : i32
    %dma_wait3A_169 = arith.constant 0 : i32
    %dma_wait3A_170 = tpu.memref_slice %arg2[%dma_wait3A_168, %dma_wait3A_169] : memref<10000x128xf32, #tpu.memory_space<hbm>> -> memref<80x128xf32, #tpu.memory_space<hbm>>
    tpu.wait_dma2 semaphore(%arg17 : memref<!tpu.dma_semaphore, #tpu.memory_space<semaphore_mem>>) src(%dma_wait3A_170 : memref<80x128xf32, #tpu.memory_space<hbm>>) dst(%arg10 : memref<80x128xf32, #tpu.memory_space<vmem>>)
    %run_scoped3A_171 = arith.constant 1 : i32
    "tpu.region"() ({
      %run_scoped3A_207 = tpu.sem_alloc : memref<!tpu.dma_semaphore, #tpu.memory_space<semaphore_mem>>
      %dma_start3A_208 = arith.constant 0 : i32
      %dma_start3A_209 = tpu.memref_slice %arg7[%run_scoped3A_171, %dma_start3A_208] : memref<2x80xi32, #tpu.memory_space<vmem>> -> memref<1x80xi32, #tpu.memory_space<vmem>>
      %dma_start3A_210 = tpu.memref_squeeze %dma_start3A_209 : memref<1x80xi32, #tpu.memory_space<vmem>> -> memref<80xi32, #tpu.memory_space<vmem>>
      %dma_start3A_211 = arith.constant 0 : i32
      %dma_start3A_212 = arith.constant 0 : i32
      %dma_start3A_213 = tpu.memref_slice %arg11[%dma_start3A_211, %dma_start3A_212] : memref<10240x128xf32, #tpu.memory_space<vmem_shared>> -> memref<10240x128xf32, #tpu.memory_space<vmem_shared>>
      tpu.enqueue_indirect_dma source(%arg10 : memref<80x128xf32, #tpu.memory_space<vmem>>) target(%dma_start3A_213 : memref<10240x128xf32, #tpu.memory_space<vmem_shared>>) offsets(%dma_start3A_210 : memref<80xi32, #tpu.memory_space<vmem>>) semaphore(%run_scoped3A_207 : memref<!tpu.dma_semaphore, #tpu.memory_space<semaphore_mem>>) {add = true}
      %dma_wait3A_214 = arith.constant 0 : i32
      %dma_wait3A_215 = tpu.memref_slice %arg7[%run_scoped3A_171, %dma_wait3A_214] : memref<2x80xi32, #tpu.memory_space<vmem>> -> memref<1x80xi32, #tpu.memory_space<vmem>>
      %dma_wait3A_216 = tpu.memref_squeeze %dma_wait3A_215 : memref<1x80xi32, #tpu.memory_space<vmem>> -> memref<80xi32, #tpu.memory_space<vmem>>
      %dma_wait3A_217 = arith.constant 0 : i32
      %dma_wait3A_218 = arith.constant 0 : i32
      %dma_wait3A_219 = tpu.memref_slice %arg11[%dma_wait3A_217, %dma_wait3A_218] : memref<10240x128xf32, #tpu.memory_space<vmem_shared>> -> memref<10240x128xf32, #tpu.memory_space<vmem_shared>>
      tpu.wait_indirect_dma semaphore(%run_scoped3A_207 : memref<!tpu.dma_semaphore, #tpu.memory_space<semaphore_mem>>) src(%arg10 : memref<80x128xf32, #tpu.memory_space<vmem>>) dst(%dma_wait3A_219 : memref<10240x128xf32, #tpu.memory_space<vmem_shared>>)
      tpu.yield
    }) : () -> ()
    %dma_wait3A_172 = arith.constant 0 : i32
    %dma_wait3A_173 = arith.constant 0 : i32
    %dma_wait3A_174 = arith.constant 0 : i32
    %dma_wait3A_175 = tpu.memref_slice %arg3[%add3A, %dma_wait3A_172, %dma_wait3A_173, %dma_wait3A_174] : memref<32x125x2x80xi32, #tpu.memory_space<hbm>> -> memref<1x1x2x80xi32, #tpu.memory_space<hbm>>
    %dma_wait3A_176 = tpu.memref_squeeze %dma_wait3A_175 : memref<1x1x2x80xi32, #tpu.memory_space<hbm>> -> memref<2x80xi32, #tpu.memory_space<hbm>>
    %dma_wait3A_177 = arith.constant 0 : i32
    %dma_wait3A_178 = arith.constant 0 : i32
    %dma_wait3A_179 = tpu.memref_slice %arg3[%add3A, %dma_wait3A_172, %dma_wait3A_177, %dma_wait3A_178] : memref<32x125x2x80xi32, #tpu.memory_space<hbm>> -> memref<1x1x2x80xi32, #tpu.memory_space<hbm>>
    %dma_wait3A_180 = tpu.memref_squeeze %dma_wait3A_179 : memref<1x1x2x80xi32, #tpu.memory_space<hbm>> -> memref<2x80xi32, #tpu.memory_space<hbm>>
    tpu.wait_dma2 semaphore(%arg13 : memref<!tpu.dma_semaphore, #tpu.memory_space<semaphore_mem>>) src(%dma_wait3A_180 : memref<2x80xi32, #tpu.memory_space<hbm>>) dst(%arg6 : memref<2x80xi32, #tpu.memory_space<vmem>>)
    %dma_start3A_181 = arith.constant 0 : i32
    %dma_start3A_182 = arith.constant 0 : i32
    %dma_start3A_183 = tpu.memref_slice %arg6[%dma_start3A_181, %dma_start3A_182] : memref<2x80xi32, #tpu.memory_space<vmem>> -> memref<1x80xi32, #tpu.memory_space<vmem>>
    %dma_start3A_184 = tpu.memref_squeeze %dma_start3A_183 : memref<1x80xi32, #tpu.memory_space<vmem>> -> memref<80xi32, #tpu.memory_space<vmem>>
    %dma_start3A_185 = arith.constant 0 : i32
    %dma_start3A_186 = arith.constant 0 : i32
    %dma_start3A_187 = tpu.memref_slice %arg2[%dma_start3A_185, %dma_start3A_186] : memref<10000x128xf32, #tpu.memory_space<hbm>> -> memref<10000x128xf32, #tpu.memory_space<hbm>>
    tpu.enqueue_indirect_dma source(%dma_start3A_187 : memref<10000x128xf32, #tpu.memory_space<hbm>>) target(%arg9 : memref<80x128xf32, #tpu.memory_space<vmem>>) offsets(%dma_start3A_184 : memref<80xi32, #tpu.memory_space<vmem>>) semaphore(%arg16 : memref<!tpu.dma_semaphore, #tpu.memory_space<semaphore_mem>>)
    %dma_wait3A_188 = arith.constant 0 : i32
    %dma_wait3A_189 = arith.constant 0 : i32
    %dma_wait3A_190 = tpu.memref_slice %arg2[%dma_wait3A_188, %dma_wait3A_189] : memref<10000x128xf32, #tpu.memory_space<hbm>> -> memref<80x128xf32, #tpu.memory_space<hbm>>
    %dma_wait3A_191 = arith.constant 0 : i32
    %dma_wait3A_192 = arith.constant 0 : i32
    %dma_wait3A_193 = tpu.memref_slice %arg2[%dma_wait3A_191, %dma_wait3A_192] : memref<10000x128xf32, #tpu.memory_space<hbm>> -> memref<80x128xf32, #tpu.memory_space<hbm>>
    tpu.wait_dma2 semaphore(%arg15 : memref<!tpu.dma_semaphore, #tpu.memory_space<semaphore_mem>>) src(%dma_wait3A_193 : memref<80x128xf32, #tpu.memory_space<hbm>>) dst(%arg8 : memref<80x128xf32, #tpu.memory_space<vmem>>)
    %run_scoped3A_194 = arith.constant 1 : i32
    "tpu.region"() ({
      %run_scoped3A_207 = tpu.sem_alloc : memref<!tpu.dma_semaphore, #tpu.memory_space<semaphore_mem>>
      %dma_start3A_208 = arith.constant 0 : i32
      %dma_start3A_209 = tpu.memref_slice %arg5[%run_scoped3A_194, %dma_start3A_208] : memref<2x80xi32, #tpu.memory_space<vmem>> -> memref<1x80xi32, #tpu.memory_space<vmem>>
      %dma_start3A_210 = tpu.memref_squeeze %dma_start3A_209 : memref<1x80xi32, #tpu.memory_space<vmem>> -> memref<80xi32, #tpu.memory_space<vmem>>
      %dma_start3A_211 = arith.constant 0 : i32
      %dma_start3A_212 = arith.constant 0 : i32
      %dma_start3A_213 = tpu.memref_slice %arg11[%dma_start3A_211, %dma_start3A_212] : memref<10240x128xf32, #tpu.memory_space<vmem_shared>> -> memref<10240x128xf32, #tpu.memory_space<vmem_shared>>
      tpu.enqueue_indirect_dma source(%arg8 : memref<80x128xf32, #tpu.memory_space<vmem>>) target(%dma_start3A_213 : memref<10240x128xf32, #tpu.memory_space<vmem_shared>>) offsets(%dma_start3A_210 : memref<80xi32, #tpu.memory_space<vmem>>) semaphore(%run_scoped3A_207 : memref<!tpu.dma_semaphore, #tpu.memory_space<semaphore_mem>>) {add = true}
      %dma_wait3A_214 = arith.constant 0 : i32
      %dma_wait3A_215 = tpu.memref_slice %arg5[%run_scoped3A_194, %dma_wait3A_214] : memref<2x80xi32, #tpu.memory_space<vmem>> -> memref<1x80xi32, #tpu.memory_space<vmem>>
      %dma_wait3A_216 = tpu.memref_squeeze %dma_wait3A_215 : memref<1x80xi32, #tpu.memory_space<vmem>> -> memref<80xi32, #tpu.memory_space<vmem>>
      %dma_wait3A_217 = arith.constant 0 : i32
      %dma_wait3A_218 = arith.constant 0 : i32
      %dma_wait3A_219 = tpu.memref_slice %arg11[%dma_wait3A_217, %dma_wait3A_218] : memref<10240x128xf32, #tpu.memory_space<vmem_shared>> -> memref<10240x128xf32, #tpu.memory_space<vmem_shared>>
      tpu.wait_indirect_dma semaphore(%run_scoped3A_207 : memref<!tpu.dma_semaphore, #tpu.memory_space<semaphore_mem>>) src(%arg8 : memref<80x128xf32, #tpu.memory_space<vmem>>) dst(%dma_wait3A_219 : memref<10240x128xf32, #tpu.memory_space<vmem_shared>>)
      tpu.yield
    }) : () -> ()
    %dma_wait3A_195 = arith.constant 0 : i32
    %dma_wait3A_196 = arith.constant 0 : i32
    %dma_wait3A_197 = tpu.memref_slice %arg2[%dma_wait3A_195, %dma_wait3A_196] : memref<10000x128xf32, #tpu.memory_space<hbm>> -> memref<80x128xf32, #tpu.memory_space<hbm>>
    %dma_wait3A_198 = arith.constant 0 : i32
    %dma_wait3A_199 = arith.constant 0 : i32
    %dma_wait3A_200 = tpu.memref_slice %arg2[%dma_wait3A_198, %dma_wait3A_199] : memref<10000x128xf32, #tpu.memory_space<hbm>> -> memref<80x128xf32, #tpu.memory_space<hbm>>
    tpu.wait_dma2 semaphore(%arg16 : memref<!tpu.dma_semaphore, #tpu.memory_space<semaphore_mem>>) src(%dma_wait3A_200 : memref<80x128xf32, #tpu.memory_space<hbm>>) dst(%arg9 : memref<80x128xf32, #tpu.memory_space<vmem>>)
    %run_scoped3A_201 = arith.constant 1 : i32
    "tpu.region"() ({
      %run_scoped3A_207 = tpu.sem_alloc : memref<!tpu.dma_semaphore, #tpu.memory_space<semaphore_mem>>
      %dma_start3A_208 = arith.constant 0 : i32
      %dma_start3A_209 = tpu.memref_slice %arg6[%run_scoped3A_201, %dma_start3A_208] : memref<2x80xi32, #tpu.memory_space<vmem>> -> memref<1x80xi32, #tpu.memory_space<vmem>>
      %dma_start3A_210 = tpu.memref_squeeze %dma_start3A_209 : memref<1x80xi32, #tpu.memory_space<vmem>> -> memref<80xi32, #tpu.memory_space<vmem>>
      %dma_start3A_211 = arith.constant 0 : i32
      %dma_start3A_212 = arith.constant 0 : i32
      %dma_start3A_213 = tpu.memref_slice %arg11[%dma_start3A_211, %dma_start3A_212] : memref<10240x128xf32, #tpu.memory_space<vmem_shared>> -> memref<10240x128xf32, #tpu.memory_space<vmem_shared>>
      tpu.enqueue_indirect_dma source(%arg9 : memref<80x128xf32, #tpu.memory_space<vmem>>) target(%dma_start3A_213 : memref<10240x128xf32, #tpu.memory_space<vmem_shared>>) offsets(%dma_start3A_210 : memref<80xi32, #tpu.memory_space<vmem>>) semaphore(%run_scoped3A_207 : memref<!tpu.dma_semaphore, #tpu.memory_space<semaphore_mem>>) {add = true}
      %dma_wait3A_214 = arith.constant 0 : i32
      %dma_wait3A_215 = tpu.memref_slice %arg6[%run_scoped3A_201, %dma_wait3A_214] : memref<2x80xi32, #tpu.memory_space<vmem>> -> memref<1x80xi32, #tpu.memory_space<vmem>>
      %dma_wait3A_216 = tpu.memref_squeeze %dma_wait3A_215 : memref<1x80xi32, #tpu.memory_space<vmem>> -> memref<80xi32, #tpu.memory_space<vmem>>
      %dma_wait3A_217 = arith.constant 0 : i32
      %dma_wait3A_218 = arith.constant 0 : i32
      %dma_wait3A_219 = tpu.memref_slice %arg11[%dma_wait3A_217, %dma_wait3A_218] : memref<10240x128xf32, #tpu.memory_space<vmem_shared>> -> memref<10240x128xf32, #tpu.memory_space<vmem_shared>>
      tpu.wait_indirect_dma semaphore(%run_scoped3A_207 : memref<!tpu.dma_semaphore, #tpu.memory_space<semaphore_mem>>) src(%arg9 : memref<80x128xf32, #tpu.memory_space<vmem>>) dst(%dma_wait3A_219 : memref<10240x128xf32, #tpu.memory_space<vmem_shared>>)
      tpu.yield
    }) : () -> ()
    %barrier3A_202 = arith.constant 0 : index
    tpu.barrier barrier_id(%barrier3A_202)
    %mul3A_203 = arith.constant 640 : i32
    %mul3A_204 = arith.muli %arg1, %mul3A_203 : i32
    %mul3A_205 = arith.constant 640 : i32
    %mul3A_206 = arith.muli %arg1, %mul3A_205 : i32
    "tpu.region"() ({
      %run_scoped3A_207 = tpu.sem_alloc : memref<!tpu.dma_semaphore, #tpu.memory_space<semaphore_mem>>
      %dma_start3A_208 = arith.constant 0 : i32
      %dma_start3A_209 = tpu.memref_slice %arg4[%arg0, %mul3A_206, %dma_start3A_208] : memref<2x10240x128xf32, #tpu.memory_space<hbm>> -> memref<1x640x128xf32, #tpu.memory_space<hbm>>
      %dma_start3A_210 = tpu.memref_squeeze %dma_start3A_209 : memref<1x640x128xf32, #tpu.memory_space<hbm>> -> memref<640x128xf32, #tpu.memory_space<hbm>>
      %dma_start3A_211 = arith.constant 0 : i32
      %dma_start3A_212 = tpu.memref_slice %arg11[%mul3A_204, %dma_start3A_211] : memref<10240x128xf32, #tpu.memory_space<vmem_shared>> -> memref<640x128xf32, #tpu.memory_space<vmem_shared>>
      tpu.enqueue_dma source(%dma_start3A_212 : memref<640x128xf32, #tpu.memory_space<vmem_shared>>) target(%dma_start3A_210 : memref<640x128xf32, #tpu.memory_space<hbm>>) target_semaphore(%run_scoped3A_207 : memref<!tpu.dma_semaphore, #tpu.memory_space<semaphore_mem>>)
      %dma_wait3A_213 = arith.constant 0 : i32
      %dma_wait3A_214 = tpu.memref_slice %arg4[%arg0, %mul3A_206, %dma_wait3A_213] : memref<2x10240x128xf32, #tpu.memory_space<hbm>> -> memref<1x640x128xf32, #tpu.memory_space<hbm>>
      %dma_wait3A_215 = tpu.memref_squeeze %dma_wait3A_214 : memref<1x640x128xf32, #tpu.memory_space<hbm>> -> memref<640x128xf32, #tpu.memory_space<hbm>>
      %dma_wait3A_216 = arith.constant 0 : i32
      %dma_wait3A_217 = tpu.memref_slice %arg11[%mul3A_204, %dma_wait3A_216] : memref<10240x128xf32, #tpu.memory_space<vmem_shared>> -> memref<640x128xf32, #tpu.memory_space<vmem_shared>>
      tpu.wait_dma2 semaphore(%run_scoped3A_207 : memref<!tpu.dma_semaphore, #tpu.memory_space<semaphore_mem>>) src(%dma_wait3A_217 : memref<640x128xf32, #tpu.memory_space<vmem_shared>>) dst(%dma_wait3A_215 : memref<640x128xf32, #tpu.memory_space<hbm>>)
      tpu.yield
    }) : () -> ()
    return
  }
}

module attributes {stable_mosaic.version = 14 : i64} {
  func.func @_tc_pre_body(%arg0: i32, %arg1: memref<5000x128xf32, #tpu.memory_space<vmem>>, %arg2: memref<5000x32xf32, #tpu.memory_space<vmem>>, %arg3: memref<1x128xf32, #tpu.memory_space<vmem>>, %arg4: memref<1x128xf32, #tpu.memory_space<vmem>>, %arg5: memref<128x128xf32, #tpu.memory_space<vmem>>, %arg6: memref<5000x128xf32, #tpu.memory_space<vmem>>) attributes {dimension_semantics = [#tpu.dimension_semantics<arbitrary>], iteration_bounds = array<i64: 2>, scalar_prefetch = 0 : i64, scratch_operands = 0 : i64, tpu.core_type = #tpu.core_type<tc>, window_params = [{transform_indices = @transform_0, window_bounds = array<i64: 5000, 128>}, {transform_indices = @transform_1, window_bounds = array<i64: 5000, 32>}, {pipeline_mode = #tpu.pipeline_mode<synchronous>, transform_indices = @transform_2, window_bounds = array<i64: 1, 128>}, {pipeline_mode = #tpu.pipeline_mode<synchronous>, transform_indices = @transform_3, window_bounds = array<i64: 1, 128>}, {pipeline_mode = #tpu.pipeline_mode<synchronous>, transform_indices = @transform_4, window_bounds = array<i64: 128, 128>}, {transform_indices = @transform_5, window_bounds = array<i64: 5000, 128>}]} {
    %get3A = arith.constant 0 : index
    %get3A_0 = arith.constant 0 : index
    %get3A_1 = vector.load %arg1[%get3A, %get3A_0] : memref<5000x128xf32, #tpu.memory_space<vmem>>, vector<5000x128xf32>
    %get3A_2 = arith.constant 0 : index
    %get3A_3 = arith.constant 0 : index
    %get3A_4 = vector.load %arg3[%get3A_2, %get3A_3] : memref<1x128xf32, #tpu.memory_space<vmem>>, vector<1x128xf32>
    %get3A_5 = arith.constant 0 : index
    %get3A_6 = arith.constant 0 : index
    %get3A_7 = vector.load %arg4[%get3A_5, %get3A_6] : memref<1x128xf32, #tpu.memory_space<vmem>>, vector<1x128xf32>
    %reduce_sum3A = arith.constant dense<0.000000e+00> : vector<5000xf32>
    %reduce_sum3A_8 = vector.multi_reduction <add>, %get3A_1, %reduce_sum3A [1] : vector<5000x128xf32> to vector<5000xf32>
    %broadcast_in_dim3A = vector.shape_cast %reduce_sum3A_8 : vector<5000xf32> to vector<5000x1xf32>
    %div3A = arith.constant 1.280000e+02 : f32
    %div3A_9 = vector.broadcast %div3A : f32 to vector<5000x1xf32>
    %div3A_10 = arith.divf %broadcast_in_dim3A, %div3A_9 : vector<5000x1xf32>
    %sub3A = vector.broadcast %div3A_10 : vector<5000x1xf32> to vector<5000x128xf32>
    %sub3A_11 = arith.subf %get3A_1, %sub3A : vector<5000x128xf32>
    %sub3A_12 = vector.broadcast %div3A_10 : vector<5000x1xf32> to vector<5000x128xf32>
    %sub3A_13 = arith.subf %get3A_1, %sub3A_12 : vector<5000x128xf32>
    %mul3A = arith.mulf %sub3A_11, %sub3A_13 : vector<5000x128xf32>
    %reduce_sum3A_14 = arith.constant dense<0.000000e+00> : vector<5000xf32>
    %reduce_sum3A_15 = vector.multi_reduction <add>, %mul3A, %reduce_sum3A_14 [1] : vector<5000x128xf32> to vector<5000xf32>
    %broadcast_in_dim3A_16 = vector.shape_cast %reduce_sum3A_15 : vector<5000xf32> to vector<5000x1xf32>
    %div3A_17 = arith.constant 1.280000e+02 : f32
    %div3A_18 = vector.broadcast %div3A_17 : f32 to vector<5000x1xf32>
    %div3A_19 = arith.divf %broadcast_in_dim3A_16, %div3A_18 : vector<5000x1xf32>
    %sub3A_20 = vector.broadcast %div3A_10 : vector<5000x1xf32> to vector<5000x128xf32>
    %sub3A_21 = arith.subf %get3A_1, %sub3A_20 : vector<5000x128xf32>
    %add3A = arith.constant 9.99999974E-6 : f32
    %add3A_22 = vector.broadcast %add3A : f32 to vector<5000x1xf32>
    %add3A_23 = arith.addf %div3A_19, %add3A_22 : vector<5000x1xf32>
    %rsqrt3A = math.rsqrt %add3A_23 : vector<5000x1xf32>
    %mul3A_24 = vector.broadcast %rsqrt3A : vector<5000x1xf32> to vector<5000x128xf32>
    %mul3A_25 = arith.mulf %sub3A_21, %mul3A_24 : vector<5000x128xf32>
    %mul3A_26 = vector.broadcast %get3A_4 : vector<1x128xf32> to vector<5000x128xf32>
    %mul3A_27 = arith.mulf %mul3A_25, %mul3A_26 : vector<5000x128xf32>
    %add3A_28 = vector.broadcast %get3A_7 : vector<1x128xf32> to vector<5000x128xf32>
    %add3A_29 = arith.addf %mul3A_27, %add3A_28 : vector<5000x128xf32>
    %get3A_30 = arith.constant 0 : index
    %get3A_31 = arith.constant 0 : index
    %get3A_32 = vector.load %arg2[%get3A_30, %get3A_31] : memref<5000x32xf32, #tpu.memory_space<vmem>>, vector<5000x32xf32>
    %reduce_sum3A_33 = arith.constant dense<0.000000e+00> : vector<5000xf32>
    %reduce_sum3A_34 = vector.multi_reduction <add>, %get3A_32, %reduce_sum3A_33 [1] : vector<5000x32xf32> to vector<5000xf32>
    %broadcast_in_dim3A_35 = vector.shape_cast %reduce_sum3A_34 : vector<5000xf32> to vector<5000x1xf32>
    %add3A_36 = arith.constant 1.000000e+00 : f32
    %add3A_37 = vector.broadcast %add3A_36 : f32 to vector<5000x1xf32>
    %add3A_38 = arith.addf %broadcast_in_dim3A_35, %add3A_37 : vector<5000x1xf32>
    %rsqrt3A_39 = math.rsqrt %add3A_38 : vector<5000x1xf32>
    %get3A_40 = arith.constant 0 : index
    %get3A_41 = arith.constant 0 : index
    %get3A_42 = vector.load %arg5[%get3A_40, %get3A_41] : memref<128x128xf32, #tpu.memory_space<vmem>>, vector<128x128xf32>
    %dot_general3A = arith.constant dense<0.000000e+00> : vector<5000x128xf32>
    %dot_general3A_43 = tpu.matmul %add3A_29, %get3A_42, %dot_general3A {dimension_numbers = #tpu.dot_dimension_numbers<[1], [0], [0], [1], [0, 0, 1, 1], [], []>, transpose_lhs_hint = false} : vector<5000x128xf32>, vector<128x128xf32>, vector<5000x128xf32> -> vector<5000x128xf32>
    %mul3A_44 = vector.broadcast %rsqrt3A_39 : vector<5000x1xf32> to vector<5000x128xf32>
    %mul3A_45 = arith.mulf %mul3A_44, %dot_general3A_43 : vector<5000x128xf32>
    %swap3A = arith.constant 0 : index
    %swap3A_46 = arith.constant 0 : index
    %swap3A_47 = vector.load %arg6[%swap3A, %swap3A_46] : memref<5000x128xf32, #tpu.memory_space<vmem>>, vector<5000x128xf32>
    tpu.vector_store %arg6[%swap3A, %swap3A_46], %mul3A_45 {strides = array<i32>} : memref<5000x128xf32, #tpu.memory_space<vmem>>, vector<5000x128xf32>,
    return
  }
  func.func @transform_0(%arg0: i32) -> (i32, i32) {
    %c0_i32 = arith.constant 0 : i32
    %c0_i32_0 = arith.constant 0 : i32
    return %arg0, %c0_i32 : i32, i32
  }
  func.func @transform_1(%arg0: i32) -> (i32, i32) {
    %c0_i32 = arith.constant 0 : i32
    %c0_i32_0 = arith.constant 0 : i32
    return %arg0, %c0_i32 : i32, i32
  }
  func.func @transform_2(%arg0: i32) -> (i32, i32) {
    %c0_i32 = arith.constant 0 : i32
    %c0_i32_0 = arith.constant 0 : i32
    %c0_i32_1 = arith.constant 0 : i32
    return %c0_i32, %c0_i32_0 : i32, i32
  }
  func.func @transform_3(%arg0: i32) -> (i32, i32) {
    %c0_i32 = arith.constant 0 : i32
    %c0_i32_0 = arith.constant 0 : i32
    %c0_i32_1 = arith.constant 0 : i32
    return %c0_i32, %c0_i32_0 : i32, i32
  }
  func.func @transform_4(%arg0: i32) -> (i32, i32) {
    %c0_i32 = arith.constant 0 : i32
    %c0_i32_0 = arith.constant 0 : i32
    %c0_i32_1 = arith.constant 0 : i32
    return %c0_i32, %c0_i32_0 : i32, i32
  }
  func.func @transform_5(%arg0: i32) -> (i32, i32) {
    %c0_i32 = arith.constant 0 : i32
    %c0_i32_0 = arith.constant 0 : i32
    return %arg0, %c0_i32 : i32, i32
  }
}

module attributes {stable_mosaic.version = 14 : i64} {
  func.func @_tc_mid_body(%arg0: i32, %arg1: memref<1x5000x128xf32, #tpu.memory_space<vmem>>, %arg2: memref<1x5000x128xf32, #tpu.memory_space<vmem>>, %arg3: memref<5000x128xf32, #tpu.memory_space<vmem>>, %arg4: memref<5000x32xf32, #tpu.memory_space<vmem>>, %arg5: memref<1x128xf32, #tpu.memory_space<vmem>>, %arg6: memref<1x128xf32, #tpu.memory_space<vmem>>, %arg7: memref<1x128xf32, #tpu.memory_space<vmem>>, %arg8: memref<128x128xf32, #tpu.memory_space<vmem>>, %arg9: memref<5000x128xf32, #tpu.memory_space<vmem>>) attributes {dimension_semantics = [#tpu.dimension_semantics<arbitrary>], iteration_bounds = array<i64: 2>, scalar_prefetch = 0 : i64, scratch_operands = 0 : i64, tpu.core_type = #tpu.core_type<tc>, window_params = [{transform_indices = @transform_0, window_bounds = array<i64: 1, 5000, 128>}, {transform_indices = @transform_1, window_bounds = array<i64: 1, 5000, 128>}, {transform_indices = @transform_2, window_bounds = array<i64: 5000, 128>}, {transform_indices = @transform_3, window_bounds = array<i64: 5000, 32>}, {pipeline_mode = #tpu.pipeline_mode<synchronous>, transform_indices = @transform_4, window_bounds = array<i64: 1, 128>}, {pipeline_mode = #tpu.pipeline_mode<synchronous>, transform_indices = @transform_5, window_bounds = array<i64: 1, 128>}, {pipeline_mode = #tpu.pipeline_mode<synchronous>, transform_indices = @transform_6, window_bounds = array<i64: 1, 128>}, {pipeline_mode = #tpu.pipeline_mode<synchronous>, transform_indices = @transform_7, window_bounds = array<i64: 128, 128>}, {transform_indices = @transform_8, window_bounds = array<i64: 5000, 128>}]} {
    %get3A = arith.constant 0 : index
    %get3A_0 = arith.constant 0 : index
    %get3A_1 = vector.load %arg4[%get3A, %get3A_0] : memref<5000x32xf32, #tpu.memory_space<vmem>>, vector<5000x32xf32>
    %reduce_sum3A = arith.constant dense<0.000000e+00> : vector<5000xf32>
    %reduce_sum3A_2 = vector.multi_reduction <add>, %get3A_1, %reduce_sum3A [1] : vector<5000x32xf32> to vector<5000xf32>
    %broadcast_in_dim3A = vector.shape_cast %reduce_sum3A_2 : vector<5000xf32> to vector<5000x1xf32>
    %add3A = arith.constant 1.000000e+00 : f32
    %add3A_3 = vector.broadcast %add3A : f32 to vector<5000x1xf32>
    %add3A_4 = arith.addf %broadcast_in_dim3A, %add3A_3 : vector<5000x1xf32>
    %rsqrt3A = math.rsqrt %add3A_4 : vector<5000x1xf32>
    %get3A_5 = arith.constant 0 : index
    %get3A_6 = arith.constant 0 : index
    %get3A_7 = arith.constant 0 : index
    %get3A_8 = vector.load %arg1[%get3A_5, %get3A_6, %get3A_7] : memref<1x5000x128xf32, #tpu.memory_space<vmem>>, vector<1x5000x128xf32>
    %get3A_9 = vector.shape_cast %get3A_8 : vector<1x5000x128xf32> to vector<5000x128xf32>
    %get3A_10 = arith.constant 0 : index
    %get3A_11 = arith.constant 0 : index
    %get3A_12 = arith.constant 0 : index
    %get3A_13 = vector.load %arg2[%get3A_10, %get3A_11, %get3A_12] : memref<1x5000x128xf32, #tpu.memory_space<vmem>>, vector<1x5000x128xf32>
    %get3A_14 = vector.shape_cast %get3A_13 : vector<1x5000x128xf32> to vector<5000x128xf32>
    %add3A_15 = arith.addf %get3A_9, %get3A_14 : vector<5000x128xf32>
    %get3A_16 = arith.constant 0 : index
    %get3A_17 = arith.constant 0 : index
    %get3A_18 = vector.load %arg3[%get3A_16, %get3A_17] : memref<5000x128xf32, #tpu.memory_space<vmem>>, vector<5000x128xf32>
    %add3A_19 = arith.addf %add3A_15, %get3A_18 : vector<5000x128xf32>
    %mul3A = vector.broadcast %rsqrt3A : vector<5000x1xf32> to vector<5000x128xf32>
    %mul3A_20 = arith.mulf %mul3A, %add3A_19 : vector<5000x128xf32>
    %get3A_21 = arith.constant 0 : index
    %get3A_22 = arith.constant 0 : index
    %get3A_23 = vector.load %arg5[%get3A_21, %get3A_22] : memref<1x128xf32, #tpu.memory_space<vmem>>, vector<1x128xf32>
    %add3A_24 = vector.broadcast %get3A_23 : vector<1x128xf32> to vector<5000x128xf32>
    %add3A_25 = arith.addf %mul3A_20, %add3A_24 : vector<5000x128xf32>
    %max3A = arith.constant 0.000000e+00 : f32
    %max3A_26 = vector.broadcast %max3A : f32 to vector<5000x128xf32>
    %max3A_27 = arith.maximumf %add3A_25, %max3A_26 : vector<5000x128xf32>
    %get3A_28 = arith.constant 0 : index
    %get3A_29 = arith.constant 0 : index
    %get3A_30 = vector.load %arg6[%get3A_28, %get3A_29] : memref<1x128xf32, #tpu.memory_space<vmem>>, vector<1x128xf32>
    %get3A_31 = arith.constant 0 : index
    %get3A_32 = arith.constant 0 : index
    %get3A_33 = vector.load %arg7[%get3A_31, %get3A_32] : memref<1x128xf32, #tpu.memory_space<vmem>>, vector<1x128xf32>
    %reduce_sum3A_34 = arith.constant dense<0.000000e+00> : vector<5000xf32>
    %reduce_sum3A_35 = vector.multi_reduction <add>, %max3A_27, %reduce_sum3A_34 [1] : vector<5000x128xf32> to vector<5000xf32>
    %broadcast_in_dim3A_36 = vector.shape_cast %reduce_sum3A_35 : vector<5000xf32> to vector<5000x1xf32>
    %div3A = arith.constant 1.280000e+02 : f32
    %div3A_37 = vector.broadcast %div3A : f32 to vector<5000x1xf32>
    %div3A_38 = arith.divf %broadcast_in_dim3A_36, %div3A_37 : vector<5000x1xf32>
    %sub3A = vector.broadcast %div3A_38 : vector<5000x1xf32> to vector<5000x128xf32>
    %sub3A_39 = arith.subf %max3A_27, %sub3A : vector<5000x128xf32>
    %sub3A_40 = vector.broadcast %div3A_38 : vector<5000x1xf32> to vector<5000x128xf32>
    %sub3A_41 = arith.subf %max3A_27, %sub3A_40 : vector<5000x128xf32>
    %mul3A_42 = arith.mulf %sub3A_39, %sub3A_41 : vector<5000x128xf32>
    %reduce_sum3A_43 = arith.constant dense<0.000000e+00> : vector<5000xf32>
    %reduce_sum3A_44 = vector.multi_reduction <add>, %mul3A_42, %reduce_sum3A_43 [1] : vector<5000x128xf32> to vector<5000xf32>
    %broadcast_in_dim3A_45 = vector.shape_cast %reduce_sum3A_44 : vector<5000xf32> to vector<5000x1xf32>
    %div3A_46 = arith.constant 1.280000e+02 : f32
    %div3A_47 = vector.broadcast %div3A_46 : f32 to vector<5000x1xf32>
    %div3A_48 = arith.divf %broadcast_in_dim3A_45, %div3A_47 : vector<5000x1xf32>
    %sub3A_49 = vector.broadcast %div3A_38 : vector<5000x1xf32> to vector<5000x128xf32>
    %sub3A_50 = arith.subf %max3A_27, %sub3A_49 : vector<5000x128xf32>
    %add3A_51 = arith.constant 9.99999974E-6 : f32
    %add3A_52 = vector.broadcast %add3A_51 : f32 to vector<5000x1xf32>
    %add3A_53 = arith.addf %div3A_48, %add3A_52 : vector<5000x1xf32>
    %rsqrt3A_54 = math.rsqrt %add3A_53 : vector<5000x1xf32>
    %mul3A_55 = vector.broadcast %rsqrt3A_54 : vector<5000x1xf32> to vector<5000x128xf32>
    %mul3A_56 = arith.mulf %sub3A_50, %mul3A_55 : vector<5000x128xf32>
    %mul3A_57 = vector.broadcast %get3A_30 : vector<1x128xf32> to vector<5000x128xf32>
    %mul3A_58 = arith.mulf %mul3A_56, %mul3A_57 : vector<5000x128xf32>
    %add3A_59 = vector.broadcast %get3A_33 : vector<1x128xf32> to vector<5000x128xf32>
    %add3A_60 = arith.addf %mul3A_58, %add3A_59 : vector<5000x128xf32>
    %get3A_61 = arith.constant 0 : index
    %get3A_62 = arith.constant 0 : index
    %get3A_63 = vector.load %arg8[%get3A_61, %get3A_62] : memref<128x128xf32, #tpu.memory_space<vmem>>, vector<128x128xf32>
    %dot_general3A = arith.constant dense<0.000000e+00> : vector<5000x128xf32>
    %dot_general3A_64 = tpu.matmul %add3A_60, %get3A_63, %dot_general3A {dimension_numbers = #tpu.dot_dimension_numbers<[1], [0], [0], [1], [0, 0, 1, 1], [], []>, transpose_lhs_hint = false} : vector<5000x128xf32>, vector<128x128xf32>, vector<5000x128xf32> -> vector<5000x128xf32>
    %mul3A_65 = vector.broadcast %rsqrt3A : vector<5000x1xf32> to vector<5000x128xf32>
    %mul3A_66 = arith.mulf %mul3A_65, %dot_general3A_64 : vector<5000x128xf32>
    %swap3A = arith.constant 0 : index
    %swap3A_67 = arith.constant 0 : index
    %swap3A_68 = vector.load %arg9[%swap3A, %swap3A_67] : memref<5000x128xf32, #tpu.memory_space<vmem>>, vector<5000x128xf32>
    tpu.vector_store %arg9[%swap3A, %swap3A_67], %mul3A_66 {strides = array<i32>} : memref<5000x128xf32, #tpu.memory_space<vmem>>, vector<5000x128xf32>,
    return
  }
  func.func @transform_0(%arg0: i32) -> (i32, i32, i32) {
    %c0_i32 = arith.constant 0 : i32
    %c0_i32_0 = arith.constant 0 : i32
    %c0_i32_1 = arith.constant 0 : i32
    return %c0_i32, %arg0, %c0_i32_0 : i32, i32, i32
  }
  func.func @transform_1(%arg0: i32) -> (i32, i32, i32) {
    %c1_i32 = arith.constant 1 : i32
    %c0_i32 = arith.constant 0 : i32
    %c0_i32_0 = arith.constant 0 : i32
    return %c1_i32, %arg0, %c0_i32 : i32, i32, i32
  }
  func.func @transform_2(%arg0: i32) -> (i32, i32) {
    %c0_i32 = arith.constant 0 : i32
    %c0_i32_0 = arith.constant 0 : i32
    return %arg0, %c0_i32 : i32, i32
  }
  func.func @transform_3(%arg0: i32) -> (i32, i32) {
    %c0_i32 = arith.constant 0 : i32
    %c0_i32_0 = arith.constant 0 : i32
    return %arg0, %c0_i32 : i32, i32
  }
  func.func @transform_4(%arg0: i32) -> (i32, i32) {
    %c0_i32 = arith.constant 0 : i32
    %c0_i32_0 = arith.constant 0 : i32
    %c0_i32_1 = arith.constant 0 : i32
    return %c0_i32, %c0_i32_0 : i32, i32
  }
  func.func @transform_5(%arg0: i32) -> (i32, i32) {
    %c0_i32 = arith.constant 0 : i32
    %c0_i32_0 = arith.constant 0 : i32
    %c0_i32_1 = arith.constant 0 : i32
    return %c0_i32, %c0_i32_0 : i32, i32
  }
  func.func @transform_6(%arg0: i32) -> (i32, i32) {
    %c0_i32 = arith.constant 0 : i32
    %c0_i32_0 = arith.constant 0 : i32
    %c0_i32_1 = arith.constant 0 : i32
    return %c0_i32, %c0_i32_0 : i32, i32
  }
  func.func @transform_7(%arg0: i32) -> (i32, i32) {
    %c0_i32 = arith.constant 0 : i32
    %c0_i32_0 = arith.constant 0 : i32
    %c0_i32_1 = arith.constant 0 : i32
    return %c0_i32, %c0_i32_0 : i32, i32
  }
  func.func @transform_8(%arg0: i32) -> (i32, i32) {
    %c0_i32 = arith.constant 0 : i32
    %c0_i32_0 = arith.constant 0 : i32
    return %arg0, %c0_i32 : i32, i32
  }
}

module attributes {stable_mosaic.version = 14 : i64} {
  func.func @_tc_post_body(%arg0: i32, %arg1: memref<1x5000x128xf32, #tpu.memory_space<vmem>>, %arg2: memref<1x5000x128xf32, #tpu.memory_space<vmem>>, %arg3: memref<5000x128xf32, #tpu.memory_space<vmem>>, %arg4: memref<5000x32xf32, #tpu.memory_space<vmem>>, %arg5: memref<1x128xf32, #tpu.memory_space<vmem>>, %arg6: memref<1x128xf32, #tpu.memory_space<vmem>>, %arg7: memref<1x128xf32, #tpu.memory_space<vmem>>, %arg8: memref<1x128xf32, #tpu.memory_space<vmem>>) attributes {dimension_semantics = [#tpu.dimension_semantics<arbitrary>], iteration_bounds = array<i64: 2>, scalar_prefetch = 0 : i64, scratch_operands = 0 : i64, tpu.core_type = #tpu.core_type<tc>, window_params = [{transform_indices = @transform_0, window_bounds = array<i64: 1, 5000, 128>}, {transform_indices = @transform_1, window_bounds = array<i64: 1, 5000, 128>}, {transform_indices = @transform_2, window_bounds = array<i64: 5000, 128>}, {transform_indices = @transform_3, window_bounds = array<i64: 5000, 32>}, {pipeline_mode = #tpu.pipeline_mode<synchronous>, transform_indices = @transform_4, window_bounds = array<i64: 1, 128>}, {pipeline_mode = #tpu.pipeline_mode<synchronous>, transform_indices = @transform_5, window_bounds = array<i64: 1, 128>}, {pipeline_mode = #tpu.pipeline_mode<synchronous>, transform_indices = @transform_6, window_bounds = array<i64: 1, 128>}, {pipeline_mode = #tpu.pipeline_mode<synchronous>, transform_indices = @transform_7, window_bounds = array<i64: 1, 128>}]} {
    %get3A = arith.constant 0 : index
    %get3A_0 = arith.constant 0 : index
    %get3A_1 = vector.load %arg4[%get3A, %get3A_0] : memref<5000x32xf32, #tpu.memory_space<vmem>>, vector<5000x32xf32>
    %reduce_sum3A = arith.constant dense<0.000000e+00> : vector<5000xf32>
    %reduce_sum3A_2 = vector.multi_reduction <add>, %get3A_1, %reduce_sum3A [1] : vector<5000x32xf32> to vector<5000xf32>
    %broadcast_in_dim3A = vector.shape_cast %reduce_sum3A_2 : vector<5000xf32> to vector<5000x1xf32>
    %add3A = arith.constant 1.000000e+00 : f32
    %add3A_3 = vector.broadcast %add3A : f32 to vector<5000x1xf32>
    %add3A_4 = arith.addf %broadcast_in_dim3A, %add3A_3 : vector<5000x1xf32>
    %rsqrt3A = math.rsqrt %add3A_4 : vector<5000x1xf32>
    %get3A_5 = arith.constant 0 : index
    %get3A_6 = arith.constant 0 : index
    %get3A_7 = arith.constant 0 : index
    %get3A_8 = vector.load %arg1[%get3A_5, %get3A_6, %get3A_7] : memref<1x5000x128xf32, #tpu.memory_space<vmem>>, vector<1x5000x128xf32>
    %get3A_9 = vector.shape_cast %get3A_8 : vector<1x5000x128xf32> to vector<5000x128xf32>
    %get3A_10 = arith.constant 0 : index
    %get3A_11 = arith.constant 0 : index
    %get3A_12 = arith.constant 0 : index
    %get3A_13 = vector.load %arg2[%get3A_10, %get3A_11, %get3A_12] : memref<1x5000x128xf32, #tpu.memory_space<vmem>>, vector<1x5000x128xf32>
    %get3A_14 = vector.shape_cast %get3A_13 : vector<1x5000x128xf32> to vector<5000x128xf32>
    %add3A_15 = arith.addf %get3A_9, %get3A_14 : vector<5000x128xf32>
    %get3A_16 = arith.constant 0 : index
    %get3A_17 = arith.constant 0 : index
    %get3A_18 = vector.load %arg3[%get3A_16, %get3A_17] : memref<5000x128xf32, #tpu.memory_space<vmem>>, vector<5000x128xf32>
    %add3A_19 = arith.addf %add3A_15, %get3A_18 : vector<5000x128xf32>
    %mul3A = vector.broadcast %rsqrt3A : vector<5000x1xf32> to vector<5000x128xf32>
    %mul3A_20 = arith.mulf %mul3A, %add3A_19 : vector<5000x128xf32>
    %get3A_21 = arith.constant 0 : index
    %get3A_22 = arith.constant 0 : index
    %get3A_23 = vector.load %arg5[%get3A_21, %get3A_22] : memref<1x128xf32, #tpu.memory_space<vmem>>, vector<1x128xf32>
    %add3A_24 = vector.broadcast %get3A_23 : vector<1x128xf32> to vector<5000x128xf32>
    %add3A_25 = arith.addf %mul3A_20, %add3A_24 : vector<5000x128xf32>
    %max3A = arith.constant 0.000000e+00 : f32
    %max3A_26 = vector.broadcast %max3A : f32 to vector<5000x128xf32>
    %max3A_27 = arith.maximumf %add3A_25, %max3A_26 : vector<5000x128xf32>
    %get3A_28 = arith.constant 0 : index
    %get3A_29 = arith.constant 0 : index
    %get3A_30 = vector.load %arg6[%get3A_28, %get3A_29] : memref<1x128xf32, #tpu.memory_space<vmem>>, vector<1x128xf32>
    %get3A_31 = arith.constant 0 : index
    %get3A_32 = arith.constant 0 : index
    %get3A_33 = vector.load %arg7[%get3A_31, %get3A_32] : memref<1x128xf32, #tpu.memory_space<vmem>>, vector<1x128xf32>
    %reduce_sum3A_34 = arith.constant dense<0.000000e+00> : vector<5000xf32>
    %reduce_sum3A_35 = vector.multi_reduction <add>, %max3A_27, %reduce_sum3A_34 [1] : vector<5000x128xf32> to vector<5000xf32>
    %broadcast_in_dim3A_36 = vector.shape_cast %reduce_sum3A_35 : vector<5000xf32> to vector<5000x1xf32>
    %div3A = arith.constant 1.280000e+02 : f32
    %div3A_37 = vector.broadcast %div3A : f32 to vector<5000x1xf32>
    %div3A_38 = arith.divf %broadcast_in_dim3A_36, %div3A_37 : vector<5000x1xf32>
    %sub3A = vector.broadcast %div3A_38 : vector<5000x1xf32> to vector<5000x128xf32>
    %sub3A_39 = arith.subf %max3A_27, %sub3A : vector<5000x128xf32>
    %sub3A_40 = vector.broadcast %div3A_38 : vector<5000x1xf32> to vector<5000x128xf32>
    %sub3A_41 = arith.subf %max3A_27, %sub3A_40 : vector<5000x128xf32>
    %mul3A_42 = arith.mulf %sub3A_39, %sub3A_41 : vector<5000x128xf32>
    %reduce_sum3A_43 = arith.constant dense<0.000000e+00> : vector<5000xf32>
    %reduce_sum3A_44 = vector.multi_reduction <add>, %mul3A_42, %reduce_sum3A_43 [1] : vector<5000x128xf32> to vector<5000xf32>
    %broadcast_in_dim3A_45 = vector.shape_cast %reduce_sum3A_44 : vector<5000xf32> to vector<5000x1xf32>
    %div3A_46 = arith.constant 1.280000e+02 : f32
    %div3A_47 = vector.broadcast %div3A_46 : f32 to vector<5000x1xf32>
    %div3A_48 = arith.divf %broadcast_in_dim3A_45, %div3A_47 : vector<5000x1xf32>
    %sub3A_49 = vector.broadcast %div3A_38 : vector<5000x1xf32> to vector<5000x128xf32>
    %sub3A_50 = arith.subf %max3A_27, %sub3A_49 : vector<5000x128xf32>
    %add3A_51 = arith.constant 9.99999974E-6 : f32
    %add3A_52 = vector.broadcast %add3A_51 : f32 to vector<5000x1xf32>
    %add3A_53 = arith.addf %div3A_48, %add3A_52 : vector<5000x1xf32>
    %rsqrt3A_54 = math.rsqrt %add3A_53 : vector<5000x1xf32>
    %mul3A_55 = vector.broadcast %rsqrt3A_54 : vector<5000x1xf32> to vector<5000x128xf32>
    %mul3A_56 = arith.mulf %sub3A_50, %mul3A_55 : vector<5000x128xf32>
    %mul3A_57 = vector.broadcast %get3A_30 : vector<1x128xf32> to vector<5000x128xf32>
    %mul3A_58 = arith.mulf %mul3A_56, %mul3A_57 : vector<5000x128xf32>
    %add3A_59 = vector.broadcast %get3A_33 : vector<1x128xf32> to vector<5000x128xf32>
    %add3A_60 = arith.addf %mul3A_58, %add3A_59 : vector<5000x128xf32>
    %eq3A = arith.constant 0 : i32
    %eq3A_61 = arith.cmpi eq, %arg0, %eq3A : i32
    %convert_element_type3A = arith.extui %eq3A_61 : i1 to i32
    %cond3A = arith.constant 0 : i32
    %cond3A_62 = arith.cmpi ne, %convert_element_type3A, %cond3A : i32
    scf.if %cond3A_62 {
      %broadcast_in_dim3A_75 = arith.constant 0.000000e+00 : f32
      %broadcast_in_dim3A_76 = vector.broadcast %broadcast_in_dim3A_75 : f32 to vector<1x128xf32>
      %swap3A_77 = arith.constant 0 : index
      %swap3A_78 = arith.constant 0 : index
      %swap3A_79 = vector.load %arg8[%swap3A_77, %swap3A_78] : memref<1x128xf32, #tpu.memory_space<vmem>>, vector<1x128xf32>
      tpu.vector_store %arg8[%swap3A_77, %swap3A_78], %broadcast_in_dim3A_76 {strides = array<i32>} : memref<1x128xf32, #tpu.memory_space<vmem>>, vector<1x128xf32>,
    } else {
    }
    %get3A_63 = arith.constant 0 : index
    %get3A_64 = arith.constant 0 : index
    %get3A_65 = vector.load %arg8[%get3A_63, %get3A_64] : memref<1x128xf32, #tpu.memory_space<vmem>>, vector<1x128xf32>
    %reduce_sum3A_66 = arith.constant dense<0.000000e+00> : vector<128xf32>
    %reduce_sum3A_67 = vector.multi_reduction <add>, %add3A_60, %reduce_sum3A_66 [0] : vector<5000x128xf32> to vector<128xf32>
    %broadcast_in_dim3A_68 = vector.shape_cast %reduce_sum3A_67 : vector<128xf32> to vector<1x128xf32>
    %mul3A_69 = arith.constant 9.99999974E-5 : f32
    %mul3A_70 = vector.broadcast %mul3A_69 : f32 to vector<1x128xf32>
    %mul3A_71 = arith.mulf %broadcast_in_dim3A_68, %mul3A_70 : vector<1x128xf32>
    %add3A_72 = arith.addf %get3A_65, %mul3A_71 : vector<1x128xf32>
    %swap3A = arith.constant 0 : index
    %swap3A_73 = arith.constant 0 : index
    %swap3A_74 = vector.load %arg8[%swap3A, %swap3A_73] : memref<1x128xf32, #tpu.memory_space<vmem>>, vector<1x128xf32>
    tpu.vector_store %arg8[%swap3A, %swap3A_73], %add3A_72 {strides = array<i32>} : memref<1x128xf32, #tpu.memory_space<vmem>>, vector<1x128xf32>,
    return
  }
  func.func @transform_0(%arg0: i32) -> (i32, i32, i32) {
    %c0_i32 = arith.constant 0 : i32
    %c0_i32_0 = arith.constant 0 : i32
    %c0_i32_1 = arith.constant 0 : i32
    return %c0_i32, %arg0, %c0_i32_0 : i32, i32, i32
  }
  func.func @transform_1(%arg0: i32) -> (i32, i32, i32) {
    %c1_i32 = arith.constant 1 : i32
    %c0_i32 = arith.constant 0 : i32
    %c0_i32_0 = arith.constant 0 : i32
    return %c1_i32, %arg0, %c0_i32 : i32, i32, i32
  }
  func.func @transform_2(%arg0: i32) -> (i32, i32) {
    %c0_i32 = arith.constant 0 : i32
    %c0_i32_0 = arith.constant 0 : i32
    return %arg0, %c0_i32 : i32, i32
  }
  func.func @transform_3(%arg0: i32) -> (i32, i32) {
    %c0_i32 = arith.constant 0 : i32
    %c0_i32_0 = arith.constant 0 : i32
    return %arg0, %c0_i32 : i32, i32
  }
  func.func @transform_4(%arg0: i32) -> (i32, i32) {
    %c0_i32 = arith.constant 0 : i32
    %c0_i32_0 = arith.constant 0 : i32
    %c0_i32_1 = arith.constant 0 : i32
    return %c0_i32, %c0_i32_0 : i32, i32
  }
  func.func @transform_5(%arg0: i32) -> (i32, i32) {
    %c0_i32 = arith.constant 0 : i32
    %c0_i32_0 = arith.constant 0 : i32
    %c0_i32_1 = arith.constant 0 : i32
    return %c0_i32, %c0_i32_0 : i32, i32
  }
  func.func @transform_6(%arg0: i32) -> (i32, i32) {
    %c0_i32 = arith.constant 0 : i32
    %c0_i32_0 = arith.constant 0 : i32
    %c0_i32_1 = arith.constant 0 : i32
    return %c0_i32, %c0_i32_0 : i32, i32
  }
  func.func @transform_7(%arg0: i32) -> (i32, i32) {
    %c0_i32 = arith.constant 0 : i32
    %c0_i32_0 = arith.constant 0 : i32
    %c0_i32_1 = arith.constant 0 : i32
    return %c0_i32, %c0_i32_0 : i32, i32
  }
}

</mosaic_0001>

<sc_bundles>
// kernel: kernel.11.cloned.1.call-start
scs
__scs_entry_jumppad:
0x0: {  	(pc) =	sbr.rel $0x88, $3  }
0x1: {  	(tag) =	ssettag $0x0;
	lr =	simm.s32 $0x1  }
0x2: {  	[smem:$0x3F95] =	sst lr;
	_ =	strace $0xD0000000  }
0x3: {  	_ = 	snop  }
0x4: {  	_ = 	snop  }
0x5: {  	_ = 	snop  }
0x6: {  	_ = 	snop  }
0x7: {  	_ = 	snop  }
__scs_overlays_trampoline_lowered:
0x8: {  	[smem:$0x3FA4] =	sst s0  }
0x9: {  	[smem:$0x3FA5] =	sst s1  }
0xa: {  	[smem:$0x3FA6] =	sst s2  }
0xb: {  	[smem:$0x3FA7] =	sst s3  }
0xc: {  	[smem:$0x3FA8] =	sst s4  }
0xd: {  	[smem:$0x3FA9] =	sst s5  }
0xe: {  	[smem:$0x3FAA] =	sst s6  }
0xf: {  	[smem:$0x3FAB] =	sst s7  }
0x10: {  	[smem:$0x3FAC] =	sst s8  }
0x11: {  	[smem:$0x3FAD] =	sst s9;
	s0 =	simm.s32 @!p0 $0x0  }
0x12: {  	s1 =	sld [smem:$0x3F93];
	s0 =	simm.s32 @p0 $0x1  }
0x13: {  	[smem:$0x3FAE] =	sst s0;
	s0 =	simm.s32 @!p1 $0x0  }
0x14: {  	s2 =	sld [smem:$0x3F92];
	s0 =	simm.s32 @p1 $0x1  }
0x15: {  	[smem:$0x3FAF] =	sst s0;
	s0 =	simm.s32 @!p2 $0x0  }
0x16: {  	s3 =	sld [smem:$0x3FDB];
	s0 =	simm.s32 @p2 $0x1  }
0x17: {  	s4 =	simm.s32 $0x1BF5;
	[smem:$0x3FB1] =	sst s0  }
0x18: {  	s0 =	sld [smem:$0x3F94];
	_ =	swait.ge [sflag:s4], $0x0  }
0x19: {  	s7 =	sld [smem:$0x3F95]  }
0x1a: {  	s8 =	sadd.s32 $0xFFFFE003, lr  }
0x1b: {  	s9 =	sadd.s32 $0xFFFFFEF7, lr;
	s5 =	simm.s32 $0xFFFFFFFF;
	p2 =	slt.u32 s8, $0xFFFFF086  }
0x1c: {  	p1 =	slt.u32 s9, $0xF7A;
	s5 =	simm.s32 @!p2 $0x0  }
0x1d: {  	s5 =	simm.s32 @p1 $0x1;
	p0 =	seq.s32 s7, s2  }
0x1e: {  	s7 =	smul.u32 @!p0 $0xF7A, s2;
	p2 =	seq.s32 @!p0 s5, $0x0  }
0x1f: {  	s9 =	smul.u32 $0xF7A, s1;
	s8 =	simm.s32 @!p0 $0x1BF5;
	p2 =	por !p2, p0  }
0x20: {  	[sflag:s8] =	ssyncset.s32 @!p0 $0xFFFFF086;
	s6 =	sadd.s32 @!p0 s3, s7;
	s7 =	simm.s32 @!p0 $0x108  }
0x21: {  	s3 =	sadd.s32 s3, s9;
	s6 =	sadd.s32 @!p0 $0x88, s6;
	s7 =	simm.s32 @p2 $0x1082  }
0x22: {  	[simem:s7], [sflag:s8] =	dma.local @!p0 [hbm:s6], $0xF7A  }
0x23: {  	s9 =	sor.u32 $0xD0000000, s2;
	s6 =	simm.s32 $0x108;
	_ =	swait.ge @!p0 [sflag:s8], $0x0  }
0x24: {  	s3 =	sadd.s32 $0x88, s3;
	s6 =	simm.s32 @!p1 $0x1082;
	[sflag:s4] =	ssyncset.s32 $0xFFFFF086  }
0x25: {  	[simem:s6], [sflag:s4] =	dma.local [hbm:s3], $0xF7A  }
0x26: {  	[smem:$0x3F95] =	sst s1;
	(tag) =	ssettag s2;
	_ =	strace s9  }
0x27: {  	s1 =	sld [smem:$0x3FA5]  }
0x28: {  	s2 =	sld [smem:$0x3FA6]  }
0x29: {  	s4 =	sld [smem:$0x3FA8]  }
0x2a: {  	p0 =	seq.s32 s5, $0x0;
	s5 =	sld [smem:$0x3FA9]  }
0x2b: {  	s6 =	sld [smem:$0x3FAA]  }
0x2c: {  	s7 =	sld [smem:$0x3FAB]  }
0x2d: {  	s3 =	simm.s32 $0x108;
	s8 =	sld [smem:$0x3FAC]  }
0x2e: {  	s3 =	simm.s32 @!p0 $0x1082;
	s9 =	sld [smem:$0x3FAD]  }
0x2f: {  	lr =	sadd.s32 s0, s3;
	s0 =	sld [smem:$0x3FA4]  }
0x30: {  	s3 =	sld [smem:$0x3FA7]  }
0x31: {  	[smem:$0x3FB0] =	sst s10  }
0x32: {  	s10 =	sld [smem:$0x3FAE];
	_ =	sdelay $0x3  }
0x33: {  	p0 =	seq.s32 s10, $0x1;
	s10 =	sld [smem:$0x3FB0];
	_ =	sdelay $0x3  }
0x34: {  	[smem:$0x3FB0] =	sst s10  }
0x35: {  	s10 =	sld [smem:$0x3FAF];
	_ =	sdelay $0x3  }
0x36: {  	p1 =	seq.s32 s10, $0x1;
	s10 =	sld [smem:$0x3FB0];
	_ =	sdelay $0x3  }
0x37: {  	[smem:$0x3FB0] =	sst s10  }
0x38: {  	s10 =	sld [smem:$0x3FB1]  }
0x39: {  	_ = 	snop;
	(pc) =	sbr.ind lr, $3  }
0x3a: {  	_ = 	snop  }
0x3b: {  	_ = 	snop  }
0x3c: {  	p2 =	seq.s32 s10, $0x1;
	s10 =	sld [smem:$0x3FB0]  }
0x3d: {  	_ =	shalt  }
0x3e: {  	_ =	shalt  }
0x3f: {  	_ =	shalt  }
0x40: {  	_ =	shalt  }
0x41: {  	_ =	shalt  }
0x42: {  	_ =	shalt  }
0x43: {  	_ =	shalt  }
0x44: {  	_ =	shalt  }
0x45: {  	_ =	shalt  }
0x46: {  	_ =	shalt  }
0x47: {  	_ =	shalt  }
0x48: {  	_ =	shalt  }
0x49: {  	_ =	shalt  }
0x4a: {  	_ =	shalt  }
0x4b: {  	_ =	shalt  }
0x4c: {  	_ =	shalt  }
0x4d: {  	_ =	shalt  }
0x4e: {  	_ =	shalt  }
0x4f: {  	_ =	shalt  }
0x50: {  	_ =	shalt  }
0x51: {  	_ =	shalt  }
0x52: {  	_ =	shalt  }
0x53: {  	_ =	shalt  }
0x54: {  	_ =	shalt  }
0x55: {  	_ =	shalt  }
0x56: {  	_ =	shalt  }
0x57: {  	_ =	shalt  }
0x58: {  	_ =	shalt  }
0x59: {  	_ =	shalt  }
0x5a: {  	_ =	shalt  }
0x5b: {  	_ =	shalt  }
0x5c: {  	_ =	shalt  }
0x5d: {  	_ =	shalt  }
0x5e: {  	_ =	shalt  }
0x5f: {  	_ =	shalt  }
0x60: {  	_ =	shalt  }
0x61: {  	_ =	shalt  }
0x62: {  	_ =	shalt  }
0x63: {  	_ =	shalt  }
0x64: {  	_ =	shalt  }
0x65: {  	_ =	shalt  }
0x66: {  	_ =	shalt  }
0x67: {  	_ =	shalt  }
0x68: {  	_ =	shalt  }
0x69: {  	_ =	shalt  }
0x6a: {  	_ =	shalt  }
0x6b: {  	_ =	shalt  }
0x6c: {  	_ =	shalt  }
0x6d: {  	_ =	shalt  }
0x6e: {  	_ =	shalt  }
0x6f: {  	_ =	shalt  }
0x70: {  	_ =	shalt  }
0x71: {  	_ =	shalt  }
0x72: {  	_ =	shalt  }
0x73: {  	_ =	shalt  }
0x74: {  	_ =	shalt  }
0x75: {  	_ =	shalt  }
0x76: {  	_ =	shalt  }
0x77: {  	_ =	shalt  }
0x78: {  	_ =	shalt  }
0x79: {  	_ =	shalt  }
0x7a: {  	_ =	shalt  }
0x7b: {  	_ =	shalt  }
0x7c: {  	_ =	shalt  }
0x7d: {  	_ =	shalt  }
0x7e: {  	_ =	shalt  }
0x7f: {  	_ =	shalt  }
0x80: {  	_ =	shalt  }
0x81: {  	_ =	shalt  }
0x82: {  	_ =	shalt  }
0x83: {  	_ =	shalt  }
0x84: {  	_ =	shalt  }
0x85: {  	_ =	shalt  }
0x86: {  	_ =	shalt  }
0x87: {  	_ =	shalt  }
.Lfunc_end0:
.L_simem_size_0:
called_computation.1_lowered:
.L_overlay_start_0:
0x88: {  	s2 =	sld [smem:$0x3FD9]  }
0x89: {  	s3 =	sld [smem:$0x3FFE];
	_ =	sdelay $0x1  }
0x8a: {  	s1 =	srdreg.scid  }
0x8b: {  	s0 =	sand.u32 $0x1, s1  }
0x8c: {  	s16 =	sshll.u32 s0, $0xA;
	s2 =	sadd.s32 s3, s2  }
0x8d: {  	s2 =	sadd.s32 s2, s16  }
0x8e: {  	[smem:$0x3FBC] =	sst s2  }
0x8f: {  	_ = 	snop  }
0x90: {  	(tm) =	ssettm $0x1  }
0x91: {  	s17 =	sld [smem:$0x3FFB];
	_ =	sdelay $0x3  }
0x92: {  	_ =	strace s17  }
0x93: {  	s2 =	sld [smem:$0x3FFC];
	_ =	sdelay $0x3  }
0x94: {  	_ =	strace s2  }
0x95: {  	s2 =	sld [smem:$0x3FFD];
	_ =	sdelay $0x3  }
0x96: {  	_ =	strace s2  }
0x97: {  	_ =	strace $0x8FFFFFFF  }
0x98: {  	s18 =	sld [smem:$0x3FDB];
	_ =	sdelay $0x1  }
0x99: {  	s19 =	simm.s32 $_scs_section_size  }
0x9a: {  	s4 =	simm.s32 $_size__tile_overlayer_lowered;
	s5 =	simm.s32 $_tile_overlayer_lowered  }
0x9b: {  	s22 =	simm.s32 $0x1BFF;
	s21 =	sshll.u32 s5, $0x1;
	s2 =	sadd.s32 s19, s18  }
0x9c: {  	s6 =	simm.s32 $0x0;
	s20 =	sshll.u32 s4, $0x1;
	s4 =	sadd.s32 s21, s2  }
0x9d: {  	[timem:s6], [sflag:s22] =	dma.local [hbm:s4], s20  }
0x9e: {  	_ =	swait.ge [sflag:s22], s20  }
0x9f: {  	s3 =	ssub.s32 $0x0, s20;
	[sflag:s22] =	ssyncset.done $0x0  }
0xa0: {  	[sflag:s22] =	ssyncadd.s32 s3;
	_ =	sdelay $0x1  }
0xa1: {  	s23 =	simm.s32 $0x1B8B  }
0xa2: {  	_ =	swait.ge [sflag:s23], $0x1  }
0xa3: {  	[sflag:s23] =	ssyncset.done $0x0  }
0xa4: {  	s25 =	simm.s32 $0x1B8E;
	s24 =	sld [smem:$0x3FFE];
	[sflag:s23] =	ssyncadd.s32 $0xFFFFFFFF  }
0xa5: {  	s26 =	simm.s32 $execute0_lowered;
	[smem:$0x3FD2] =	sst s25  }
0xa6: {  	s4 =	sshll.u32 s26, $0x1;
	_ =	strace $0x80000049;
	[dreg:$0x1] =	wrdreg $0xFFFFFFFF  }
0xa7: {  	s28 =	simm.s32 $_size_execute0_lowered;
	s2 =	sadd.s32 s2, s4;
	[dreg:$0x0] =	wrdreg $0x0  }
0xa8: {  	s4 =	sshll.u32 s28, $0x1;
	[dreg:$0x2] =	wrdreg s2  }
0xa9: {  	[dreg:$0x3] =	wrdreg s4  }
0xaa: {  	[dreg:$0x4] =	wrdreg $0xC0  }
0xab: {  	_ =	task [dreg:s6], $0x5FFFF  }
0xac: {  	[dreg:$0x1] =	wrdreg $0xFFFFFFFF  }
0xad: {  	[dreg:$0x0] =	wrdreg $0x60  }
0xae: {  	[dreg:$0x2] =	wrdreg s24  }
0xaf: {  	[dreg:$0x3] =	wrdreg $0x7B000  }
0xb0: {  	[dreg:$0x4] =	wrdreg $0x9  }
0xb1: {  	_ =	task.clear_ibuf [dreg:s6], $0x5FFFF;
	_ =	strace $0x90000049  }
0xb2: {  	s29 =	simm.s32 $0x9;
	_ =	strace $0x8000004B  }
0xb3: {  	_ =	swait.ge [sflag:s29], $0x1  }
0xb4: {  	[sflag:s29] =	ssyncadd.s32 $0xFFFFFFFF  }
0xb5: {  	_ =	strace $0x9000004B  }
0xb6: {  	_ =	sfence  }
0xb7: {  	s30 =	sld [smem:$0x0];
	_ =	sdelay $0x2  }
0xb8: {  	s31 =	sshll.u32 s1, $0xD;
	s1 =	sshrl.u32 s1, $0x2  }
0xb9: {  	s3 =	sand.u32 $0x4000, s31;
	s1 =	sadd.s32 s1, s30  }
0xba: {  	s0 =	sor.u32 s3, s0;
	s1 =	sshll.u32 s1, $0x11  }
0xbb: {  	s0 =	sor.u32 s1, s0  }
0xbc: {  	s0 =	sadd.s32 $0x8F2B, s0  }
0xbd: {  	[sflag:s0] =	ssyncadd.remote.s32 $0x1  }
0xbe: {  	_ =	sfence.sel $0xFFFF  }
0xbf: {  	[dreg:$0x0] =	wrdreg $0xFFFFFFFF;
	(pc) =	sbr.abs _section_cstart, $3  }
0xc0: {  	[dreg:$0x1] =	wrdreg $0xFFFFFFFF  }
0xc1: {  	_ =	task.clear_ibuf [dreg:s6], $0x2FFFF;
	_ =	strace $0x9FFFFFFF  }
0xc2: {  	(tm) =	ssettm $0x7FFFFFFF  }
0xc3: {  	_ =	shalt  }
tec
execute0_lowered:
.L_overlay_start_1:
0x0: {  	(tag) =	ssettag $0x1  }
0x1: {  	s0 =	rddreg [dreg:$0x0]  }
0x2: {  	s1 =	srdreg.scid;
	s2 =	rddreg [dreg:$0x1]  }
0x3: {  	s10 =	stileid.u32;
	s3 =	simm.s32 $0x0;
	s28 =	simm.s32 $0x200  }
0x4: {  	s29 =	simm.s32 $0x1;
	s30 =	simm.s32 $0x50;
	s6 =	smul.u32 $0x14000, s10  }
0x5: {  	s31 =	simm.s32 $0x2;
	s1 =	sand.u32 $0x1, s1;
	s7 =	smul.u32 $0x50000, s10  }
0x6: {  	[smem:$0x7FF] =	sst s3;
	s4 =	sadd.s32 $0x36200, s0;
	s16 =	smul.u32 $0xFA00, s10  }
0x7: {  	s8 =	sshll.u32 s10, $0x1;
	s10 =	simm.s32 $0x5;
	s5 =	smul.u32 $0x140000, s1  }
0x8: {  	_ =	strace $0x8000004A;
	s26 =	ssub.s32 $0x2, s1;
	s8 =	sor.u32 s1, s8  }
0x9: {  	s1 =	smul.u32 $0x7D00, s1;
	s9 =	sshrl.u32 s26, $0x1;
	s6 =	sadd.s32 s6, s5  }
0xa: {  	s7 =	sshrl.u32 s7, $0x2;
	s11 =	smul.u32 $0x7D00, s8;
	s6 =	sshrl.u32 s6, $0x3  }
0xb: {  	s5 =	sadd.s32 $0x16E00, s0;
	s0 =	sadd.s32 s6, s0;
	s6 =	sadd.s32 s7, s2  }
0xc: {  	s9 =	ssub.s32 s26, s9;
	s1 =	sadd.s32 s1, s16;
	s12 =	sadd.s32 $0x2800, s6  }
0xd: {  	s24 =	sadd.s32 $0x500, s1;
	s13 =	sadd.s32 $0x5000, s6;
	[dreg:$0x3] =	wrdreg s12  }
0xe: {  	s8 =	sadd.s32 $0x400, s1;
	s14 =	sadd.s32 $0x7800, s6;
	[dreg:$0x4] =	wrdreg s13  }
0xf: {  	s7 =	sshrl.u32 s11, $0x3;
	s15 =	sadd.s32 $0xA000, s6;
	[dreg:$0x5] =	wrdreg s14  }
0x10: {  	s25 =	sshrl.u32 s24, $0x3;
	s17 =	sadd.s32 $0xC800, s6;
	[dreg:$0x6] =	wrdreg s15  }
0x11: {  	s26 =	sshrl.u32 s8, $0x3;
	s18 =	sadd.s32 $0xF000, s6;
	[dreg:$0x7] =	wrdreg s17  }
0x12: {  	s24 =	simm.s32 $0x300;
	s19 =	sadd.s32 $0x11800, s6;
	[dreg:$0x8] =	wrdreg s18  }
0x13: {  	s8 =	simm.s32 $0x3;
	s0 =	sadd.s32 $0x5D400, s0;
	[dreg:$0x9] =	wrdreg s19  }
0x14: {  	s11 =	simm.s32 $0x180;
	s12 =	sadd.s32 s5, s7;
	[dreg:$0xe] =	wrdreg s0  }
0x15: {  	s0 =	simm.s32 $0x2B00;
	s7 =	simm.s32 $0x80;
	s20 =	sadd.s32 $0x20, s12  }
0x16: {  	s13 =	simm.s32 $0x6;
	s21 =	sadd.s32 $0x40, s12;
	[dreg:$0xa] =	wrdreg s20  }
0x17: {  	s14 =	simm.s32 $0x280;
	s22 =	sadd.s32 $0xF60, s12;
	[dreg:$0xb] =	wrdreg s21  }
0x18: {  	s15 =	simm.s32 $0x0;
	s23 =	sadd.s32 $0xF80, s12;
	[dreg:$0xc] =	wrdreg s22  }
0x19: {  	[dreg:$0xd] =	wrdreg s23;
	s20 =	smax.u32 s9, $0x1;
	s21 =	sadd.s32 s25, s5  }
0x1a: {  	s22 =	sadd.s32 s26, s5;
	s23 =	sadd.s32 $0x300, s1;
	s25 =	simm.s32 $0x7  }
0x1b: {  	v0 =	vimm.f32 $0.0e+00;
	s26 =	simm.s32 $0x100;
	s1 =	simm.s32 $0x4;
	s9 =	simm.s32 $0x5300  }
.LBB2_1:
0x1c: {  	s16 =	simm.s32 $0x0;
	s17 =	simm.s32 $0x200  }
.LBB2_2:
0x1d: {  	p0 =	sne.s32 s17, $0x9E00;
	[tilespmem:s16+$0x370] =	vst v0  }
0x1e: {  	[tilespmem:s16+$0x300] =	vst v0  }
0x1f: {  	[tilespmem:s16+$0x310] =	vst v0  }
.Ltmp0:
0x20: {  	[tilespmem:s16+$0x320] =	vst v0;
	(pc) =	sbr.rel @p0 .LBB2_2-.Ltmp0, $4  }
0x21: {  	[tilespmem:s16+$0x330] =	vst v0  }
0x22: {  	[tilespmem:s16+$0x340] =	vst v0  }
0x23: {  	[tilespmem:s16+$0x350] =	vst v0  }
0x24: {  	[tilespmem:s16+$0x360] =	vst v0;
	s16 =	sshra.s32 s17, $0x2;
	s17 =	sadd.s32 $0x200, s17  }
0x25: {  	[tilespmem:s16+$0x370] =	vst v0  }
0x26: {  	[tilespmem:s16+$0x300] =	vst v0  }
0x27: {  	[tilespmem:s16+$0x310] =	vst v0  }
0x28: {  	[tilespmem:s16+$0x320] =	vst v0  }
0x29: {  	[tilespmem:s16+$0x330] =	vst v0  }
0x2a: {  	[tilespmem:s16+$0x340] =	vst v0  }
0x2b: {  	[tilespmem:s16+$0x350] =	vst v0  }
0x2c: {  	[tilespmem:s16+$0x360] =	vst v0  }
0x2d: {  	[spmem:s6] =	stream.linear.scatter [tilespmem:s24], [sflag:$0x7], $0x2800, $0x38;
	[tilespmem:$0x1BB00] =	vst v63  }
0x2e: {  	_ =	swait.ge [sflag:s25], $0x2800  }
0x2f: {  	[sflag:s25] =	ssyncset.done $0x0  }
0x30: {  	s17 =	rddreg [dreg:$0x3];
	[sflag:s25] =	ssyncadd.s32 $0xFFFFD800  }
0x31: {  	[spmem:s17] =	stream.linear.scatter [tilespmem:s24], [sflag:$0x7], $0x2800, $0x38;
	[tilespmem:$0x1BB00] =	vst v63  }
0x32: {  	_ =	swait.ge [sflag:s25], $0x2800  }
0x33: {  	[sflag:s25] =	ssyncset.done $0x0  }
0x34: {  	s18 =	rddreg [dreg:$0x4];
	[sflag:s25] =	ssyncadd.s32 $0xFFFFD800  }
0x35: {  	[spmem:s18] =	stream.linear.scatter [tilespmem:s24], [sflag:$0x7], $0x2800, $0x38;
	[tilespmem:$0x1BB00] =	vst v63  }
0x36: {  	_ =	swait.ge [sflag:s25], $0x2800  }
0x37: {  	[sflag:s25] =	ssyncset.done $0x0  }
0x38: {  	s19 =	rddreg [dreg:$0x5];
	[sflag:s25] =	ssyncadd.s32 $0xFFFFD800  }
0x39: {  	[spmem:s19] =	stream.linear.scatter [tilespmem:s24], [sflag:$0x7], $0x2800, $0x38;
	[tilespmem:$0x1BB00] =	vst v63  }
0x3a: {  	_ =	swait.ge [sflag:s25], $0x2800  }
0x3b: {  	[sflag:s25] =	ssyncset.done $0x0  }
0x3c: {  	s17 =	rddreg [dreg:$0x6];
	[sflag:s25] =	ssyncadd.s32 $0xFFFFD800  }
0x3d: {  	[spmem:s17] =	stream.linear.scatter [tilespmem:s24], [sflag:$0x7], $0x2800, $0x38;
	[tilespmem:$0x1BB00] =	vst v63  }
0x3e: {  	_ =	swait.ge [sflag:s25], $0x2800  }
0x3f: {  	[sflag:s25] =	ssyncset.done $0x0  }
0x40: {  	s18 =	rddreg [dreg:$0x7];
	[sflag:s25] =	ssyncadd.s32 $0xFFFFD800  }
0x41: {  	[spmem:s18] =	stream.linear.scatter [tilespmem:s24], [sflag:$0x7], $0x2800, $0x38;
	[tilespmem:$0x1BB00] =	vst v63  }
0x42: {  	_ =	swait.ge [sflag:s25], $0x2800  }
0x43: {  	[sflag:s25] =	ssyncset.done $0x0  }
0x44: {  	s19 =	rddreg [dreg:$0x8];
	[sflag:s25] =	ssyncadd.s32 $0xFFFFD800  }
0x45: {  	[spmem:s19] =	stream.linear.scatter [tilespmem:s24], [sflag:$0x7], $0x2800, $0x38;
	[tilespmem:$0x1BB00] =	vst v63  }
0x46: {  	_ =	swait.ge [sflag:s25], $0x2800  }
0x47: {  	[sflag:s25] =	ssyncset.done $0x0  }
0x48: {  	s17 =	rddreg [dreg:$0x9];
	[sflag:s25] =	ssyncadd.s32 $0xFFFFD800  }
0x49: {  	[spmem:s17] =	stream.linear.scatter [tilespmem:s24], [sflag:$0x7], $0x2800, $0x38;
	[tilespmem:$0x1BB00] =	vst v63  }
0x4a: {  	_ =	swait.ge [sflag:s25], $0x2800  }
0x4b: {  	[sflag:s25] =	ssyncset.done $0x0  }
0x4c: {  	s18 =	simm.s32 $0x0;
	[sflag:s25] =	ssyncadd.s32 $0xFFFFD800  }
0x4d: {  	[tilespmem:s18], [sflag:$0x1] =	stream.linear.gather [hbm4b:s12+s18], $0x100, $0x38;
	[tilespmem:$0x1BB00] =	vst v63  }
0x4e: {  	s17 =	rddreg [dreg:$0xa]  }
0x4f: {  	[tilespmem:s26], [sflag:$0x2] =	stream.linear.gather [hbm4b:s17+s18], $0x100, $0x38;
	[tilespmem:$0x1BB00] =	vst v63  }
0x50: {  	s19 =	rddreg [dreg:$0xb]  }
0x51: {  	[tilespmem:s28], [sflag:$0x3] =	stream.linear.gather [hbm4b:s19+s18], $0x100, $0x38;
	[tilespmem:$0x1BB00] =	vst v63  }
0x52: {  	_ =	swait.ge [sflag:s29], $0x100  }
0x53: {  	[sflag:s29] =	ssyncset.done $0x0  }
0x54: {  	[sflag:s29] =	ssyncadd.s32 $0xFFFFFF00  }
0x55: {  	[tilespmem:s24], [sflag:$0x4] =	stream.indirect.gather [hbm4b:s4+s30], $0x80, s18, s30, $0xb8;
	[tilespmem:$0x1BB00] =	vst v63  }
0x56: {  	_ =	swait.ge [sflag:s31], $0x100  }
0x57: {  	[sflag:s31] =	ssyncset.done $0x0  }
0x58: {  	[sflag:s31] =	ssyncadd.s32 $0xFFFFFF00  }
0x59: {  	[tilespmem:s0], [sflag:$0x5] =	stream.indirect.gather [hbm4b:s4+s30], $0x80, s26, s30, $0xb8;
	[tilespmem:$0x1BB00] =	vst v63  }
0x5a: {  	[bflag:$0x0] =	sbarrier.arrive $0xFFFF  }
0x5b: {  	_ =	swait.ge [sflag:s1], $0x2800  }
0x5c: {  	[sflag:s1] =	ssyncset.done $0x0  }
0x5d: {  	[sflag:s1] =	ssyncadd.s32 $0xFFFFD800  }
0x5e: {  	[spmem:s2] =	stream.indirect.scatter.add.f32 [tilespmem:s24], [sflag:$0x7], $0x80, s7, s30, $0xb8;
	[tilespmem:$0x1BB00] =	vst v63  }
0x5f: {  	_ =	swait.ge [sflag:s25], $0x2800  }
0x60: {  	s17 =	sshrl.u32 s23, $0x3;
	[sflag:s25] =	ssyncset.done $0x0  }
0x61: {  	s16 =	sadd.s32 s5, s17;
	[sflag:s25] =	ssyncadd.s32 $0xFFFFD800  }
0x62: {  	[tilespmem:s3], [sflag:$0x1] =	stream.linear.gather [hbm4b:s16+s3], $0x100, $0x38;
	[tilespmem:$0x1BB00] =	vst v63  }
0x63: {  	_ =	swait.ge [sflag:s8], $0x100  }
0x64: {  	[sflag:s8] =	ssyncset.done $0x0  }
0x65: {  	[sflag:s8] =	ssyncadd.s32 $0xFFFFFF00  }
0x66: {  	[tilespmem:s9], [sflag:$0x6] =	stream.indirect.gather [hbm4b:s4+s30], $0x80, s28, s30, $0xb8;
	[tilespmem:$0x1BB00] =	vst v63  }
0x67: {  	_ =	swait.ge [sflag:s10], $0x2800  }
0x68: {  	[sflag:s10] =	ssyncset.done $0x0  }
0x69: {  	[sflag:s10] =	ssyncadd.s32 $0xFFFFD800  }
0x6a: {  	[spmem:s2] =	stream.indirect.scatter.add.f32 [tilespmem:s0], [sflag:$0x7], $0x80, s11, s30, $0xb8;
	[tilespmem:$0x1BB00] =	vst v63  }
0x6b: {  	_ =	swait.ge [sflag:s25], $0x2800  }
0x6c: {  	[sflag:s25] =	ssyncset.done $0x0  }
0x6d: {  	s18 =	sadd.s32 $0x0, s22;
	[sflag:s25] =	ssyncadd.s32 $0xFFFFD800  }
0x6e: {  	[tilespmem:s26], [sflag:$0x2] =	stream.linear.gather [hbm4b:s18+s3], $0x100, $0x38;
	[tilespmem:$0x1BB00] =	vst v63  }
0x6f: {  	_ =	swait.ge [sflag:s29], $0x100  }
0x70: {  	[sflag:s29] =	ssyncset.done $0x0  }
0x71: {  	[sflag:s29] =	ssyncadd.s32 $0xFFFFFF00  }
0x72: {  	[tilespmem:s24], [sflag:$0x4] =	stream.indirect.gather [hbm4b:s4+s30], $0x80, s3, s30, $0xb8;
	[tilespmem:$0x1BB00] =	vst v63  }
0x73: {  	_ =	swait.ge [sflag:s13], $0x2800  }
0x74: {  	[sflag:s13] =	ssyncset.done $0x0  }
0x75: {  	[sflag:s13] =	ssyncadd.s32 $0xFFFFD800  }
0x76: {  	[spmem:s2] =	stream.indirect.scatter.add.f32 [tilespmem:s9], [sflag:$0x7], $0x80, s14, s30, $0xb8;
	[tilespmem:$0x1BB00] =	vst v63  }
0x77: {  	_ =	swait.ge [sflag:s25], $0x2800  }
0x78: {  	[sflag:s25] =	ssyncset.done $0x0  }
0x79: {  	s19 =	sadd.s32 $0x0, s21;
	[sflag:s25] =	ssyncadd.s32 $0xFFFFD800  }
0x7a: {  	[tilespmem:s28], [sflag:$0x3] =	stream.linear.gather [hbm4b:s19+s3], $0x100, $0x38;
	[tilespmem:$0x1BB00] =	vst v63  }
0x7b: {  	_ =	swait.ge [sflag:s31], $0x100  }
0x7c: {  	[sflag:s31] =	ssyncset.done $0x0  }
0x7d: {  	s17 =	sadd.s32 $0x300, s23;
	s16 =	simm.s32 $0x60;
	[sflag:s31] =	ssyncadd.s32 $0xFFFFFF00  }
.LBB2_4:
0x7e: {  	[tilespmem:s0], [sflag:$0x5] =	stream.indirect.gather [hbm4b:s4+s30], $0x80, s26, s30, $0xb8;
	[tilespmem:$0x1BB00] =	vst v63  }
0x7f: {  	s18 =	smov.u32 s16  }
0x80: {  	p0 =	sne.s32 s16, $0xEA0;
	s16 =	sadd.s32 $0x60, s16;
	_ =	swait.ge [sflag:s1], $0x2800  }
0x81: {  	[sflag:s1] =	ssyncset.done $0x0  }
0x82: {  	[sflag:s1] =	ssyncadd.s32 $0xFFFFD800  }
0x83: {  	[spmem:s2] =	stream.indirect.scatter.add.f32 [tilespmem:s24], [sflag:$0x7], $0x80, s7, s30, $0xb8;
	[tilespmem:$0x1BB00] =	vst v63  }
0x84: {  	_ =	swait.ge [sflag:s25], $0x2800  }
0x85: {  	s19 =	sshrl.u32 s17, $0x3;
	[sflag:s25] =	ssyncset.done $0x0  }
0x86: {  	s19 =	sadd.s32 s5, s19;
	[sflag:s25] =	ssyncadd.s32 $0xFFFFD800  }
0x87: {  	[tilespmem:s3], [sflag:$0x1] =	stream.linear.gather [hbm4b:s19+s3], $0x100, $0x38;
	[tilespmem:$0x1BB00] =	vst v63  }
0x88: {  	_ =	swait.ge [sflag:s8], $0x100  }
0x89: {  	[sflag:s8] =	ssyncset.done $0x0  }
0x8a: {  	[sflag:s8] =	ssyncadd.s32 $0xFFFFFF00  }
0x8b: {  	[tilespmem:s9], [sflag:$0x6] =	stream.indirect.gather [hbm4b:s4+s30], $0x80, s28, s30, $0xb8;
	[tilespmem:$0x1BB00] =	vst v63  }
0x8c: {  	_ =	swait.ge [sflag:s10], $0x2800  }
0x8d: {  	[sflag:s10] =	ssyncset.done $0x0  }
0x8e: {  	[sflag:s10] =	ssyncadd.s32 $0xFFFFD800  }
0x8f: {  	[spmem:s2] =	stream.indirect.scatter.add.f32 [tilespmem:s0], [sflag:$0x7], $0x80, s11, s30, $0xb8;
	[tilespmem:$0x1BB00] =	vst v63  }
0x90: {  	_ =	swait.ge [sflag:s25], $0x2800  }
0x91: {  	[sflag:s25] =	ssyncset.done $0x0  }
0x92: {  	s19 =	sadd.s32 s18, s22;
	[sflag:s25] =	ssyncadd.s32 $0xFFFFD800  }
0x93: {  	[tilespmem:s26], [sflag:$0x2] =	stream.linear.gather [hbm4b:s19+s3], $0x100, $0x38;
	[tilespmem:$0x1BB00] =	vst v63  }
0x94: {  	_ =	swait.ge [sflag:s29], $0x100  }
0x95: {  	[sflag:s29] =	ssyncset.done $0x0  }
0x96: {  	[sflag:s29] =	ssyncadd.s32 $0xFFFFFF00  }
0x97: {  	[tilespmem:s24], [sflag:$0x4] =	stream.indirect.gather [hbm4b:s4+s30], $0x80, s3, s30, $0xb8;
	[tilespmem:$0x1BB00] =	vst v63  }
0x98: {  	_ =	swait.ge [sflag:s13], $0x2800  }
0x99: {  	[sflag:s13] =	ssyncset.done $0x0  }
0x9a: {  	[sflag:s13] =	ssyncadd.s32 $0xFFFFD800  }
0x9b: {  	[spmem:s2] =	stream.indirect.scatter.add.f32 [tilespmem:s9], [sflag:$0x7], $0x80, s14, s30, $0xb8;
	[tilespmem:$0x1BB00] =	vst v63  }
0x9c: {  	_ =	swait.ge [sflag:s25], $0x2800  }
0x9d: {  	[sflag:s25] =	ssyncset.done $0x0  }
.Ltmp1:
0x9e: {  	s18 =	sadd.s32 s18, s21;
	[sflag:s25] =	ssyncadd.s32 $0xFFFFD800;
	(pc) =	sbr.rel @p0 .LBB2_4-.Ltmp1, $4  }
0x9f: {  	[tilespmem:s28], [sflag:$0x3] =	stream.linear.gather [hbm4b:s18+s3], $0x100, $0x38;
	[tilespmem:$0x1BB00] =	vst v63  }
0xa0: {  	_ =	swait.ge [sflag:s31], $0x100  }
0xa1: {  	[sflag:s31] =	ssyncset.done $0x0  }
0xa2: {  	s17 =	sadd.s32 $0x300, s17;
	[sflag:s31] =	ssyncadd.s32 $0xFFFFFF00  }
0xa3: {  	[tilespmem:s0], [sflag:$0x5] =	stream.indirect.gather [hbm4b:s4+s30], $0x80, s26, s30, $0xb8;
	[tilespmem:$0x1BB00] =	vst v63  }
0xa4: {  	_ =	swait.ge [sflag:s1], $0x2800  }
0xa5: {  	[sflag:s1] =	ssyncset.done $0x0  }
0xa6: {  	[sflag:s1] =	ssyncadd.s32 $0xFFFFD800  }
0xa7: {  	[spmem:s2] =	stream.indirect.scatter.add.f32 [tilespmem:s24], [sflag:$0x7], $0x80, s7, s30, $0xb8;
	[tilespmem:$0x1BB00] =	vst v63  }
0xa8: {  	_ =	swait.ge [sflag:s25], $0x2800  }
0xa9: {  	[sflag:s25] =	ssyncset.done $0x0  }
0xaa: {  	s16 =	rddreg [dreg:$0xc];
	[sflag:s25] =	ssyncadd.s32 $0xFFFFD800  }
0xab: {  	[tilespmem:s3], [sflag:$0x1] =	stream.linear.gather [hbm4b:s16+s3], $0x100, $0x38;
	[tilespmem:$0x1BB00] =	vst v63  }
0xac: {  	_ =	swait.ge [sflag:s8], $0x100  }
0xad: {  	[sflag:s8] =	ssyncset.done $0x0  }
0xae: {  	[sflag:s8] =	ssyncadd.s32 $0xFFFFFF00  }
0xaf: {  	[tilespmem:s9], [sflag:$0x6] =	stream.indirect.gather [hbm4b:s4+s30], $0x80, s28, s30, $0xb8;
	[tilespmem:$0x1BB00] =	vst v63  }
0xb0: {  	_ =	swait.ge [sflag:s10], $0x2800  }
0xb1: {  	[sflag:s10] =	ssyncset.done $0x0  }
0xb2: {  	[sflag:s10] =	ssyncadd.s32 $0xFFFFD800  }
0xb3: {  	[spmem:s2] =	stream.indirect.scatter.add.f32 [tilespmem:s0], [sflag:$0x7], $0x80, s11, s30, $0xb8;
	[tilespmem:$0x1BB00] =	vst v63  }
0xb4: {  	_ =	swait.ge [sflag:s25], $0x2800  }
0xb5: {  	[sflag:s25] =	ssyncset.done $0x0  }
0xb6: {  	s18 =	rddreg [dreg:$0xd];
	[sflag:s25] =	ssyncadd.s32 $0xFFFFD800  }
0xb7: {  	[tilespmem:s26], [sflag:$0x2] =	stream.linear.gather [hbm4b:s18+s3], $0x100, $0x38;
	[tilespmem:$0x1BB00] =	vst v63  }
0xb8: {  	_ =	swait.ge [sflag:s29], $0x100  }
0xb9: {  	[sflag:s29] =	ssyncset.done $0x0  }
0xba: {  	[sflag:s29] =	ssyncadd.s32 $0xFFFFFF00  }
0xbb: {  	[tilespmem:s24], [sflag:$0x4] =	stream.indirect.gather [hbm4b:s4+s30], $0x80, s3, s30, $0xb8;
	[tilespmem:$0x1BB00] =	vst v63  }
0xbc: {  	_ =	swait.ge [sflag:s13], $0x2800  }
0xbd: {  	[sflag:s13] =	ssyncset.done $0x0  }
0xbe: {  	[sflag:s13] =	ssyncadd.s32 $0xFFFFD800  }
0xbf: {  	[spmem:s2] =	stream.indirect.scatter.add.f32 [tilespmem:s9], [sflag:$0x7], $0x80, s14, s30, $0xb8;
	[tilespmem:$0x1BB00] =	vst v63  }
0xc0: {  	_ =	swait.ge [sflag:s25], $0x2800  }
0xc1: {  	[sflag:s25] =	ssyncset.done $0x0  }
0xc2: {  	[sflag:s25] =	ssyncadd.s32 $0xFFFFD800  }
0xc3: {  	_ =	swait.ge [sflag:s31], $0x100  }
0xc4: {  	[sflag:s31] =	ssyncset.done $0x0  }
0xc5: {  	[sflag:s31] =	ssyncadd.s32 $0xFFFFFF00  }
0xc6: {  	[tilespmem:s0], [sflag:$0x5] =	stream.indirect.gather [hbm4b:s4+s30], $0x80, s26, s30, $0xb8;
	[tilespmem:$0x1BB00] =	vst v63  }
0xc7: {  	_ =	swait.ge [sflag:s1], $0x2800  }
0xc8: {  	[sflag:s1] =	ssyncset.done $0x0  }
0xc9: {  	[sflag:s1] =	ssyncadd.s32 $0xFFFFD800  }
0xca: {  	[spmem:s2] =	stream.indirect.scatter.add.f32 [tilespmem:s24], [sflag:$0x7], $0x80, s7, s30, $0xb8;
	[tilespmem:$0x1BB00] =	vst v63  }
0xcb: {  	_ =	swait.ge [sflag:s25], $0x2800  }
0xcc: {  	[sflag:s25] =	ssyncset.done $0x0  }
0xcd: {  	[sflag:s25] =	ssyncadd.s32 $0xFFFFD800  }
0xce: {  	_ =	swait.ge [sflag:s10], $0x2800  }
0xcf: {  	[sflag:s10] =	ssyncset.done $0x0  }
0xd0: {  	[sflag:s10] =	ssyncadd.s32 $0xFFFFD800  }
0xd1: {  	[spmem:s2] =	stream.indirect.scatter.add.f32 [tilespmem:s0], [sflag:$0x7], $0x80, s11, s30, $0xb8;
	[tilespmem:$0x1BB00] =	vst v63  }
0xd2: {  	_ =	swait.ge [sflag:s25], $0x2800  }
0xd3: {  	s19 =	stileid.u32;
	[sflag:s25] =	ssyncset.done $0x0  }
0xd4: {  	s17 =	sshrl.u32 s6, $0x3;
	s15 =	sadd.s32 $0x1, s15;
	[sflag:s25] =	ssyncadd.s32 $0xFFFFD800  }
0xd5: {  	p0 =	sne.s32 s15, s20;
	s16 =	sshll.u32 s19, $0x6;
	[bflag:$0x0] =	sbarrier.arrive $0xFFFF  }
.Ltmp2:
0xd6: {  	s16 =	sor.u32 $0x1C07, s16;
	s18 =	rddreg [dreg:$0xe];
	(pc) =	sbr.rel @p0 .LBB2_1-.Ltmp2, $4  }
0xd7: {  	[hbm:s18], [sflag:s16] =	dma.local [spmem:s17], $0x2800  }
0xd8: {  	_ =	swait.ge [sflag:s25], $0x2800  }
0xd9: {  	[sflag:s25] =	ssyncset.done $0x0  }
0xda: {  	[sflag:s25] =	ssyncadd.s32 $0xFFFFD800  }
0xdb: {  	_ =	sfence.sel $0x180000  }
0xdc: {  	[bflag:$0x0] =	sbarrier.arrive $0xFFFF  }
0xdd: {  	_ =	strace $0x9000004A  }
0xde: {  	s0 =	stileid.u32;
	[bflag:$0x2] =	sbarrier.arrive $0xFFFF  }
0xdf: {  	p0 =	sne.s32 s0, $0x0;
	s0 =	rddreg [dreg:$0x2]  }
0xe0: {  	s0 =	sadd.s32 @!p0 $0x100000, s0  }
0xe1: {  	[sflag:s0] =	ssyncadd.tile.s32 @!p0 $0x1;
	_ =	shalt  }
.Lfunc_end2:
_tile_overlayer_lowered:
.L_overlay_start_2:
0xe2: {  	(tag) =	ssettag $0x2  }
0xe3: {  	s0 =	rddreg [dreg:$0x0];
	s2 =	stileid.u32  }
0xe4: {  	s1 =	rddreg [dreg:$0x1];
	p0 =	sne.s32 s2, $0x0  }
0xe5: {  	s3 =	rddreg [dreg:$0x2];
	[bflag:$0x3] =	sbarrier.arrive $0xFFFF;
	s2 =	simm.s32 @!p0 $0x1C07  }
0xe6: {  	[timem:s3], [sflag:s2] =	dma.local @!p0 [hbm:s0], s1  }
0xe7: {  	s0 =	simm.s32 @!p0 $0x7  }
0xe8: {  	_ =	swait.ge @!p0 [sflag:s0], s1  }
0xe9: {  	s1 =	ssub.s32 @!p0 $0x0, s1;
	[sflag:s0] =	ssyncset.done @!p0 $0x0  }
0xea: {  	[sflag:s0] =	ssyncadd.s32 @!p0 s1  }
0xeb: {  	[bflag:$0x3] =	sbarrier.arrive $0xFFFF  }
0xec: {  	_ =	shalt  }

// kernel: kernel.14.cloned.1.call-start
scs
__scs_entry_jumppad:
0x0: {  	(pc) =	sbr.rel $0x88, $3  }
0x1: {  	(tag) =	ssettag $0x0;
	lr =	simm.s32 $0x1  }
0x2: {  	[smem:$0x3F95] =	sst lr;
	_ =	strace $0xD0000000  }
0x3: {  	_ = 	snop  }
0x4: {  	_ = 	snop  }
0x5: {  	_ = 	snop  }
0x6: {  	_ = 	snop  }
0x7: {  	_ = 	snop  }
__scs_overlays_trampoline_lowered:
0x8: {  	[smem:$0x3FA4] =	sst s0  }
0x9: {  	[smem:$0x3FA5] =	sst s1  }
0xa: {  	[smem:$0x3FA6] =	sst s2  }
0xb: {  	[smem:$0x3FA7] =	sst s3  }
0xc: {  	[smem:$0x3FA8] =	sst s4  }
0xd: {  	[smem:$0x3FA9] =	sst s5  }
0xe: {  	[smem:$0x3FAA] =	sst s6  }
0xf: {  	[smem:$0x3FAB] =	sst s7  }
0x10: {  	[smem:$0x3FAC] =	sst s8  }
0x11: {  	[smem:$0x3FAD] =	sst s9;
	s0 =	simm.s32 @!p0 $0x0  }
0x12: {  	s1 =	sld [smem:$0x3F93];
	s0 =	simm.s32 @p0 $0x1  }
0x13: {  	[smem:$0x3FAE] =	sst s0;
	s0 =	simm.s32 @!p1 $0x0  }
0x14: {  	s2 =	sld [smem:$0x3F92];
	s0 =	simm.s32 @p1 $0x1  }
0x15: {  	[smem:$0x3FAF] =	sst s0;
	s0 =	simm.s32 @!p2 $0x0  }
0x16: {  	s3 =	sld [smem:$0x3FDB];
	s0 =	simm.s32 @p2 $0x1  }
0x17: {  	s4 =	simm.s32 $0x1BF5;
	[smem:$0x3FB1] =	sst s0  }
0x18: {  	s0 =	sld [smem:$0x3F94];
	_ =	swait.ge [sflag:s4], $0x0  }
0x19: {  	s7 =	sld [smem:$0x3F95]  }
0x1a: {  	s8 =	sadd.s32 $0xFFFFE003, lr  }
0x1b: {  	s9 =	sadd.s32 $0xFFFFFEF7, lr;
	s5 =	simm.s32 $0xFFFFFFFF;
	p2 =	slt.u32 s8, $0xFFFFF086  }
0x1c: {  	p1 =	slt.u32 s9, $0xF7A;
	s5 =	simm.s32 @!p2 $0x0  }
0x1d: {  	s5 =	simm.s32 @p1 $0x1;
	p0 =	seq.s32 s7, s2  }
0x1e: {  	s7 =	smul.u32 @!p0 $0xF7A, s2;
	p2 =	seq.s32 @!p0 s5, $0x0  }
0x1f: {  	s9 =	smul.u32 $0xF7A, s1;
	s8 =	simm.s32 @!p0 $0x1BF5;
	p2 =	por !p2, p0  }
0x20: {  	[sflag:s8] =	ssyncset.s32 @!p0 $0xFFFFF086;
	s6 =	sadd.s32 @!p0 s3, s7;
	s7 =	simm.s32 @!p0 $0x108  }
0x21: {  	s3 =	sadd.s32 s3, s9;
	s6 =	sadd.s32 @!p0 $0x88, s6;
	s7 =	simm.s32 @p2 $0x1082  }
0x22: {  	[simem:s7], [sflag:s8] =	dma.local @!p0 [hbm:s6], $0xF7A  }
0x23: {  	s9 =	sor.u32 $0xD0000000, s2;
	s6 =	simm.s32 $0x108;
	_ =	swait.ge @!p0 [sflag:s8], $0x0  }
0x24: {  	s3 =	sadd.s32 $0x88, s3;
	s6 =	simm.s32 @!p1 $0x1082;
	[sflag:s4] =	ssyncset.s32 $0xFFFFF086  }
0x25: {  	[simem:s6], [sflag:s4] =	dma.local [hbm:s3], $0xF7A  }
0x26: {  	[smem:$0x3F95] =	sst s1;
	(tag) =	ssettag s2;
	_ =	strace s9  }
0x27: {  	s1 =	sld [smem:$0x3FA5]  }
0x28: {  	s2 =	sld [smem:$0x3FA6]  }
0x29: {  	s4 =	sld [smem:$0x3FA8]  }
0x2a: {  	p0 =	seq.s32 s5, $0x0;
	s5 =	sld [smem:$0x3FA9]  }
0x2b: {  	s6 =	sld [smem:$0x3FAA]  }
0x2c: {  	s7 =	sld [smem:$0x3FAB]  }
0x2d: {  	s3 =	simm.s32 $0x108;
	s8 =	sld [smem:$0x3FAC]  }
0x2e: {  	s3 =	simm.s32 @!p0 $0x1082;
	s9 =	sld [smem:$0x3FAD]  }
0x2f: {  	lr =	sadd.s32 s0, s3;
	s0 =	sld [smem:$0x3FA4]  }
0x30: {  	s3 =	sld [smem:$0x3FA7]  }
0x31: {  	[smem:$0x3FB0] =	sst s10  }
0x32: {  	s10 =	sld [smem:$0x3FAE];
	_ =	sdelay $0x3  }
0x33: {  	p0 =	seq.s32 s10, $0x1;
	s10 =	sld [smem:$0x3FB0];
	_ =	sdelay $0x3  }
0x34: {  	[smem:$0x3FB0] =	sst s10  }
0x35: {  	s10 =	sld [smem:$0x3FAF];
	_ =	sdelay $0x3  }
0x36: {  	p1 =	seq.s32 s10, $0x1;
	s10 =	sld [smem:$0x3FB0];
	_ =	sdelay $0x3  }
0x37: {  	[smem:$0x3FB0] =	sst s10  }
0x38: {  	s10 =	sld [smem:$0x3FB1]  }
0x39: {  	_ = 	snop;
	(pc) =	sbr.ind lr, $3  }
0x3a: {  	_ = 	snop  }
0x3b: {  	_ = 	snop  }
0x3c: {  	p2 =	seq.s32 s10, $0x1;
	s10 =	sld [smem:$0x3FB0]  }
0x3d: {  	_ =	shalt  }
0x3e: {  	_ =	shalt  }
0x3f: {  	_ =	shalt  }
0x40: {  	_ =	shalt  }
0x41: {  	_ =	shalt  }
0x42: {  	_ =	shalt  }
0x43: {  	_ =	shalt  }
0x44: {  	_ =	shalt  }
0x45: {  	_ =	shalt  }
0x46: {  	_ =	shalt  }
0x47: {  	_ =	shalt  }
0x48: {  	_ =	shalt  }
0x49: {  	_ =	shalt  }
0x4a: {  	_ =	shalt  }
0x4b: {  	_ =	shalt  }
0x4c: {  	_ =	shalt  }
0x4d: {  	_ =	shalt  }
0x4e: {  	_ =	shalt  }
0x4f: {  	_ =	shalt  }
0x50: {  	_ =	shalt  }
0x51: {  	_ =	shalt  }
0x52: {  	_ =	shalt  }
0x53: {  	_ =	shalt  }
0x54: {  	_ =	shalt  }
0x55: {  	_ =	shalt  }
0x56: {  	_ =	shalt  }
0x57: {  	_ =	shalt  }
0x58: {  	_ =	shalt  }
0x59: {  	_ =	shalt  }
0x5a: {  	_ =	shalt  }
0x5b: {  	_ =	shalt  }
0x5c: {  	_ =	shalt  }
0x5d: {  	_ =	shalt  }
0x5e: {  	_ =	shalt  }
0x5f: {  	_ =	shalt  }
0x60: {  	_ =	shalt  }
0x61: {  	_ =	shalt  }
0x62: {  	_ =	shalt  }
0x63: {  	_ =	shalt  }
0x64: {  	_ =	shalt  }
0x65: {  	_ =	shalt  }
0x66: {  	_ =	shalt  }
0x67: {  	_ =	shalt  }
0x68: {  	_ =	shalt  }
0x69: {  	_ =	shalt  }
0x6a: {  	_ =	shalt  }
0x6b: {  	_ =	shalt  }
0x6c: {  	_ =	shalt  }
0x6d: {  	_ =	shalt  }
0x6e: {  	_ =	shalt  }
0x6f: {  	_ =	shalt  }
0x70: {  	_ =	shalt  }
0x71: {  	_ =	shalt  }
0x72: {  	_ =	shalt  }
0x73: {  	_ =	shalt  }
0x74: {  	_ =	shalt  }
0x75: {  	_ =	shalt  }
0x76: {  	_ =	shalt  }
0x77: {  	_ =	shalt  }
0x78: {  	_ =	shalt  }
0x79: {  	_ =	shalt  }
0x7a: {  	_ =	shalt  }
0x7b: {  	_ =	shalt  }
0x7c: {  	_ =	shalt  }
0x7d: {  	_ =	shalt  }
0x7e: {  	_ =	shalt  }
0x7f: {  	_ =	shalt  }
0x80: {  	_ =	shalt  }
0x81: {  	_ =	shalt  }
0x82: {  	_ =	shalt  }
0x83: {  	_ =	shalt  }
0x84: {  	_ =	shalt  }
0x85: {  	_ =	shalt  }
0x86: {  	_ =	shalt  }
0x87: {  	_ =	shalt  }
.Lfunc_end0:
.L_simem_size_0:
called_computation.2_lowered:
.L_overlay_start_0:
0x88: {  	s2 =	sld [smem:$0x3FD9]  }
0x89: {  	s3 =	sld [smem:$0x3FFE];
	_ =	sdelay $0x1  }
0x8a: {  	s1 =	srdreg.scid  }
0x8b: {  	s0 =	sand.u32 $0x1, s1  }
0x8c: {  	s16 =	sshll.u32 s0, $0xA;
	s2 =	sadd.s32 s3, s2  }
0x8d: {  	s2 =	sadd.s32 s2, s16  }
0x8e: {  	[smem:$0x3FBC] =	sst s2  }
0x8f: {  	_ = 	snop  }
0x90: {  	(tm) =	ssettm $0x1  }
0x91: {  	s17 =	sld [smem:$0x3FFB];
	_ =	sdelay $0x3  }
0x92: {  	_ =	strace s17  }
0x93: {  	s2 =	sld [smem:$0x3FFC];
	_ =	sdelay $0x3  }
0x94: {  	_ =	strace s2  }
0x95: {  	s2 =	sld [smem:$0x3FFD];
	_ =	sdelay $0x3  }
0x96: {  	_ =	strace s2  }
0x97: {  	_ =	strace $0x8FFFFFFF  }
0x98: {  	s18 =	sld [smem:$0x3FDB];
	_ =	sdelay $0x1  }
0x99: {  	s19 =	simm.s32 $_scs_section_size  }
0x9a: {  	s4 =	simm.s32 $_size__tile_overlayer_lowered;
	s5 =	simm.s32 $_tile_overlayer_lowered  }
0x9b: {  	s22 =	simm.s32 $0x1BFF;
	s21 =	sshll.u32 s5, $0x1;
	s2 =	sadd.s32 s19, s18  }
0x9c: {  	s6 =	simm.s32 $0x0;
	s20 =	sshll.u32 s4, $0x1;
	s4 =	sadd.s32 s21, s2  }
0x9d: {  	[timem:s6], [sflag:s22] =	dma.local [hbm:s4], s20  }
0x9e: {  	_ =	swait.ge [sflag:s22], s20  }
0x9f: {  	s3 =	ssub.s32 $0x0, s20;
	[sflag:s22] =	ssyncset.done $0x0  }
0xa0: {  	[sflag:s22] =	ssyncadd.s32 s3;
	_ =	sdelay $0x1  }
0xa1: {  	s23 =	simm.s32 $0x1B8B  }
0xa2: {  	_ =	swait.ge [sflag:s23], $0x1  }
0xa3: {  	[sflag:s23] =	ssyncset.done $0x0  }
0xa4: {  	s25 =	simm.s32 $0x1B8E;
	s24 =	sld [smem:$0x3FFE];
	[sflag:s23] =	ssyncadd.s32 $0xFFFFFFFF  }
0xa5: {  	s26 =	simm.s32 $execute0_lowered;
	[smem:$0x3FD2] =	sst s25  }
0xa6: {  	s4 =	sshll.u32 s26, $0x1;
	_ =	strace $0x8000004C;
	[dreg:$0x1] =	wrdreg $0xFFFFFFFF  }
0xa7: {  	s28 =	simm.s32 $_size_execute0_lowered;
	s2 =	sadd.s32 s2, s4;
	[dreg:$0x0] =	wrdreg $0x0  }
0xa8: {  	s4 =	sshll.u32 s28, $0x1;
	[dreg:$0x2] =	wrdreg s2  }
0xa9: {  	[dreg:$0x3] =	wrdreg s4  }
0xaa: {  	[dreg:$0x4] =	wrdreg $0xC0  }
0xab: {  	_ =	task [dreg:s6], $0x5FFFF  }
0xac: {  	[dreg:$0x1] =	wrdreg $0xFFFFFFFF  }
0xad: {  	[dreg:$0x0] =	wrdreg $0x60  }
0xae: {  	[dreg:$0x2] =	wrdreg s24  }
0xaf: {  	[dreg:$0x3] =	wrdreg $0x7B000  }
0xb0: {  	[dreg:$0x4] =	wrdreg $0x9  }
0xb1: {  	_ =	task.clear_ibuf [dreg:s6], $0x5FFFF;
	_ =	strace $0x9000004C  }
0xb2: {  	s29 =	simm.s32 $0x9;
	_ =	strace $0x8000004E  }
0xb3: {  	_ =	swait.ge [sflag:s29], $0x1  }
0xb4: {  	[sflag:s29] =	ssyncadd.s32 $0xFFFFFFFF  }
0xb5: {  	_ =	strace $0x9000004E  }
0xb6: {  	_ =	sfence  }
0xb7: {  	s30 =	sld [smem:$0x0];
	_ =	sdelay $0x2  }
0xb8: {  	s31 =	sshll.u32 s1, $0xD;
	s1 =	sshrl.u32 s1, $0x2  }
0xb9: {  	s3 =	sand.u32 $0x4000, s31;
	s1 =	sadd.s32 s1, s30  }
0xba: {  	s0 =	sor.u32 s3, s0;
	s1 =	sshll.u32 s1, $0x11  }
0xbb: {  	s0 =	sor.u32 s1, s0  }
0xbc: {  	s0 =	sadd.s32 $0x8F2B, s0  }
0xbd: {  	[sflag:s0] =	ssyncadd.remote.s32 $0x1  }
0xbe: {  	_ =	sfence.sel $0xFFFF  }
0xbf: {  	[dreg:$0x0] =	wrdreg $0xFFFFFFFF;
	(pc) =	sbr.abs _section_cstart, $3  }
0xc0: {  	[dreg:$0x1] =	wrdreg $0xFFFFFFFF  }
0xc1: {  	_ =	task.clear_ibuf [dreg:s6], $0x2FFFF;
	_ =	strace $0x9FFFFFFF  }
0xc2: {  	(tm) =	ssettm $0x7FFFFFFF  }
0xc3: {  	_ =	shalt  }
tec
execute0_lowered:
.L_overlay_start_1:
0x0: {  	(tag) =	ssettag $0x1  }
0x1: {  	s0 =	rddreg [dreg:$0x0]  }
0x2: {  	s1 =	srdreg.scid;
	s2 =	rddreg [dreg:$0x1]  }
0x3: {  	s10 =	stileid.u32;
	s3 =	simm.s32 $0x0;
	s28 =	simm.s32 $0x200  }
0x4: {  	s29 =	simm.s32 $0x1;
	s30 =	simm.s32 $0x50;
	s6 =	smul.u32 $0x14000, s10  }
0x5: {  	s31 =	simm.s32 $0x2;
	s1 =	sand.u32 $0x1, s1;
	s7 =	smul.u32 $0x50000, s10  }
0x6: {  	[smem:$0x7FF] =	sst s3;
	s4 =	sadd.s32 $0x36200, s0;
	s16 =	smul.u32 $0xFA00, s10  }
0x7: {  	s8 =	sshll.u32 s10, $0x1;
	s10 =	simm.s32 $0x5;
	s5 =	smul.u32 $0x140000, s1  }
0x8: {  	_ =	strace $0x8000004D;
	s26 =	ssub.s32 $0x2, s1;
	s8 =	sor.u32 s1, s8  }
0x9: {  	s1 =	smul.u32 $0x7D00, s1;
	s9 =	sshrl.u32 s26, $0x1;
	s6 =	sadd.s32 s6, s5  }
0xa: {  	s7 =	sshrl.u32 s7, $0x2;
	s11 =	smul.u32 $0x7D00, s8;
	s6 =	sshrl.u32 s6, $0x3  }
0xb: {  	s5 =	sadd.s32 $0x16E00, s0;
	s0 =	sadd.s32 s6, s0;
	s6 =	sadd.s32 s7, s2  }
0xc: {  	s9 =	ssub.s32 s26, s9;
	s1 =	sadd.s32 s1, s16;
	s12 =	sadd.s32 $0x2800, s6  }
0xd: {  	s24 =	sadd.s32 $0x500, s1;
	s13 =	sadd.s32 $0x5000, s6;
	[dreg:$0x3] =	wrdreg s12  }
0xe: {  	s8 =	sadd.s32 $0x400, s1;
	s14 =	sadd.s32 $0x7800, s6;
	[dreg:$0x4] =	wrdreg s13  }
0xf: {  	s7 =	sshrl.u32 s11, $0x3;
	s15 =	sadd.s32 $0xA000, s6;
	[dreg:$0x5] =	wrdreg s14  }
0x10: {  	s25 =	sshrl.u32 s24, $0x3;
	s17 =	sadd.s32 $0xC800, s6;
	[dreg:$0x6] =	wrdreg s15  }
0x11: {  	s26 =	sshrl.u32 s8, $0x3;
	s18 =	sadd.s32 $0xF000, s6;
	[dreg:$0x7] =	wrdreg s17  }
0x12: {  	s24 =	simm.s32 $0x300;
	s19 =	sadd.s32 $0x11800, s6;
	[dreg:$0x8] =	wrdreg s18  }
0x13: {  	s8 =	simm.s32 $0x3;
	s0 =	sadd.s32 $0x5D400, s0;
	[dreg:$0x9] =	wrdreg s19  }
0x14: {  	s11 =	simm.s32 $0x180;
	s12 =	sadd.s32 s5, s7;
	[dreg:$0xe] =	wrdreg s0  }
0x15: {  	s0 =	simm.s32 $0x2B00;
	s7 =	simm.s32 $0x80;
	s20 =	sadd.s32 $0x20, s12  }
0x16: {  	s13 =	simm.s32 $0x6;
	s21 =	sadd.s32 $0x40, s12;
	[dreg:$0xa] =	wrdreg s20  }
0x17: {  	s14 =	simm.s32 $0x280;
	s22 =	sadd.s32 $0xF60, s12;
	[dreg:$0xb] =	wrdreg s21  }
0x18: {  	s15 =	simm.s32 $0x0;
	s23 =	sadd.s32 $0xF80, s12;
	[dreg:$0xc] =	wrdreg s22  }
0x19: {  	[dreg:$0xd] =	wrdreg s23;
	s20 =	smax.u32 s9, $0x1;
	s21 =	sadd.s32 s25, s5  }
0x1a: {  	s22 =	sadd.s32 s26, s5;
	s23 =	sadd.s32 $0x300, s1;
	s25 =	simm.s32 $0x7  }
0x1b: {  	v0 =	vimm.f32 $0.0e+00;
	s26 =	simm.s32 $0x100;
	s1 =	simm.s32 $0x4;
	s9 =	simm.s32 $0x5300  }
.LBB2_1:
0x1c: {  	s16 =	simm.s32 $0x0;
	s17 =	simm.s32 $0x200  }
.LBB2_2:
0x1d: {  	p0 =	sne.s32 s17, $0x9E00;
	[tilespmem:s16+$0x370] =	vst v0  }
0x1e: {  	[tilespmem:s16+$0x300] =	vst v0  }
0x1f: {  	[tilespmem:s16+$0x310] =	vst v0  }
.Ltmp0:
0x20: {  	[tilespmem:s16+$0x320] =	vst v0;
	(pc) =	sbr.rel @p0 .LBB2_2-.Ltmp0, $4  }
0x21: {  	[tilespmem:s16+$0x330] =	vst v0  }
0x22: {  	[tilespmem:s16+$0x340] =	vst v0  }
0x23: {  	[tilespmem:s16+$0x350] =	vst v0  }
0x24: {  	[tilespmem:s16+$0x360] =	vst v0;
	s16 =	sshra.s32 s17, $0x2;
	s17 =	sadd.s32 $0x200, s17  }
0x25: {  	[tilespmem:s16+$0x370] =	vst v0  }
0x26: {  	[tilespmem:s16+$0x300] =	vst v0  }
0x27: {  	[tilespmem:s16+$0x310] =	vst v0  }
0x28: {  	[tilespmem:s16+$0x320] =	vst v0  }
0x29: {  	[tilespmem:s16+$0x330] =	vst v0  }
0x2a: {  	[tilespmem:s16+$0x340] =	vst v0  }
0x2b: {  	[tilespmem:s16+$0x350] =	vst v0  }
0x2c: {  	[tilespmem:s16+$0x360] =	vst v0  }
0x2d: {  	[spmem:s6] =	stream.linear.scatter [tilespmem:s24], [sflag:$0x7], $0x2800, $0x38;
	[tilespmem:$0x1BB00] =	vst v63  }
0x2e: {  	_ =	swait.ge [sflag:s25], $0x2800  }
0x2f: {  	[sflag:s25] =	ssyncset.done $0x0  }
0x30: {  	s17 =	rddreg [dreg:$0x3];
	[sflag:s25] =	ssyncadd.s32 $0xFFFFD800  }
0x31: {  	[spmem:s17] =	stream.linear.scatter [tilespmem:s24], [sflag:$0x7], $0x2800, $0x38;
	[tilespmem:$0x1BB00] =	vst v63  }
0x32: {  	_ =	swait.ge [sflag:s25], $0x2800  }
0x33: {  	[sflag:s25] =	ssyncset.done $0x0  }
0x34: {  	s18 =	rddreg [dreg:$0x4];
	[sflag:s25] =	ssyncadd.s32 $0xFFFFD800  }
0x35: {  	[spmem:s18] =	stream.linear.scatter [tilespmem:s24], [sflag:$0x7], $0x2800, $0x38;
	[tilespmem:$0x1BB00] =	vst v63  }
0x36: {  	_ =	swait.ge [sflag:s25], $0x2800  }
0x37: {  	[sflag:s25] =	ssyncset.done $0x0  }
0x38: {  	s19 =	rddreg [dreg:$0x5];
	[sflag:s25] =	ssyncadd.s32 $0xFFFFD800  }
0x39: {  	[spmem:s19] =	stream.linear.scatter [tilespmem:s24], [sflag:$0x7], $0x2800, $0x38;
	[tilespmem:$0x1BB00] =	vst v63  }
0x3a: {  	_ =	swait.ge [sflag:s25], $0x2800  }
0x3b: {  	[sflag:s25] =	ssyncset.done $0x0  }
0x3c: {  	s17 =	rddreg [dreg:$0x6];
	[sflag:s25] =	ssyncadd.s32 $0xFFFFD800  }
0x3d: {  	[spmem:s17] =	stream.linear.scatter [tilespmem:s24], [sflag:$0x7], $0x2800, $0x38;
	[tilespmem:$0x1BB00] =	vst v63  }
0x3e: {  	_ =	swait.ge [sflag:s25], $0x2800  }
0x3f: {  	[sflag:s25] =	ssyncset.done $0x0  }
0x40: {  	s18 =	rddreg [dreg:$0x7];
	[sflag:s25] =	ssyncadd.s32 $0xFFFFD800  }
0x41: {  	[spmem:s18] =	stream.linear.scatter [tilespmem:s24], [sflag:$0x7], $0x2800, $0x38;
	[tilespmem:$0x1BB00] =	vst v63  }
0x42: {  	_ =	swait.ge [sflag:s25], $0x2800  }
0x43: {  	[sflag:s25] =	ssyncset.done $0x0  }
0x44: {  	s19 =	rddreg [dreg:$0x8];
	[sflag:s25] =	ssyncadd.s32 $0xFFFFD800  }
0x45: {  	[spmem:s19] =	stream.linear.scatter [tilespmem:s24], [sflag:$0x7], $0x2800, $0x38;
	[tilespmem:$0x1BB00] =	vst v63  }
0x46: {  	_ =	swait.ge [sflag:s25], $0x2800  }
0x47: {  	[sflag:s25] =	ssyncset.done $0x0  }
0x48: {  	s17 =	rddreg [dreg:$0x9];
	[sflag:s25] =	ssyncadd.s32 $0xFFFFD800  }
0x49: {  	[spmem:s17] =	stream.linear.scatter [tilespmem:s24], [sflag:$0x7], $0x2800, $0x38;
	[tilespmem:$0x1BB00] =	vst v63  }
0x4a: {  	_ =	swait.ge [sflag:s25], $0x2800  }
0x4b: {  	[sflag:s25] =	ssyncset.done $0x0  }
0x4c: {  	s18 =	simm.s32 $0x0;
	[sflag:s25] =	ssyncadd.s32 $0xFFFFD800  }
0x4d: {  	[tilespmem:s18], [sflag:$0x1] =	stream.linear.gather [hbm4b:s12+s18], $0x100, $0x38;
	[tilespmem:$0x1BB00] =	vst v63  }
0x4e: {  	s17 =	rddreg [dreg:$0xa]  }
0x4f: {  	[tilespmem:s26], [sflag:$0x2] =	stream.linear.gather [hbm4b:s17+s18], $0x100, $0x38;
	[tilespmem:$0x1BB00] =	vst v63  }
0x50: {  	s19 =	rddreg [dreg:$0xb]  }
0x51: {  	[tilespmem:s28], [sflag:$0x3] =	stream.linear.gather [hbm4b:s19+s18], $0x100, $0x38;
	[tilespmem:$0x1BB00] =	vst v63  }
0x52: {  	_ =	swait.ge [sflag:s29], $0x100  }
0x53: {  	[sflag:s29] =	ssyncset.done $0x0  }
0x54: {  	[sflag:s29] =	ssyncadd.s32 $0xFFFFFF00  }
0x55: {  	[tilespmem:s24], [sflag:$0x4] =	stream.indirect.gather [hbm4b:s4+s30], $0x80, s18, s30, $0xb8;
	[tilespmem:$0x1BB00] =	vst v63  }
0x56: {  	_ =	swait.ge [sflag:s31], $0x100  }
0x57: {  	[sflag:s31] =	ssyncset.done $0x0  }
0x58: {  	[sflag:s31] =	ssyncadd.s32 $0xFFFFFF00  }
0x59: {  	[tilespmem:s0], [sflag:$0x5] =	stream.indirect.gather [hbm4b:s4+s30], $0x80, s26, s30, $0xb8;
	[tilespmem:$0x1BB00] =	vst v63  }
0x5a: {  	[bflag:$0x0] =	sbarrier.arrive $0xFFFF  }
0x5b: {  	_ =	swait.ge [sflag:s1], $0x2800  }
0x5c: {  	[sflag:s1] =	ssyncset.done $0x0  }
0x5d: {  	[sflag:s1] =	ssyncadd.s32 $0xFFFFD800  }
0x5e: {  	[spmem:s2] =	stream.indirect.scatter.add.f32 [tilespmem:s24], [sflag:$0x7], $0x80, s7, s30, $0xb8;
	[tilespmem:$0x1BB00] =	vst v63  }
0x5f: {  	_ =	swait.ge [sflag:s25], $0x2800  }
0x60: {  	s17 =	sshrl.u32 s23, $0x3;
	[sflag:s25] =	ssyncset.done $0x0  }
0x61: {  	s16 =	sadd.s32 s5, s17;
	[sflag:s25] =	ssyncadd.s32 $0xFFFFD800  }
0x62: {  	[tilespmem:s3], [sflag:$0x1] =	stream.linear.gather [hbm4b:s16+s3], $0x100, $0x38;
	[tilespmem:$0x1BB00] =	vst v63  }
0x63: {  	_ =	swait.ge [sflag:s8], $0x100  }
0x64: {  	[sflag:s8] =	ssyncset.done $0x0  }
0x65: {  	[sflag:s8] =	ssyncadd.s32 $0xFFFFFF00  }
0x66: {  	[tilespmem:s9], [sflag:$0x6] =	stream.indirect.gather [hbm4b:s4+s30], $0x80, s28, s30, $0xb8;
	[tilespmem:$0x1BB00] =	vst v63  }
0x67: {  	_ =	swait.ge [sflag:s10], $0x2800  }
0x68: {  	[sflag:s10] =	ssyncset.done $0x0  }
0x69: {  	[sflag:s10] =	ssyncadd.s32 $0xFFFFD800  }
0x6a: {  	[spmem:s2] =	stream.indirect.scatter.add.f32 [tilespmem:s0], [sflag:$0x7], $0x80, s11, s30, $0xb8;
	[tilespmem:$0x1BB00] =	vst v63  }
0x6b: {  	_ =	swait.ge [sflag:s25], $0x2800  }
0x6c: {  	[sflag:s25] =	ssyncset.done $0x0  }
0x6d: {  	s18 =	sadd.s32 $0x0, s22;
	[sflag:s25] =	ssyncadd.s32 $0xFFFFD800  }
0x6e: {  	[tilespmem:s26], [sflag:$0x2] =	stream.linear.gather [hbm4b:s18+s3], $0x100, $0x38;
	[tilespmem:$0x1BB00] =	vst v63  }
0x6f: {  	_ =	swait.ge [sflag:s29], $0x100  }
0x70: {  	[sflag:s29] =	ssyncset.done $0x0  }
0x71: {  	[sflag:s29] =	ssyncadd.s32 $0xFFFFFF00  }
0x72: {  	[tilespmem:s24], [sflag:$0x4] =	stream.indirect.gather [hbm4b:s4+s30], $0x80, s3, s30, $0xb8;
	[tilespmem:$0x1BB00] =	vst v63  }
0x73: {  	_ =	swait.ge [sflag:s13], $0x2800  }
0x74: {  	[sflag:s13] =	ssyncset.done $0x0  }
0x75: {  	[sflag:s13] =	ssyncadd.s32 $0xFFFFD800  }
0x76: {  	[spmem:s2] =	stream.indirect.scatter.add.f32 [tilespmem:s9], [sflag:$0x7], $0x80, s14, s30, $0xb8;
	[tilespmem:$0x1BB00] =	vst v63  }
0x77: {  	_ =	swait.ge [sflag:s25], $0x2800  }
0x78: {  	[sflag:s25] =	ssyncset.done $0x0  }
0x79: {  	s19 =	sadd.s32 $0x0, s21;
	[sflag:s25] =	ssyncadd.s32 $0xFFFFD800  }
0x7a: {  	[tilespmem:s28], [sflag:$0x3] =	stream.linear.gather [hbm4b:s19+s3], $0x100, $0x38;
	[tilespmem:$0x1BB00] =	vst v63  }
0x7b: {  	_ =	swait.ge [sflag:s31], $0x100  }
0x7c: {  	[sflag:s31] =	ssyncset.done $0x0  }
0x7d: {  	s17 =	sadd.s32 $0x300, s23;
	s16 =	simm.s32 $0x60;
	[sflag:s31] =	ssyncadd.s32 $0xFFFFFF00  }
.LBB2_4:
0x7e: {  	[tilespmem:s0], [sflag:$0x5] =	stream.indirect.gather [hbm4b:s4+s30], $0x80, s26, s30, $0xb8;
	[tilespmem:$0x1BB00] =	vst v63  }
0x7f: {  	s18 =	smov.u32 s16  }
0x80: {  	p0 =	sne.s32 s16, $0xEA0;
	s16 =	sadd.s32 $0x60, s16;
	_ =	swait.ge [sflag:s1], $0x2800  }
0x81: {  	[sflag:s1] =	ssyncset.done $0x0  }
0x82: {  	[sflag:s1] =	ssyncadd.s32 $0xFFFFD800  }
0x83: {  	[spmem:s2] =	stream.indirect.scatter.add.f32 [tilespmem:s24], [sflag:$0x7], $0x80, s7, s30, $0xb8;
	[tilespmem:$0x1BB00] =	vst v63  }
0x84: {  	_ =	swait.ge [sflag:s25], $0x2800  }
0x85: {  	s19 =	sshrl.u32 s17, $0x3;
	[sflag:s25] =	ssyncset.done $0x0  }
0x86: {  	s19 =	sadd.s32 s5, s19;
	[sflag:s25] =	ssyncadd.s32 $0xFFFFD800  }
0x87: {  	[tilespmem:s3], [sflag:$0x1] =	stream.linear.gather [hbm4b:s19+s3], $0x100, $0x38;
	[tilespmem:$0x1BB00] =	vst v63  }
0x88: {  	_ =	swait.ge [sflag:s8], $0x100  }
0x89: {  	[sflag:s8] =	ssyncset.done $0x0  }
0x8a: {  	[sflag:s8] =	ssyncadd.s32 $0xFFFFFF00  }
0x8b: {  	[tilespmem:s9], [sflag:$0x6] =	stream.indirect.gather [hbm4b:s4+s30], $0x80, s28, s30, $0xb8;
	[tilespmem:$0x1BB00] =	vst v63  }
0x8c: {  	_ =	swait.ge [sflag:s10], $0x2800  }
0x8d: {  	[sflag:s10] =	ssyncset.done $0x0  }
0x8e: {  	[sflag:s10] =	ssyncadd.s32 $0xFFFFD800  }
0x8f: {  	[spmem:s2] =	stream.indirect.scatter.add.f32 [tilespmem:s0], [sflag:$0x7], $0x80, s11, s30, $0xb8;
	[tilespmem:$0x1BB00] =	vst v63  }
0x90: {  	_ =	swait.ge [sflag:s25], $0x2800  }
0x91: {  	[sflag:s25] =	ssyncset.done $0x0  }
0x92: {  	s19 =	sadd.s32 s18, s22;
	[sflag:s25] =	ssyncadd.s32 $0xFFFFD800  }
0x93: {  	[tilespmem:s26], [sflag:$0x2] =	stream.linear.gather [hbm4b:s19+s3], $0x100, $0x38;
	[tilespmem:$0x1BB00] =	vst v63  }
0x94: {  	_ =	swait.ge [sflag:s29], $0x100  }
0x95: {  	[sflag:s29] =	ssyncset.done $0x0  }
0x96: {  	[sflag:s29] =	ssyncadd.s32 $0xFFFFFF00  }
0x97: {  	[tilespmem:s24], [sflag:$0x4] =	stream.indirect.gather [hbm4b:s4+s30], $0x80, s3, s30, $0xb8;
	[tilespmem:$0x1BB00] =	vst v63  }
0x98: {  	_ =	swait.ge [sflag:s13], $0x2800  }
0x99: {  	[sflag:s13] =	ssyncset.done $0x0  }
0x9a: {  	[sflag:s13] =	ssyncadd.s32 $0xFFFFD800  }
0x9b: {  	[spmem:s2] =	stream.indirect.scatter.add.f32 [tilespmem:s9], [sflag:$0x7], $0x80, s14, s30, $0xb8;
	[tilespmem:$0x1BB00] =	vst v63  }
0x9c: {  	_ =	swait.ge [sflag:s25], $0x2800  }
0x9d: {  	[sflag:s25] =	ssyncset.done $0x0  }
.Ltmp1:
0x9e: {  	s18 =	sadd.s32 s18, s21;
	[sflag:s25] =	ssyncadd.s32 $0xFFFFD800;
	(pc) =	sbr.rel @p0 .LBB2_4-.Ltmp1, $4  }
0x9f: {  	[tilespmem:s28], [sflag:$0x3] =	stream.linear.gather [hbm4b:s18+s3], $0x100, $0x38;
	[tilespmem:$0x1BB00] =	vst v63  }
0xa0: {  	_ =	swait.ge [sflag:s31], $0x100  }
0xa1: {  	[sflag:s31] =	ssyncset.done $0x0  }
0xa2: {  	s17 =	sadd.s32 $0x300, s17;
	[sflag:s31] =	ssyncadd.s32 $0xFFFFFF00  }
0xa3: {  	[tilespmem:s0], [sflag:$0x5] =	stream.indirect.gather [hbm4b:s4+s30], $0x80, s26, s30, $0xb8;
	[tilespmem:$0x1BB00] =	vst v63  }
0xa4: {  	_ =	swait.ge [sflag:s1], $0x2800  }
0xa5: {  	[sflag:s1] =	ssyncset.done $0x0  }
0xa6: {  	[sflag:s1] =	ssyncadd.s32 $0xFFFFD800  }
0xa7: {  	[spmem:s2] =	stream.indirect.scatter.add.f32 [tilespmem:s24], [sflag:$0x7], $0x80, s7, s30, $0xb8;
	[tilespmem:$0x1BB00] =	vst v63  }
0xa8: {  	_ =	swait.ge [sflag:s25], $0x2800  }
0xa9: {  	[sflag:s25] =	ssyncset.done $0x0  }
0xaa: {  	s16 =	rddreg [dreg:$0xc];
	[sflag:s25] =	ssyncadd.s32 $0xFFFFD800  }
0xab: {  	[tilespmem:s3], [sflag:$0x1] =	stream.linear.gather [hbm4b:s16+s3], $0x100, $0x38;
	[tilespmem:$0x1BB00] =	vst v63  }
0xac: {  	_ =	swait.ge [sflag:s8], $0x100  }
0xad: {  	[sflag:s8] =	ssyncset.done $0x0  }
0xae: {  	[sflag:s8] =	ssyncadd.s32 $0xFFFFFF00  }
0xaf: {  	[tilespmem:s9], [sflag:$0x6] =	stream.indirect.gather [hbm4b:s4+s30], $0x80, s28, s30, $0xb8;
	[tilespmem:$0x1BB00] =	vst v63  }
0xb0: {  	_ =	swait.ge [sflag:s10], $0x2800  }
0xb1: {  	[sflag:s10] =	ssyncset.done $0x0  }
0xb2: {  	[sflag:s10] =	ssyncadd.s32 $0xFFFFD800  }
0xb3: {  	[spmem:s2] =	stream.indirect.scatter.add.f32 [tilespmem:s0], [sflag:$0x7], $0x80, s11, s30, $0xb8;
	[tilespmem:$0x1BB00] =	vst v63  }
0xb4: {  	_ =	swait.ge [sflag:s25], $0x2800  }
0xb5: {  	[sflag:s25] =	ssyncset.done $0x0  }
0xb6: {  	s18 =	rddreg [dreg:$0xd];
	[sflag:s25] =	ssyncadd.s32 $0xFFFFD800  }
0xb7: {  	[tilespmem:s26], [sflag:$0x2] =	stream.linear.gather [hbm4b:s18+s3], $0x100, $0x38;
	[tilespmem:$0x1BB00] =	vst v63  }
0xb8: {  	_ =	swait.ge [sflag:s29], $0x100  }
0xb9: {  	[sflag:s29] =	ssyncset.done $0x0  }
0xba: {  	[sflag:s29] =	ssyncadd.s32 $0xFFFFFF00  }
0xbb: {  	[tilespmem:s24], [sflag:$0x4] =	stream.indirect.gather [hbm4b:s4+s30], $0x80, s3, s30, $0xb8;
	[tilespmem:$0x1BB00] =	vst v63  }
0xbc: {  	_ =	swait.ge [sflag:s13], $0x2800  }
0xbd: {  	[sflag:s13] =	ssyncset.done $0x0  }
0xbe: {  	[sflag:s13] =	ssyncadd.s32 $0xFFFFD800  }
0xbf: {  	[spmem:s2] =	stream.indirect.scatter.add.f32 [tilespmem:s9], [sflag:$0x7], $0x80, s14, s30, $0xb8;
	[tilespmem:$0x1BB00] =	vst v63  }
0xc0: {  	_ =	swait.ge [sflag:s25], $0x2800  }
0xc1: {  	[sflag:s25] =	ssyncset.done $0x0  }
0xc2: {  	[sflag:s25] =	ssyncadd.s32 $0xFFFFD800  }
0xc3: {  	_ =	swait.ge [sflag:s31], $0x100  }
0xc4: {  	[sflag:s31] =	ssyncset.done $0x0  }
0xc5: {  	[sflag:s31] =	ssyncadd.s32 $0xFFFFFF00  }
0xc6: {  	[tilespmem:s0], [sflag:$0x5] =	stream.indirect.gather [hbm4b:s4+s30], $0x80, s26, s30, $0xb8;
	[tilespmem:$0x1BB00] =	vst v63  }
0xc7: {  	_ =	swait.ge [sflag:s1], $0x2800  }
0xc8: {  	[sflag:s1] =	ssyncset.done $0x0  }
0xc9: {  	[sflag:s1] =	ssyncadd.s32 $0xFFFFD800  }
0xca: {  	[spmem:s2] =	stream.indirect.scatter.add.f32 [tilespmem:s24], [sflag:$0x7], $0x80, s7, s30, $0xb8;
	[tilespmem:$0x1BB00] =	vst v63  }
0xcb: {  	_ =	swait.ge [sflag:s25], $0x2800  }
0xcc: {  	[sflag:s25] =	ssyncset.done $0x0  }
0xcd: {  	[sflag:s25] =	ssyncadd.s32 $0xFFFFD800  }
0xce: {  	_ =	swait.ge [sflag:s10], $0x2800  }
0xcf: {  	[sflag:s10] =	ssyncset.done $0x0  }
0xd0: {  	[sflag:s10] =	ssyncadd.s32 $0xFFFFD800  }
0xd1: {  	[spmem:s2] =	stream.indirect.scatter.add.f32 [tilespmem:s0], [sflag:$0x7], $0x80, s11, s30, $0xb8;
	[tilespmem:$0x1BB00] =	vst v63  }
0xd2: {  	_ =	swait.ge [sflag:s25], $0x2800  }
0xd3: {  	s19 =	stileid.u32;
	[sflag:s25] =	ssyncset.done $0x0  }
0xd4: {  	s17 =	sshrl.u32 s6, $0x3;
	s15 =	sadd.s32 $0x1, s15;
	[sflag:s25] =	ssyncadd.s32 $0xFFFFD800  }
0xd5: {  	p0 =	sne.s32 s15, s20;
	s16 =	sshll.u32 s19, $0x6;
	[bflag:$0x0] =	sbarrier.arrive $0xFFFF  }
.Ltmp2:
0xd6: {  	s16 =	sor.u32 $0x1C07, s16;
	s18 =	rddreg [dreg:$0xe];
	(pc) =	sbr.rel @p0 .LBB2_1-.Ltmp2, $4  }
0xd7: {  	[hbm:s18], [sflag:s16] =	dma.local [spmem:s17], $0x2800  }
0xd8: {  	_ =	swait.ge [sflag:s25], $0x2800  }
0xd9: {  	[sflag:s25] =	ssyncset.done $0x0  }
0xda: {  	[sflag:s25] =	ssyncadd.s32 $0xFFFFD800  }
0xdb: {  	_ =	sfence.sel $0x180000  }
0xdc: {  	[bflag:$0x0] =	sbarrier.arrive $0xFFFF  }
0xdd: {  	_ =	strace $0x9000004D  }
0xde: {  	s0 =	stileid.u32;
	[bflag:$0x2] =	sbarrier.arrive $0xFFFF  }
0xdf: {  	p0 =	sne.s32 s0, $0x0;
	s0 =	rddreg [dreg:$0x2]  }
0xe0: {  	s0 =	sadd.s32 @!p0 $0x100000, s0  }
0xe1: {  	[sflag:s0] =	ssyncadd.tile.s32 @!p0 $0x1;
	_ =	shalt  }
.Lfunc_end2:
_tile_overlayer_lowered:
.L_overlay_start_2:
0xe2: {  	(tag) =	ssettag $0x2  }
0xe3: {  	s0 =	rddreg [dreg:$0x0];
	s2 =	stileid.u32  }
0xe4: {  	s1 =	rddreg [dreg:$0x1];
	p0 =	sne.s32 s2, $0x0  }
0xe5: {  	s3 =	rddreg [dreg:$0x2];
	[bflag:$0x3] =	sbarrier.arrive $0xFFFF;
	s2 =	simm.s32 @!p0 $0x1C07  }
0xe6: {  	[timem:s3], [sflag:s2] =	dma.local @!p0 [hbm:s0], s1  }
0xe7: {  	s0 =	simm.s32 @!p0 $0x7  }
0xe8: {  	_ =	swait.ge @!p0 [sflag:s0], s1  }
0xe9: {  	s1 =	ssub.s32 @!p0 $0x0, s1;
	[sflag:s0] =	ssyncset.done @!p0 $0x0  }
0xea: {  	[sflag:s0] =	ssyncadd.s32 @!p0 s1  }
0xeb: {  	[bflag:$0x3] =	sbarrier.arrive $0xFFFF  }
0xec: {  	_ =	shalt  }

// kernel: kernel.8.cloned.1.call-start
scs
__scs_entry_jumppad:
0x0: {  	(pc) =	sbr.rel $0x88, $3  }
0x1: {  	(tag) =	ssettag $0x0;
	lr =	simm.s32 $0x1  }
0x2: {  	[smem:$0x3F95] =	sst lr;
	_ =	strace $0xD0000000  }
0x3: {  	_ = 	snop  }
0x4: {  	_ = 	snop  }
0x5: {  	_ = 	snop  }
0x6: {  	_ = 	snop  }
0x7: {  	_ = 	snop  }
__scs_overlays_trampoline_lowered:
0x8: {  	[smem:$0x3FA4] =	sst s0  }
0x9: {  	[smem:$0x3FA5] =	sst s1  }
0xa: {  	[smem:$0x3FA6] =	sst s2  }
0xb: {  	[smem:$0x3FA7] =	sst s3  }
0xc: {  	[smem:$0x3FA8] =	sst s4  }
0xd: {  	[smem:$0x3FA9] =	sst s5  }
0xe: {  	[smem:$0x3FAA] =	sst s6  }
0xf: {  	[smem:$0x3FAB] =	sst s7  }
0x10: {  	[smem:$0x3FAC] =	sst s8  }
0x11: {  	[smem:$0x3FAD] =	sst s9;
	s0 =	simm.s32 @!p0 $0x0  }
0x12: {  	s1 =	sld [smem:$0x3F93];
	s0 =	simm.s32 @p0 $0x1  }
0x13: {  	[smem:$0x3FAE] =	sst s0;
	s0 =	simm.s32 @!p1 $0x0  }
0x14: {  	s2 =	sld [smem:$0x3F92];
	s0 =	simm.s32 @p1 $0x1  }
0x15: {  	[smem:$0x3FAF] =	sst s0;
	s0 =	simm.s32 @!p2 $0x0  }
0x16: {  	s3 =	sld [smem:$0x3FDB];
	s0 =	simm.s32 @p2 $0x1  }
0x17: {  	s4 =	simm.s32 $0x1BF5;
	[smem:$0x3FB1] =	sst s0  }
0x18: {  	s0 =	sld [smem:$0x3F94];
	_ =	swait.ge [sflag:s4], $0x0  }
0x19: {  	s7 =	sld [smem:$0x3F95]  }
0x1a: {  	s8 =	sadd.s32 $0xFFFFE003, lr  }
0x1b: {  	s9 =	sadd.s32 $0xFFFFFEF7, lr;
	s5 =	simm.s32 $0xFFFFFFFF;
	p2 =	slt.u32 s8, $0xFFFFF086  }
0x1c: {  	p1 =	slt.u32 s9, $0xF7A;
	s5 =	simm.s32 @!p2 $0x0  }
0x1d: {  	s5 =	simm.s32 @p1 $0x1;
	p0 =	seq.s32 s7, s2  }
0x1e: {  	s7 =	smul.u32 @!p0 $0xF7A, s2;
	p2 =	seq.s32 @!p0 s5, $0x0  }
0x1f: {  	s9 =	smul.u32 $0xF7A, s1;
	s8 =	simm.s32 @!p0 $0x1BF5;
	p2 =	por !p2, p0  }
0x20: {  	[sflag:s8] =	ssyncset.s32 @!p0 $0xFFFFF086;
	s6 =	sadd.s32 @!p0 s3, s7;
	s7 =	simm.s32 @!p0 $0x108  }
0x21: {  	s3 =	sadd.s32 s3, s9;
	s6 =	sadd.s32 @!p0 $0x88, s6;
	s7 =	simm.s32 @p2 $0x1082  }
0x22: {  	[simem:s7], [sflag:s8] =	dma.local @!p0 [hbm:s6], $0xF7A  }
0x23: {  	s9 =	sor.u32 $0xD0000000, s2;
	s6 =	simm.s32 $0x108;
	_ =	swait.ge @!p0 [sflag:s8], $0x0  }
0x24: {  	s3 =	sadd.s32 $0x88, s3;
	s6 =	simm.s32 @!p1 $0x1082;
	[sflag:s4] =	ssyncset.s32 $0xFFFFF086  }
0x25: {  	[simem:s6], [sflag:s4] =	dma.local [hbm:s3], $0xF7A  }
0x26: {  	[smem:$0x3F95] =	sst s1;
	(tag) =	ssettag s2;
	_ =	strace s9  }
0x27: {  	s1 =	sld [smem:$0x3FA5]  }
0x28: {  	s2 =	sld [smem:$0x3FA6]  }
0x29: {  	s4 =	sld [smem:$0x3FA8]  }
0x2a: {  	p0 =	seq.s32 s5, $0x0;
	s5 =	sld [smem:$0x3FA9]  }
0x2b: {  	s6 =	sld [smem:$0x3FAA]  }
0x2c: {  	s7 =	sld [smem:$0x3FAB]  }
0x2d: {  	s3 =	simm.s32 $0x108;
	s8 =	sld [smem:$0x3FAC]  }
0x2e: {  	s3 =	simm.s32 @!p0 $0x1082;
	s9 =	sld [smem:$0x3FAD]  }
0x2f: {  	lr =	sadd.s32 s0, s3;
	s0 =	sld [smem:$0x3FA4]  }
0x30: {  	s3 =	sld [smem:$0x3FA7]  }
0x31: {  	[smem:$0x3FB0] =	sst s10  }
0x32: {  	s10 =	sld [smem:$0x3FAE];
	_ =	sdelay $0x3  }
0x33: {  	p0 =	seq.s32 s10, $0x1;
	s10 =	sld [smem:$0x3FB0];
	_ =	sdelay $0x3  }
0x34: {  	[smem:$0x3FB0] =	sst s10  }
0x35: {  	s10 =	sld [smem:$0x3FAF];
	_ =	sdelay $0x3  }
0x36: {  	p1 =	seq.s32 s10, $0x1;
	s10 =	sld [smem:$0x3FB0];
	_ =	sdelay $0x3  }
0x37: {  	[smem:$0x3FB0] =	sst s10  }
0x38: {  	s10 =	sld [smem:$0x3FB1]  }
0x39: {  	_ = 	snop;
	(pc) =	sbr.ind lr, $3  }
0x3a: {  	_ = 	snop  }
0x3b: {  	_ = 	snop  }
0x3c: {  	p2 =	seq.s32 s10, $0x1;
	s10 =	sld [smem:$0x3FB0]  }
0x3d: {  	_ =	shalt  }
0x3e: {  	_ =	shalt  }
0x3f: {  	_ =	shalt  }
0x40: {  	_ =	shalt  }
0x41: {  	_ =	shalt  }
0x42: {  	_ =	shalt  }
0x43: {  	_ =	shalt  }
0x44: {  	_ =	shalt  }
0x45: {  	_ =	shalt  }
0x46: {  	_ =	shalt  }
0x47: {  	_ =	shalt  }
0x48: {  	_ =	shalt  }
0x49: {  	_ =	shalt  }
0x4a: {  	_ =	shalt  }
0x4b: {  	_ =	shalt  }
0x4c: {  	_ =	shalt  }
0x4d: {  	_ =	shalt  }
0x4e: {  	_ =	shalt  }
0x4f: {  	_ =	shalt  }
0x50: {  	_ =	shalt  }
0x51: {  	_ =	shalt  }
0x52: {  	_ =	shalt  }
0x53: {  	_ =	shalt  }
0x54: {  	_ =	shalt  }
0x55: {  	_ =	shalt  }
0x56: {  	_ =	shalt  }
0x57: {  	_ =	shalt  }
0x58: {  	_ =	shalt  }
0x59: {  	_ =	shalt  }
0x5a: {  	_ =	shalt  }
0x5b: {  	_ =	shalt  }
0x5c: {  	_ =	shalt  }
0x5d: {  	_ =	shalt  }
0x5e: {  	_ =	shalt  }
0x5f: {  	_ =	shalt  }
0x60: {  	_ =	shalt  }
0x61: {  	_ =	shalt  }
0x62: {  	_ =	shalt  }
0x63: {  	_ =	shalt  }
0x64: {  	_ =	shalt  }
0x65: {  	_ =	shalt  }
0x66: {  	_ =	shalt  }
0x67: {  	_ =	shalt  }
0x68: {  	_ =	shalt  }
0x69: {  	_ =	shalt  }
0x6a: {  	_ =	shalt  }
0x6b: {  	_ =	shalt  }
0x6c: {  	_ =	shalt  }
0x6d: {  	_ =	shalt  }
0x6e: {  	_ =	shalt  }
0x6f: {  	_ =	shalt  }
0x70: {  	_ =	shalt  }
0x71: {  	_ =	shalt  }
0x72: {  	_ =	shalt  }
0x73: {  	_ =	shalt  }
0x74: {  	_ =	shalt  }
0x75: {  	_ =	shalt  }
0x76: {  	_ =	shalt  }
0x77: {  	_ =	shalt  }
0x78: {  	_ =	shalt  }
0x79: {  	_ =	shalt  }
0x7a: {  	_ =	shalt  }
0x7b: {  	_ =	shalt  }
0x7c: {  	_ =	shalt  }
0x7d: {  	_ =	shalt  }
0x7e: {  	_ =	shalt  }
0x7f: {  	_ =	shalt  }
0x80: {  	_ =	shalt  }
0x81: {  	_ =	shalt  }
0x82: {  	_ =	shalt  }
0x83: {  	_ =	shalt  }
0x84: {  	_ =	shalt  }
0x85: {  	_ =	shalt  }
0x86: {  	_ =	shalt  }
0x87: {  	_ =	shalt  }
.Lfunc_end0:
.L_simem_size_0:
called_computation_lowered:
.L_overlay_start_0:
0x88: {  	s2 =	sld [smem:$0x3FD9]  }
0x89: {  	s3 =	sld [smem:$0x3FFE];
	_ =	sdelay $0x1  }
0x8a: {  	s1 =	srdreg.scid  }
0x8b: {  	s0 =	sand.u32 $0x1, s1  }
0x8c: {  	s16 =	sshll.u32 s0, $0xA;
	s2 =	sadd.s32 s3, s2  }
0x8d: {  	s2 =	sadd.s32 s2, s16  }
0x8e: {  	[smem:$0x3FBC] =	sst s2  }
0x8f: {  	_ = 	snop  }
0x90: {  	(tm) =	ssettm $0x1  }
0x91: {  	s17 =	sld [smem:$0x3FFB];
	_ =	sdelay $0x3  }
0x92: {  	_ =	strace s17  }
0x93: {  	s2 =	sld [smem:$0x3FFC];
	_ =	sdelay $0x3  }
0x94: {  	_ =	strace s2  }
0x95: {  	s2 =	sld [smem:$0x3FFD];
	_ =	sdelay $0x3  }
0x96: {  	_ =	strace s2  }
0x97: {  	_ =	strace $0x8FFFFFFF  }
0x98: {  	s18 =	sld [smem:$0x3FDB];
	_ =	sdelay $0x1  }
0x99: {  	s19 =	simm.s32 $_scs_section_size  }
0x9a: {  	s4 =	simm.s32 $_size__tile_overlayer_lowered;
	s5 =	simm.s32 $_tile_overlayer_lowered  }
0x9b: {  	s22 =	simm.s32 $0x1BFF;
	s21 =	sshll.u32 s5, $0x1;
	s2 =	sadd.s32 s19, s18  }
0x9c: {  	s6 =	simm.s32 $0x0;
	s20 =	sshll.u32 s4, $0x1;
	s4 =	sadd.s32 s21, s2  }
0x9d: {  	[timem:s6], [sflag:s22] =	dma.local [hbm:s4], s20  }
0x9e: {  	_ =	swait.ge [sflag:s22], s20  }
0x9f: {  	s3 =	ssub.s32 $0x0, s20;
	[sflag:s22] =	ssyncset.done $0x0  }
0xa0: {  	[sflag:s22] =	ssyncadd.s32 s3;
	_ =	sdelay $0x1  }
0xa1: {  	s23 =	simm.s32 $0x1B8B  }
0xa2: {  	_ =	swait.ge [sflag:s23], $0x1  }
0xa3: {  	[sflag:s23] =	ssyncset.done $0x0  }
0xa4: {  	s25 =	simm.s32 $0x1B8E;
	s24 =	sld [smem:$0x3FFE];
	[sflag:s23] =	ssyncadd.s32 $0xFFFFFFFF  }
0xa5: {  	s26 =	simm.s32 $execute0_lowered;
	[smem:$0x3FD2] =	sst s25  }
0xa6: {  	s4 =	sshll.u32 s26, $0x1;
	_ =	strace $0x80000046;
	[dreg:$0x1] =	wrdreg $0xFFFFFFFF  }
0xa7: {  	s28 =	simm.s32 $_size_execute0_lowered;
	s2 =	sadd.s32 s2, s4;
	[dreg:$0x0] =	wrdreg $0x0  }
0xa8: {  	s4 =	sshll.u32 s28, $0x1;
	[dreg:$0x2] =	wrdreg s2  }
0xa9: {  	[dreg:$0x3] =	wrdreg s4  }
0xaa: {  	[dreg:$0x4] =	wrdreg $0xC0  }
0xab: {  	_ =	task [dreg:s6], $0x5FFFF  }
0xac: {  	[dreg:$0x1] =	wrdreg $0xFFFFFFFF  }
0xad: {  	[dreg:$0x0] =	wrdreg $0x60  }
0xae: {  	[dreg:$0x2] =	wrdreg s24  }
0xaf: {  	[dreg:$0x3] =	wrdreg $0x9  }
0xb0: {  	_ =	task.clear_ibuf [dreg:s6], $0x4FFFF;
	_ =	strace $0x90000046  }
0xb1: {  	s29 =	simm.s32 $0x9;
	_ =	strace $0x80000048  }
0xb2: {  	_ =	swait.ge [sflag:s29], $0x1  }
0xb3: {  	[sflag:s29] =	ssyncadd.s32 $0xFFFFFFFF  }
0xb4: {  	_ =	strace $0x90000048  }
0xb5: {  	_ =	sfence  }
0xb6: {  	s30 =	sld [smem:$0x0];
	_ =	sdelay $0x2  }
0xb7: {  	s31 =	sshll.u32 s1, $0xD;
	s1 =	sshrl.u32 s1, $0x2  }
0xb8: {  	s3 =	sand.u32 $0x4000, s31;
	s1 =	sadd.s32 s1, s30  }
0xb9: {  	s0 =	sor.u32 s3, s0;
	s1 =	sshll.u32 s1, $0x11  }
0xba: {  	s0 =	sor.u32 s1, s0  }
0xbb: {  	s0 =	sadd.s32 $0x8F2B, s0  }
0xbc: {  	[sflag:s0] =	ssyncadd.remote.s32 $0x1  }
0xbd: {  	_ =	sfence.sel $0xFFFF  }
0xbe: {  	[dreg:$0x0] =	wrdreg $0xFFFFFFFF;
	(pc) =	sbr.abs _section_cstart, $3  }
0xbf: {  	[dreg:$0x1] =	wrdreg $0xFFFFFFFF  }
0xc0: {  	_ =	task.clear_ibuf [dreg:s6], $0x2FFFF;
	_ =	strace $0x9FFFFFFF  }
0xc1: {  	(tm) =	ssettm $0x7FFFFFFF  }
tec
execute0_lowered:
.L_overlay_start_1:
0x0: {  	(tag) =	ssettag $0x1  }
0x1: {  	s0 =	srdreg.scid  }
0x2: {  	s3 =	rddreg [dreg:$0x0];
	s1 =	stileid.u32;
	s2 =	simm.s32 $0x0  }
0x3: {  	s9 =	simm.s32 $0x400;
	s4 =	sand.u32 $0x1, s0;
	s0 =	rddreg [dreg:$0x1]  }
0x4: {  	s6 =	sshrl.u32 s1, $0x3;
	s7 =	sshll.u32 s1, $0x1;
	s5 =	smul.u32 $0x28000, s4  }
0x5: {  	[smem:$0x7FF] =	sst s2;
	s8 =	sshll.u32 s1, $0x7;
	s6 =	smul.u32 $0x14000, s6  }
0x6: {  	s7 =	sor.u32 s4, s7;
	s29 =	sand.u32 $0x380, s8;
	_ =	strace $0x80000047  }
0x7: {  	s4 =	ssub.s32 $0x2, s4;
	s7 =	smul.u32 $0x4E2, s7;
	s5 =	sadd.s32 s5, s6  }
0x8: {  	s8 =	simm.s32 $0x80;
	s31 =	sshrl.u32 s4, $0x1;
	s5 =	sor.u32 s29, s5  }
0x9: {  	s6 =	simm.s32 $0x1;
	s30 =	sadd.s32 s7, s3;
	s5 =	sshrl.u32 s5, $0x3  }
0xa: {  	s7 =	ssub.s32 s4, s31;
	s5 =	sadd.s32 s5, s3;
	s3 =	sadd.s32 $0x3000, s30  }
0xb: {  	v0 =	vimm.f32 $0.0e+00;
	v1 =	vimm.f32 $1.000000000e+00;
	s4 =	sadd.s32 $0xCE00, s5;
	s5 =	smax.u32 s7, $0x1;
	s7 =	simm.s32 $0x2780  }
.LBB2_1:
0xc: {  	s10 =	simm.s32 $0x40;
	s11 =	simm.s32 $0x0  }
.LBB2_2:
0xd: {  	p0 =	sne.s32 s10, $0x9FC0;
	[tilespmem:s11+$0x2780] =	vst v0;
	s11 =	smov.u32 s10;
	s10 =	sadd.s32 $0x40, s10  }
.Ltmp0:
0xe: {  	(pc) =	sbr.rel @p0 .LBB2_2-.Ltmp0, $2  }
0xf: {  	_ =	sdelay $0x2  }
0x10: {  	s11 =	sshra.s32 s11, $0x2  }
0x11: {  	[tilespmem:s11+$0x2780] =	vst v0;
	s10 =	simm.s32 $0x0  }
0x12: {  	[tilespmem:s10], [sflag:$0x1] =	stream.linear.gather [hbm4b:s3+s10], $0x2710, $0x38;
	[tilespmem:$0x4F80] =	vst v63  }
0x13: {  	_ =	swait.ge [sflag:s6], $0x2710  }
0x14: {  	[sflag:s6] =	ssyncset.done $0x0  }
0x15: {  	s11 =	simm.s32 $0x0;
	s10 =	simm.s32 $0x40;
	[sflag:s6] =	ssyncadd.s32 $0xFFFFD8F0  }
.LBB2_4:
0x16: {  	p0 =	sne.s32 s10, $0x9C00;
	v2 =	vld [tilespmem:s11+$0x0];
	_ =	sdelay $0x3  }
.Ltmp1:
0x17: {  	(pc) =	sbr.rel @p0 .LBB2_4-.Ltmp1, $2  }
0x18: {  	_ =	sdelay $0x2  }
0x19: {  	s11 =	sshra.s32 s10, $0x2;
	s10 =	sadd.s32 $0x40, s10;
	[tilespmem:v2+s7+$0x0] =	vst.idx.add.f32.msk $0xffff, v1  }
0x1a: {  	v2 =	vld [tilespmem:s11+$0x0];
	_ =	sdelay $0x5  }
0x1b: {  	s2 =	sadd.s32 $0x1, s2  }
0x1c: {  	p0 =	sne.s32 s2, s5  }
.Ltmp2:
0x1d: {  	[tilespmem:v2+s7+$0x0] =	vst.idx.add.f32.msk $0xffff, v1;
	(pc) =	sbr.rel @p0 .LBB2_1-.Ltmp2, $4  }
0x1e: {  	[hbm4b:s4+s8] =	stream.strided.scatter [tilespmem:s7], [sflag:$0x1], $0x2800, s9, s8, $0x38;
	[tilespmem:$0x4F80] =	vst v63  }
0x1f: {  	_ =	swait.ge [sflag:s6], $0x2800  }
0x20: {  	[sflag:s6] =	ssyncset.done $0x0  }
0x21: {  	[sflag:s6] =	ssyncadd.s32 $0xFFFFD800  }
0x22: {  	_ =	sfence.sel $0x180000  }
0x23: {  	[bflag:$0x0] =	sbarrier.arrive $0xFFFF  }
0x24: {  	p0 =	sne.s32 s1, $0x0;
	_ =	strace $0x90000047  }
0x25: {  	s0 =	sadd.s32 @!p0 $0x100000, s0;
	[bflag:$0x2] =	sbarrier.arrive $0xFFFF  }
0x26: {  	[sflag:s0] =	ssyncadd.tile.s32 @!p0 $0x1;
	_ =	shalt  }
.Lfunc_end2:
_tile_overlayer_lowered:
.L_overlay_start_2:
0x27: {  	(tag) =	ssettag $0x2  }
0x28: {  	s0 =	rddreg [dreg:$0x0];
	s2 =	stileid.u32  }
0x29: {  	s1 =	rddreg [dreg:$0x1];
	p0 =	sne.s32 s2, $0x0  }
0x2a: {  	s3 =	rddreg [dreg:$0x2];
	[bflag:$0x3] =	sbarrier.arrive $0xFFFF;
	s2 =	simm.s32 @!p0 $0x1C01  }
0x2b: {  	[timem:s3], [sflag:s2] =	dma.local @!p0 [hbm:s0], s1  }
0x2c: {  	s0 =	simm.s32 @!p0 $0x1  }
0x2d: {  	_ =	swait.ge @!p0 [sflag:s0], s1  }
0x2e: {  	s1 =	ssub.s32 @!p0 $0x0, s1;
	[sflag:s0] =	ssyncset.done @!p0 $0x0  }
0x2f: {  	[sflag:s0] =	ssyncadd.s32 @!p0 s1  }
0x30: {  	[bflag:$0x3] =	sbarrier.arrive $0xFFFF  }
0x31: {  	_ =	shalt  }

</sc_bundles>
